<compile_context>
chip_gen: v7x
topology: tpu7x:2x2x1
jax: 0.10.2.dev20260603
libtpu: 0.0.44.dev20260713+nightly
codegen_flags: <defaults>
</compile_context>

<pallas_src>
import functools

import jax
import jax.numpy as jnp
from jax import lax
from jax.experimental import pallas as pl
from jax.experimental.pallas import tpu as pltpu
from jax.experimental.pallas import tpu_sc as plsc

ROWS = 8192
DIM = 4096
LANES = 16
NUM_CORES = 2
NUM_SUBCORES = 16
NW = NUM_CORES * NUM_SUBCORES
ROWS_PER_W = ROWS // NW
BLK = 8
NBLK = ROWS_PER_W // BLK
NS = NBLK // 2
NCHUNK = DIM // LANES
HALF = DIM // 2
NHCHUNK = NCHUNK // 2
U = 8


def _permute_body(x_hbm, idx_hbm, out_hbm, idx_v,
                  in_a, in_b, out_h0, out_h1, si_a, si_b, so_h0, so_h1):
    wid = lax.axis_index("s") * NUM_CORES + lax.axis_index("c")
    base = wid * ROWS_PER_W
    pltpu.sync_copy(idx_hbm, idx_v)

    def in_slice(b):
        return x_hbm.at[pl.ds(base + b * BLK, BLK)]

    def out_slice(b, half):
        return out_hbm.at[pl.ds(base + b * BLK, BLK), pl.ds(half * HALF, HALF)]

    def gather_half(in_ref, out_ref, half):
        @plsc.parallel_loop(0, NHCHUNK, step=1, unroll=U)
        def _(j):
            cv = idx_v[pl.ds((half * NHCHUNK + j) * LANES, LANES)]
            for r in range(BLK):
                rv = jnp.full((LANES,), r, jnp.int32)
                vals = plsc.load_gather(in_ref, [rv, cv])
                out_ref[r, pl.ds(j * LANES, LANES)] = vals

    def wait_in(buf, sem):
        pltpu.make_async_copy(in_slice(0), buf, sem).wait()

    def wait_out(buf, half, sem):
        pltpu.make_async_copy(buf, out_slice(0, half), sem).wait()

    def do_block(b, in_buf, in_sem, first):
        if not first:
            wait_out(out_h0, 0, so_h0)
        gather_half(in_buf, out_h0, 0)
        pltpu.async_copy(out_h0, out_slice(b, 0), so_h0)
        if not first:
            wait_out(out_h1, 1, so_h1)
        gather_half(in_buf, out_h1, 1)
        pltpu.async_copy(out_h1, out_slice(b, 1), so_h1)

    pltpu.async_copy(in_slice(0), in_a, si_a)
    pltpu.async_copy(in_slice(1), in_b, si_b)

    wait_in(in_a, si_a)
    do_block(0, in_a, si_a, first=True)
    pltpu.async_copy(in_slice(2), in_a, si_a)
    wait_in(in_b, si_b)
    do_block(1, in_b, si_b, first=False)

    def super_body(s, c):
        b0 = 2 * s

        @pl.when(b0 + 1 < NBLK)
        def _():
            pltpu.async_copy(in_slice(b0 + 1), in_b, si_b)

        wait_in(in_a, si_a)
        do_block(b0, in_a, si_a, first=False)

        @pl.when(b0 + 2 < NBLK)
        def _():
            pltpu.async_copy(in_slice(b0 + 2), in_a, si_a)

        wait_in(in_b, si_b)
        do_block(b0 + 1, in_b, si_b, first=False)
        return c

    lax.fori_loop(1, NS, super_body, 0)

    pltpu.make_async_copy(out_h0, out_slice(0, 0), so_h0).wait()
    pltpu.make_async_copy(out_h1, out_slice(0, 1), so_h1).wait()


@jax.jit
def _permute(x, perm):
    mesh = plsc.VectorSubcoreMesh(core_axis_name="c", subcore_axis_name="s")
    f = functools.partial(
        pl.kernel,
        mesh=mesh,
        out_type=jax.ShapeDtypeStruct((ROWS, DIM), jnp.float32),
        scratch_types=[
            pltpu.VMEM((DIM,), jnp.int32),
            pltpu.VMEM((BLK, DIM), jnp.float32),
            pltpu.VMEM((BLK, DIM), jnp.float32),
            pltpu.VMEM((BLK, HALF), jnp.float32),
            pltpu.VMEM((BLK, HALF), jnp.float32),
            pltpu.SemaphoreType.DMA,
            pltpu.SemaphoreType.DMA,
            pltpu.SemaphoreType.DMA,
            pltpu.SemaphoreType.DMA,
        ],
        compiler_params=pltpu.CompilerParams(needs_layout_passes=False),
    )(_permute_body)
    return f(x, perm)


def kernel(x, shuffled_indices, inverse_indices, reverse):
    perm = jnp.where(jnp.asarray(reverse), inverse_indices, shuffled_indices)
    y = _permute(x, perm)
    objective = jnp.zeros((), dtype=jnp.float32)
    return (y, objective)

# --- scband reference (transcript-rebuilt; emitter-appended) ---
"""Pipeline reference for scband-permute-60790967107758 (READ-ONLY COPY).

The authoritative reference and input builder live on the scoring server;
editing this copy changes nothing except your own understanding.
"""

import jax, jax.numpy as jnp
import numpy as np

DIM = 4096

def setup_inputs(seed: int = 0) -> dict:
    key = jax.random.key(seed)
    kx, kp = jax.random.split(key)
    x = jax.random.normal(kx, (8192, DIM), dtype=jnp.float32)
    # Buffers built in build(): a random permutation of the feature dim and its inverse
    shuffled_indices = jax.random.permutation(kp, jnp.arange(DIM, dtype=jnp.int32))
    inverse_indices = jnp.argsort(shuffled_indices).astype(jnp.int32)
    return {"x": x, "shuffled_indices": shuffled_indices, "inverse_indices": inverse_indices, "reverse": jnp.asarray(False)}

def reference(x, shuffled_indices, inverse_indices, reverse=False):
    y = jnp.where(
        jnp.asarray(reverse),
        jnp.take(x, inverse_indices, axis=-1),
        jnp.take(x, shuffled_indices, axis=-1),
    )
    objective = jnp.zeros((), dtype=jnp.float32)
    return (y, objective)

if __name__ == "__main__":
    import jax
    _d = setup_inputs()
    print(jax.jit(kernel)(*tuple(_d.values())))

</pallas_src>

<mosaic_0001>
#map = affine_map<(d0, d1) -> (0, 0)>
#map1 = affine_map<(d0, d1) -> (0)>
module attributes {stable_mosaic.version = 14 : i64} {
  func.func @_permute_body(%arg0: i32, %arg1: i32, %arg2: memref<8192x4096xf32, #tpu.memory_space<hbm>>, %arg3: memref<4096xi32, #tpu.memory_space<hbm>>, %arg4: memref<8192x4096xf32, #tpu.memory_space<hbm>>, %arg5: memref<4096xi32, #tpu.memory_space<vmem>>, %arg6: memref<8x4096xf32, #tpu.memory_space<vmem>>, %arg7: memref<8x4096xf32, #tpu.memory_space<vmem>>, %arg8: memref<8x2048xf32, #tpu.memory_space<vmem>>, %arg9: memref<8x2048xf32, #tpu.memory_space<vmem>>, %arg10: memref<!tpu.dma_semaphore, #tpu.memory_space<semaphore_mem>>, %arg11: memref<!tpu.dma_semaphore, #tpu.memory_space<semaphore_mem>>, %arg12: memref<!tpu.dma_semaphore, #tpu.memory_space<semaphore_mem>>, %arg13: memref<!tpu.dma_semaphore, #tpu.memory_space<semaphore_mem>>) attributes {dimension_semantics = [#tpu.dimension_semantics<core_parallel>, #tpu.dimension_semantics<subcore_parallel>], iteration_bounds = array<i64: 2, 16>, scalar_prefetch = 0 : i64, scratch_operands = 9 : i64, tpu.core_type = #tpu.core_type<sc_vector_subcore>, window_params = [{transform_indices = #map}, {transform_indices = #map1}, {transform_indices = #map}]} {
    %mul3A = arith.constant 2 : i32
    %mul3A_0 = arith.muli %arg1, %mul3A : i32
    %add3A = arith.addi %mul3A_0, %arg0 : i32
    %mul3A_1 = arith.constant 256 : i32
    %mul3A_2 = arith.muli %add3A, %mul3A_1 : i32
    "tpu.region"() ({
      %run_scoped3A = tpu.sem_alloc : memref<!tpu.dma_semaphore, #tpu.memory_space<semaphore_mem>>
      tpu.enqueue_dma source(%arg3 : memref<4096xi32, #tpu.memory_space<hbm>>) target(%arg5 : memref<4096xi32, #tpu.memory_space<vmem>>) target_semaphore(%run_scoped3A : memref<!tpu.dma_semaphore, #tpu.memory_space<semaphore_mem>>)
      tpu.wait_dma2 semaphore(%run_scoped3A : memref<!tpu.dma_semaphore, #tpu.memory_space<semaphore_mem>>) src(%arg3 : memref<4096xi32, #tpu.memory_space<hbm>>) dst(%arg5 : memref<4096xi32, #tpu.memory_space<vmem>>)
      tpu.yield
    }) : () -> ()
    %add3A_3 = arith.constant 0 : i32
    %add3A_4 = arith.addi %mul3A_2, %add3A_3 : i32
    %dma_start3A = arith.constant 0 : i32
    %dma_start3A_5 = tpu.memref_slice %arg2[%add3A_4, %dma_start3A] : memref<8192x4096xf32, #tpu.memory_space<hbm>> -> memref<8x4096xf32, #tpu.memory_space<hbm>>
    %dma_start3A_6 = arith.constant 0 : i32
    %dma_start3A_7 = tpu.memref_slice %arg2[%add3A_4, %dma_start3A_6] : memref<8192x4096xf32, #tpu.memory_space<hbm>> -> memref<8x4096xf32, #tpu.memory_space<hbm>>
    tpu.enqueue_dma source(%dma_start3A_7 : memref<8x4096xf32, #tpu.memory_space<hbm>>) target(%arg6 : memref<8x4096xf32, #tpu.memory_space<vmem>>) target_semaphore(%arg10 : memref<!tpu.dma_semaphore, #tpu.memory_space<semaphore_mem>>)
    %add3A_8 = arith.constant 8 : i32
    %add3A_9 = arith.addi %mul3A_2, %add3A_8 : i32
    %dma_start3A_10 = arith.constant 0 : i32
    %dma_start3A_11 = tpu.memref_slice %arg2[%add3A_9, %dma_start3A_10] : memref<8192x4096xf32, #tpu.memory_space<hbm>> -> memref<8x4096xf32, #tpu.memory_space<hbm>>
    %dma_start3A_12 = arith.constant 0 : i32
    %dma_start3A_13 = tpu.memref_slice %arg2[%add3A_9, %dma_start3A_12] : memref<8192x4096xf32, #tpu.memory_space<hbm>> -> memref<8x4096xf32, #tpu.memory_space<hbm>>
    tpu.enqueue_dma source(%dma_start3A_13 : memref<8x4096xf32, #tpu.memory_space<hbm>>) target(%arg7 : memref<8x4096xf32, #tpu.memory_space<vmem>>) target_semaphore(%arg11 : memref<!tpu.dma_semaphore, #tpu.memory_space<semaphore_mem>>)
    %add3A_14 = arith.constant 0 : i32
    %add3A_15 = arith.addi %mul3A_2, %add3A_14 : i32
    %dma_wait3A = arith.constant 0 : i32
    %dma_wait3A_16 = tpu.memref_slice %arg2[%add3A_15, %dma_wait3A] : memref<8192x4096xf32, #tpu.memory_space<hbm>> -> memref<8x4096xf32, #tpu.memory_space<hbm>>
    %dma_wait3A_17 = arith.constant 0 : i32
    %dma_wait3A_18 = tpu.memref_slice %arg2[%add3A_15, %dma_wait3A_17] : memref<8192x4096xf32, #tpu.memory_space<hbm>> -> memref<8x4096xf32, #tpu.memory_space<hbm>>
    tpu.wait_dma2 semaphore(%arg10 : memref<!tpu.dma_semaphore, #tpu.memory_space<semaphore_mem>>) src(%dma_wait3A_18 : memref<8x4096xf32, #tpu.memory_space<hbm>>) dst(%arg6 : memref<8x4096xf32, #tpu.memory_space<vmem>>)
    %parallel_loop3A = arith.constant 0 : i32
    %parallel_loop3A_19 = arith.constant 128 : i32
    %parallel_loop3A_20 = arith.constant 1 : i32
    scf.for %parallel_loop3A_95 = %parallel_loop3A to %parallel_loop3A_19 step %parallel_loop3A_20  : i32 {
      %parallel_loop3A_96 = arith.constant 0 : i32
      %parallel_loop3A_97 = arith.addi %parallel_loop3A_96, %parallel_loop3A_95 : i32
      %parallel_loop3A_98 = arith.constant 16 : i32
      %parallel_loop3A_99 = arith.muli %parallel_loop3A_97, %parallel_loop3A_98 : i32
      %parallel_loop3A_100 = arith.index_cast %parallel_loop3A_99 : i32 to index
      %parallel_loop3A_101 = tpu.vector_load %arg5[%parallel_loop3A_100] {strides = array<i32>} : memref<4096xi32, #tpu.memory_space<vmem>>, vector<16xi32>,
      %parallel_loop3A_102 = arith.constant 0 : i32
      %parallel_loop3A_103 = vector.broadcast %parallel_loop3A_102 : i32 to vector<16xi32>
      %parallel_loop3A_104 = tpu.vector_load_idx %arg6[%parallel_loop3A_103, %parallel_loop3A_101] : memref<8x4096xf32, #tpu.memory_space<vmem>>[vector<16xi32>, vector<16xi32>], vector<16xf32>,
      %parallel_loop3A_105 = arith.constant 16 : i32
      %parallel_loop3A_106 = arith.muli %parallel_loop3A_95, %parallel_loop3A_105 : i32
      %parallel_loop3A_107 = arith.constant 0 : i32
      %parallel_loop3A_108 = arith.index_cast %parallel_loop3A_107 : i32 to index
      %parallel_loop3A_109 = arith.index_cast %parallel_loop3A_106 : i32 to index
      %parallel_loop3A_110 = tpu.vector_load %arg8[%parallel_loop3A_108, %parallel_loop3A_109] {strides = array<i32>} : memref<8x2048xf32, #tpu.memory_space<vmem>>, vector<16xf32>,
      tpu.vector_store %arg8[%parallel_loop3A_108, %parallel_loop3A_109], %parallel_loop3A_104 {strides = array<i32>} : memref<8x2048xf32, #tpu.memory_space<vmem>>, vector<16xf32>,
      %parallel_loop3A_111 = arith.constant 1 : i32
      %parallel_loop3A_112 = vector.broadcast %parallel_loop3A_111 : i32 to vector<16xi32>
      %parallel_loop3A_113 = tpu.vector_load_idx %arg6[%parallel_loop3A_112, %parallel_loop3A_101] : memref<8x4096xf32, #tpu.memory_space<vmem>>[vector<16xi32>, vector<16xi32>], vector<16xf32>,
      %parallel_loop3A_114 = arith.constant 16 : i32
      %parallel_loop3A_115 = arith.muli %parallel_loop3A_95, %parallel_loop3A_114 : i32
      %parallel_loop3A_116 = arith.constant 1 : i32
      %parallel_loop3A_117 = arith.index_cast %parallel_loop3A_116 : i32 to index
      %parallel_loop3A_118 = arith.index_cast %parallel_loop3A_115 : i32 to index
      %parallel_loop3A_119 = tpu.vector_load %arg8[%parallel_loop3A_117, %parallel_loop3A_118] {strides = array<i32>} : memref<8x2048xf32, #tpu.memory_space<vmem>>, vector<16xf32>,
      tpu.vector_store %arg8[%parallel_loop3A_117, %parallel_loop3A_118], %parallel_loop3A_113 {strides = array<i32>} : memref<8x2048xf32, #tpu.memory_space<vmem>>, vector<16xf32>,
      %parallel_loop3A_120 = arith.constant 2 : i32
      %parallel_loop3A_121 = vector.broadcast %parallel_loop3A_120 : i32 to vector<16xi32>
      %parallel_loop3A_122 = tpu.vector_load_idx %arg6[%parallel_loop3A_121, %parallel_loop3A_101] : memref<8x4096xf32, #tpu.memory_space<vmem>>[vector<16xi32>, vector<16xi32>], vector<16xf32>,
      %parallel_loop3A_123 = arith.constant 16 : i32
      %parallel_loop3A_124 = arith.muli %parallel_loop3A_95, %parallel_loop3A_123 : i32
      %parallel_loop3A_125 = arith.constant 2 : i32
      %parallel_loop3A_126 = arith.index_cast %parallel_loop3A_125 : i32 to index
      %parallel_loop3A_127 = arith.index_cast %parallel_loop3A_124 : i32 to index
      %parallel_loop3A_128 = tpu.vector_load %arg8[%parallel_loop3A_126, %parallel_loop3A_127] {strides = array<i32>} : memref<8x2048xf32, #tpu.memory_space<vmem>>, vector<16xf32>,
      tpu.vector_store %arg8[%parallel_loop3A_126, %parallel_loop3A_127], %parallel_loop3A_122 {strides = array<i32>} : memref<8x2048xf32, #tpu.memory_space<vmem>>, vector<16xf32>,
      %parallel_loop3A_129 = arith.constant 3 : i32
      %parallel_loop3A_130 = vector.broadcast %parallel_loop3A_129 : i32 to vector<16xi32>
      %parallel_loop3A_131 = tpu.vector_load_idx %arg6[%parallel_loop3A_130, %parallel_loop3A_101] : memref<8x4096xf32, #tpu.memory_space<vmem>>[vector<16xi32>, vector<16xi32>], vector<16xf32>,
      %parallel_loop3A_132 = arith.constant 16 : i32
      %parallel_loop3A_133 = arith.muli %parallel_loop3A_95, %parallel_loop3A_132 : i32
      %parallel_loop3A_134 = arith.constant 3 : i32
      %parallel_loop3A_135 = arith.index_cast %parallel_loop3A_134 : i32 to index
      %parallel_loop3A_136 = arith.index_cast %parallel_loop3A_133 : i32 to index
      %parallel_loop3A_137 = tpu.vector_load %arg8[%parallel_loop3A_135, %parallel_loop3A_136] {strides = array<i32>} : memref<8x2048xf32, #tpu.memory_space<vmem>>, vector<16xf32>,
      tpu.vector_store %arg8[%parallel_loop3A_135, %parallel_loop3A_136], %parallel_loop3A_131 {strides = array<i32>} : memref<8x2048xf32, #tpu.memory_space<vmem>>, vector<16xf32>,
      %parallel_loop3A_138 = arith.constant 4 : i32
      %parallel_loop3A_139 = vector.broadcast %parallel_loop3A_138 : i32 to vector<16xi32>
      %parallel_loop3A_140 = tpu.vector_load_idx %arg6[%parallel_loop3A_139, %parallel_loop3A_101] : memref<8x4096xf32, #tpu.memory_space<vmem>>[vector<16xi32>, vector<16xi32>], vector<16xf32>,
      %parallel_loop3A_141 = arith.constant 16 : i32
      %parallel_loop3A_142 = arith.muli %parallel_loop3A_95, %parallel_loop3A_141 : i32
      %parallel_loop3A_143 = arith.constant 4 : i32
      %parallel_loop3A_144 = arith.index_cast %parallel_loop3A_143 : i32 to index
      %parallel_loop3A_145 = arith.index_cast %parallel_loop3A_142 : i32 to index
      %parallel_loop3A_146 = tpu.vector_load %arg8[%parallel_loop3A_144, %parallel_loop3A_145] {strides = array<i32>} : memref<8x2048xf32, #tpu.memory_space<vmem>>, vector<16xf32>,
      tpu.vector_store %arg8[%parallel_loop3A_144, %parallel_loop3A_145], %parallel_loop3A_140 {strides = array<i32>} : memref<8x2048xf32, #tpu.memory_space<vmem>>, vector<16xf32>,
      %parallel_loop3A_147 = arith.constant 5 : i32
      %parallel_loop3A_148 = vector.broadcast %parallel_loop3A_147 : i32 to vector<16xi32>
      %parallel_loop3A_149 = tpu.vector_load_idx %arg6[%parallel_loop3A_148, %parallel_loop3A_101] : memref<8x4096xf32, #tpu.memory_space<vmem>>[vector<16xi32>, vector<16xi32>], vector<16xf32>,
      %parallel_loop3A_150 = arith.constant 16 : i32
      %parallel_loop3A_151 = arith.muli %parallel_loop3A_95, %parallel_loop3A_150 : i32
      %parallel_loop3A_152 = arith.constant 5 : i32
      %parallel_loop3A_153 = arith.index_cast %parallel_loop3A_152 : i32 to index
      %parallel_loop3A_154 = arith.index_cast %parallel_loop3A_151 : i32 to index
      %parallel_loop3A_155 = tpu.vector_load %arg8[%parallel_loop3A_153, %parallel_loop3A_154] {strides = array<i32>} : memref<8x2048xf32, #tpu.memory_space<vmem>>, vector<16xf32>,
      tpu.vector_store %arg8[%parallel_loop3A_153, %parallel_loop3A_154], %parallel_loop3A_149 {strides = array<i32>} : memref<8x2048xf32, #tpu.memory_space<vmem>>, vector<16xf32>,
      %parallel_loop3A_156 = arith.constant 6 : i32
      %parallel_loop3A_157 = vector.broadcast %parallel_loop3A_156 : i32 to vector<16xi32>
      %parallel_loop3A_158 = tpu.vector_load_idx %arg6[%parallel_loop3A_157, %parallel_loop3A_101] : memref<8x4096xf32, #tpu.memory_space<vmem>>[vector<16xi32>, vector<16xi32>], vector<16xf32>,
      %parallel_loop3A_159 = arith.constant 16 : i32
      %parallel_loop3A_160 = arith.muli %parallel_loop3A_95, %parallel_loop3A_159 : i32
      %parallel_loop3A_161 = arith.constant 6 : i32
      %parallel_loop3A_162 = arith.index_cast %parallel_loop3A_161 : i32 to index
      %parallel_loop3A_163 = arith.index_cast %parallel_loop3A_160 : i32 to index
      %parallel_loop3A_164 = tpu.vector_load %arg8[%parallel_loop3A_162, %parallel_loop3A_163] {strides = array<i32>} : memref<8x2048xf32, #tpu.memory_space<vmem>>, vector<16xf32>,
      tpu.vector_store %arg8[%parallel_loop3A_162, %parallel_loop3A_163], %parallel_loop3A_158 {strides = array<i32>} : memref<8x2048xf32, #tpu.memory_space<vmem>>, vector<16xf32>,
      %parallel_loop3A_165 = arith.constant 7 : i32
      %parallel_loop3A_166 = vector.broadcast %parallel_loop3A_165 : i32 to vector<16xi32>
      %parallel_loop3A_167 = tpu.vector_load_idx %arg6[%parallel_loop3A_166, %parallel_loop3A_101] : memref<8x4096xf32, #tpu.memory_space<vmem>>[vector<16xi32>, vector<16xi32>], vector<16xf32>,
      %parallel_loop3A_168 = arith.constant 16 : i32
      %parallel_loop3A_169 = arith.muli %parallel_loop3A_95, %parallel_loop3A_168 : i32
      %parallel_loop3A_170 = arith.constant 7 : i32
      %parallel_loop3A_171 = arith.index_cast %parallel_loop3A_170 : i32 to index
      %parallel_loop3A_172 = arith.index_cast %parallel_loop3A_169 : i32 to index
      %parallel_loop3A_173 = tpu.vector_load %arg8[%parallel_loop3A_171, %parallel_loop3A_172] {strides = array<i32>} : memref<8x2048xf32, #tpu.memory_space<vmem>>, vector<16xf32>,
      tpu.vector_store %arg8[%parallel_loop3A_171, %parallel_loop3A_172], %parallel_loop3A_167 {strides = array<i32>} : memref<8x2048xf32, #tpu.memory_space<vmem>>, vector<16xf32>,
    } {sc.loop_unroll_factor = 8 : i64, sc.parallel_access}
    %add3A_21 = arith.constant 0 : i32
    %add3A_22 = arith.addi %mul3A_2, %add3A_21 : i32
    %dma_start3A_23 = arith.constant 0 : i32
    %dma_start3A_24 = tpu.memref_slice %arg4[%add3A_22, %dma_start3A_23] : memref<8192x4096xf32, #tpu.memory_space<hbm>> -> memref<8x2048xf32, #tpu.memory_space<hbm>>
    %dma_start3A_25 = arith.constant 0 : i32
    %dma_start3A_26 = tpu.memref_slice %arg4[%add3A_22, %dma_start3A_25] : memref<8192x4096xf32, #tpu.memory_space<hbm>> -> memref<8x2048xf32, #tpu.memory_space<hbm>>
    tpu.enqueue_dma source(%arg8 : memref<8x2048xf32, #tpu.memory_space<vmem>>) target(%dma_start3A_26 : memref<8x2048xf32, #tpu.memory_space<hbm>>) target_semaphore(%arg12 : memref<!tpu.dma_semaphore, #tpu.memory_space<semaphore_mem>>)
    %parallel_loop3A_27 = arith.constant 0 : i32
    %parallel_loop3A_28 = arith.constant 128 : i32
    %parallel_loop3A_29 = arith.constant 1 : i32
    scf.for %parallel_loop3A_95 = %parallel_loop3A_27 to %parallel_loop3A_28 step %parallel_loop3A_29  : i32 {
      %parallel_loop3A_96 = arith.constant 128 : i32
      %parallel_loop3A_97 = arith.addi %parallel_loop3A_96, %parallel_loop3A_95 : i32
      %parallel_loop3A_98 = arith.constant 16 : i32
      %parallel_loop3A_99 = arith.muli %parallel_loop3A_97, %parallel_loop3A_98 : i32
      %parallel_loop3A_100 = arith.index_cast %parallel_loop3A_99 : i32 to index
      %parallel_loop3A_101 = tpu.vector_load %arg5[%parallel_loop3A_100] {strides = array<i32>} : memref<4096xi32, #tpu.memory_space<vmem>>, vector<16xi32>,
      %parallel_loop3A_102 = arith.constant 0 : i32
      %parallel_loop3A_103 = vector.broadcast %parallel_loop3A_102 : i32 to vector<16xi32>
      %parallel_loop3A_104 = tpu.vector_load_idx %arg6[%parallel_loop3A_103, %parallel_loop3A_101] : memref<8x4096xf32, #tpu.memory_space<vmem>>[vector<16xi32>, vector<16xi32>], vector<16xf32>,
      %parallel_loop3A_105 = arith.constant 16 : i32
      %parallel_loop3A_106 = arith.muli %parallel_loop3A_95, %parallel_loop3A_105 : i32
      %parallel_loop3A_107 = arith.constant 0 : i32
      %parallel_loop3A_108 = arith.index_cast %parallel_loop3A_107 : i32 to index
      %parallel_loop3A_109 = arith.index_cast %parallel_loop3A_106 : i32 to index
      %parallel_loop3A_110 = tpu.vector_load %arg9[%parallel_loop3A_108, %parallel_loop3A_109] {strides = array<i32>} : memref<8x2048xf32, #tpu.memory_space<vmem>>, vector<16xf32>,
      tpu.vector_store %arg9[%parallel_loop3A_108, %parallel_loop3A_109], %parallel_loop3A_104 {strides = array<i32>} : memref<8x2048xf32, #tpu.memory_space<vmem>>, vector<16xf32>,
      %parallel_loop3A_111 = arith.constant 1 : i32
      %parallel_loop3A_112 = vector.broadcast %parallel_loop3A_111 : i32 to vector<16xi32>
      %parallel_loop3A_113 = tpu.vector_load_idx %arg6[%parallel_loop3A_112, %parallel_loop3A_101] : memref<8x4096xf32, #tpu.memory_space<vmem>>[vector<16xi32>, vector<16xi32>], vector<16xf32>,
      %parallel_loop3A_114 = arith.constant 16 : i32
      %parallel_loop3A_115 = arith.muli %parallel_loop3A_95, %parallel_loop3A_114 : i32
      %parallel_loop3A_116 = arith.constant 1 : i32
      %parallel_loop3A_117 = arith.index_cast %parallel_loop3A_116 : i32 to index
      %parallel_loop3A_118 = arith.index_cast %parallel_loop3A_115 : i32 to index
      %parallel_loop3A_119 = tpu.vector_load %arg9[%parallel_loop3A_117, %parallel_loop3A_118] {strides = array<i32>} : memref<8x2048xf32, #tpu.memory_space<vmem>>, vector<16xf32>,
      tpu.vector_store %arg9[%parallel_loop3A_117, %parallel_loop3A_118], %parallel_loop3A_113 {strides = array<i32>} : memref<8x2048xf32, #tpu.memory_space<vmem>>, vector<16xf32>,
      %parallel_loop3A_120 = arith.constant 2 : i32
      %parallel_loop3A_121 = vector.broadcast %parallel_loop3A_120 : i32 to vector<16xi32>
      %parallel_loop3A_122 = tpu.vector_load_idx %arg6[%parallel_loop3A_121, %parallel_loop3A_101] : memref<8x4096xf32, #tpu.memory_space<vmem>>[vector<16xi32>, vector<16xi32>], vector<16xf32>,
      %parallel_loop3A_123 = arith.constant 16 : i32
      %parallel_loop3A_124 = arith.muli %parallel_loop3A_95, %parallel_loop3A_123 : i32
      %parallel_loop3A_125 = arith.constant 2 : i32
      %parallel_loop3A_126 = arith.index_cast %parallel_loop3A_125 : i32 to index
      %parallel_loop3A_127 = arith.index_cast %parallel_loop3A_124 : i32 to index
      %parallel_loop3A_128 = tpu.vector_load %arg9[%parallel_loop3A_126, %parallel_loop3A_127] {strides = array<i32>} : memref<8x2048xf32, #tpu.memory_space<vmem>>, vector<16xf32>,
      tpu.vector_store %arg9[%parallel_loop3A_126, %parallel_loop3A_127], %parallel_loop3A_122 {strides = array<i32>} : memref<8x2048xf32, #tpu.memory_space<vmem>>, vector<16xf32>,
      %parallel_loop3A_129 = arith.constant 3 : i32
      %parallel_loop3A_130 = vector.broadcast %parallel_loop3A_129 : i32 to vector<16xi32>
      %parallel_loop3A_131 = tpu.vector_load_idx %arg6[%parallel_loop3A_130, %parallel_loop3A_101] : memref<8x4096xf32, #tpu.memory_space<vmem>>[vector<16xi32>, vector<16xi32>], vector<16xf32>,
      %parallel_loop3A_132 = arith.constant 16 : i32
      %parallel_loop3A_133 = arith.muli %parallel_loop3A_95, %parallel_loop3A_132 : i32
      %parallel_loop3A_134 = arith.constant 3 : i32
      %parallel_loop3A_135 = arith.index_cast %parallel_loop3A_134 : i32 to index
      %parallel_loop3A_136 = arith.index_cast %parallel_loop3A_133 : i32 to index
      %parallel_loop3A_137 = tpu.vector_load %arg9[%parallel_loop3A_135, %parallel_loop3A_136] {strides = array<i32>} : memref<8x2048xf32, #tpu.memory_space<vmem>>, vector<16xf32>,
      tpu.vector_store %arg9[%parallel_loop3A_135, %parallel_loop3A_136], %parallel_loop3A_131 {strides = array<i32>} : memref<8x2048xf32, #tpu.memory_space<vmem>>, vector<16xf32>,
      %parallel_loop3A_138 = arith.constant 4 : i32
      %parallel_loop3A_139 = vector.broadcast %parallel_loop3A_138 : i32 to vector<16xi32>
      %parallel_loop3A_140 = tpu.vector_load_idx %arg6[%parallel_loop3A_139, %parallel_loop3A_101] : memref<8x4096xf32, #tpu.memory_space<vmem>>[vector<16xi32>, vector<16xi32>], vector<16xf32>,
      %parallel_loop3A_141 = arith.constant 16 : i32
      %parallel_loop3A_142 = arith.muli %parallel_loop3A_95, %parallel_loop3A_141 : i32
      %parallel_loop3A_143 = arith.constant 4 : i32
      %parallel_loop3A_144 = arith.index_cast %parallel_loop3A_143 : i32 to index
      %parallel_loop3A_145 = arith.index_cast %parallel_loop3A_142 : i32 to index
      %parallel_loop3A_146 = tpu.vector_load %arg9[%parallel_loop3A_144, %parallel_loop3A_145] {strides = array<i32>} : memref<8x2048xf32, #tpu.memory_space<vmem>>, vector<16xf32>,
      tpu.vector_store %arg9[%parallel_loop3A_144, %parallel_loop3A_145], %parallel_loop3A_140 {strides = array<i32>} : memref<8x2048xf32, #tpu.memory_space<vmem>>, vector<16xf32>,
      %parallel_loop3A_147 = arith.constant 5 : i32
      %parallel_loop3A_148 = vector.broadcast %parallel_loop3A_147 : i32 to vector<16xi32>
      %parallel_loop3A_149 = tpu.vector_load_idx %arg6[%parallel_loop3A_148, %parallel_loop3A_101] : memref<8x4096xf32, #tpu.memory_space<vmem>>[vector<16xi32>, vector<16xi32>], vector<16xf32>,
      %parallel_loop3A_150 = arith.constant 16 : i32
      %parallel_loop3A_151 = arith.muli %parallel_loop3A_95, %parallel_loop3A_150 : i32
      %parallel_loop3A_152 = arith.constant 5 : i32
      %parallel_loop3A_153 = arith.index_cast %parallel_loop3A_152 : i32 to index
      %parallel_loop3A_154 = arith.index_cast %parallel_loop3A_151 : i32 to index
      %parallel_loop3A_155 = tpu.vector_load %arg9[%parallel_loop3A_153, %parallel_loop3A_154] {strides = array<i32>} : memref<8x2048xf32, #tpu.memory_space<vmem>>, vector<16xf32>,
      tpu.vector_store %arg9[%parallel_loop3A_153, %parallel_loop3A_154], %parallel_loop3A_149 {strides = array<i32>} : memref<8x2048xf32, #tpu.memory_space<vmem>>, vector<16xf32>,
      %parallel_loop3A_156 = arith.constant 6 : i32
      %parallel_loop3A_157 = vector.broadcast %parallel_loop3A_156 : i32 to vector<16xi32>
      %parallel_loop3A_158 = tpu.vector_load_idx %arg6[%parallel_loop3A_157, %parallel_loop3A_101] : memref<8x4096xf32, #tpu.memory_space<vmem>>[vector<16xi32>, vector<16xi32>], vector<16xf32>,
      %parallel_loop3A_159 = arith.constant 16 : i32
      %parallel_loop3A_160 = arith.muli %parallel_loop3A_95, %parallel_loop3A_159 : i32
      %parallel_loop3A_161 = arith.constant 6 : i32
      %parallel_loop3A_162 = arith.index_cast %parallel_loop3A_161 : i32 to index
      %parallel_loop3A_163 = arith.index_cast %parallel_loop3A_160 : i32 to index
      %parallel_loop3A_164 = tpu.vector_load %arg9[%parallel_loop3A_162, %parallel_loop3A_163] {strides = array<i32>} : memref<8x2048xf32, #tpu.memory_space<vmem>>, vector<16xf32>,
      tpu.vector_store %arg9[%parallel_loop3A_162, %parallel_loop3A_163], %parallel_loop3A_158 {strides = array<i32>} : memref<8x2048xf32, #tpu.memory_space<vmem>>, vector<16xf32>,
      %parallel_loop3A_165 = arith.constant 7 : i32
      %parallel_loop3A_166 = vector.broadcast %parallel_loop3A_165 : i32 to vector<16xi32>
      %parallel_loop3A_167 = tpu.vector_load_idx %arg6[%parallel_loop3A_166, %parallel_loop3A_101] : memref<8x4096xf32, #tpu.memory_space<vmem>>[vector<16xi32>, vector<16xi32>], vector<16xf32>,
      %parallel_loop3A_168 = arith.constant 16 : i32
      %parallel_loop3A_169 = arith.muli %parallel_loop3A_95, %parallel_loop3A_168 : i32
      %parallel_loop3A_170 = arith.constant 7 : i32
      %parallel_loop3A_171 = arith.index_cast %parallel_loop3A_170 : i32 to index
      %parallel_loop3A_172 = arith.index_cast %parallel_loop3A_169 : i32 to index
      %parallel_loop3A_173 = tpu.vector_load %arg9[%parallel_loop3A_171, %parallel_loop3A_172] {strides = array<i32>} : memref<8x2048xf32, #tpu.memory_space<vmem>>, vector<16xf32>,
      tpu.vector_store %arg9[%parallel_loop3A_171, %parallel_loop3A_172], %parallel_loop3A_167 {strides = array<i32>} : memref<8x2048xf32, #tpu.memory_space<vmem>>, vector<16xf32>,
    } {sc.loop_unroll_factor = 8 : i64, sc.parallel_access}
    %add3A_30 = arith.constant 0 : i32
    %add3A_31 = arith.addi %mul3A_2, %add3A_30 : i32
    %dma_start3A_32 = arith.constant 2048 : i32
    %dma_start3A_33 = tpu.memref_slice %arg4[%add3A_31, %dma_start3A_32] : memref<8192x4096xf32, #tpu.memory_space<hbm>> -> memref<8x2048xf32, #tpu.memory_space<hbm>>
    %dma_start3A_34 = arith.constant 2048 : i32
    %dma_start3A_35 = tpu.memref_slice %arg4[%add3A_31, %dma_start3A_34] : memref<8192x4096xf32, #tpu.memory_space<hbm>> -> memref<8x2048xf32, #tpu.memory_space<hbm>>
    tpu.enqueue_dma source(%arg9 : memref<8x2048xf32, #tpu.memory_space<vmem>>) target(%dma_start3A_35 : memref<8x2048xf32, #tpu.memory_space<hbm>>) target_semaphore(%arg13 : memref<!tpu.dma_semaphore, #tpu.memory_space<semaphore_mem>>)
    %add3A_36 = arith.constant 16 : i32
    %add3A_37 = arith.addi %mul3A_2, %add3A_36 : i32
    %dma_start3A_38 = arith.constant 0 : i32
    %dma_start3A_39 = tpu.memref_slice %arg2[%add3A_37, %dma_start3A_38] : memref<8192x4096xf32, #tpu.memory_space<hbm>> -> memref<8x4096xf32, #tpu.memory_space<hbm>>
    %dma_start3A_40 = arith.constant 0 : i32
    %dma_start3A_41 = tpu.memref_slice %arg2[%add3A_37, %dma_start3A_40] : memref<8192x4096xf32, #tpu.memory_space<hbm>> -> memref<8x4096xf32, #tpu.memory_space<hbm>>
    tpu.enqueue_dma source(%dma_start3A_41 : memref<8x4096xf32, #tpu.memory_space<hbm>>) target(%arg6 : memref<8x4096xf32, #tpu.memory_space<vmem>>) target_semaphore(%arg10 : memref<!tpu.dma_semaphore, #tpu.memory_space<semaphore_mem>>)
    %add3A_42 = arith.constant 0 : i32
    %add3A_43 = arith.addi %mul3A_2, %add3A_42 : i32
    %dma_wait3A_44 = arith.constant 0 : i32
    %dma_wait3A_45 = tpu.memref_slice %arg2[%add3A_43, %dma_wait3A_44] : memref<8192x4096xf32, #tpu.memory_space<hbm>> -> memref<8x4096xf32, #tpu.memory_space<hbm>>
    %dma_wait3A_46 = arith.constant 0 : i32
    %dma_wait3A_47 = tpu.memref_slice %arg2[%add3A_43, %dma_wait3A_46] : memref<8192x4096xf32, #tpu.memory_space<hbm>> -> memref<8x4096xf32, #tpu.memory_space<hbm>>
    tpu.wait_dma2 semaphore(%arg11 : memref<!tpu.dma_semaphore, #tpu.memory_space<semaphore_mem>>) src(%dma_wait3A_47 : memref<8x4096xf32, #tpu.memory_space<hbm>>) dst(%arg7 : memref<8x4096xf32, #tpu.memory_space<vmem>>)
    %add3A_48 = arith.constant 0 : i32
    %add3A_49 = arith.addi %mul3A_2, %add3A_48 : i32
    %dma_wait3A_50 = arith.constant 0 : i32
    %dma_wait3A_51 = tpu.memref_slice %arg4[%add3A_49, %dma_wait3A_50] : memref<8192x4096xf32, #tpu.memory_space<hbm>> -> memref<8x2048xf32, #tpu.memory_space<hbm>>
    %dma_wait3A_52 = arith.constant 0 : i32
    %dma_wait3A_53 = tpu.memref_slice %arg4[%add3A_49, %dma_wait3A_52] : memref<8192x4096xf32, #tpu.memory_space<hbm>> -> memref<8x2048xf32, #tpu.memory_space<hbm>>
    tpu.wait_dma2 semaphore(%arg12 : memref<!tpu.dma_semaphore, #tpu.memory_space<semaphore_mem>>) src(%arg8 : memref<8x2048xf32, #tpu.memory_space<vmem>>) dst(%dma_wait3A_53 : memref<8x2048xf32, #tpu.memory_space<hbm>>)
    %parallel_loop3A_54 = arith.constant 0 : i32
    %parallel_loop3A_55 = arith.constant 128 : i32
    %parallel_loop3A_56 = arith.constant 1 : i32
    scf.for %parallel_loop3A_95 = %parallel_loop3A_54 to %parallel_loop3A_55 step %parallel_loop3A_56  : i32 {
      %parallel_loop3A_96 = arith.constant 0 : i32
      %parallel_loop3A_97 = arith.addi %parallel_loop3A_96, %parallel_loop3A_95 : i32
      %parallel_loop3A_98 = arith.constant 16 : i32
      %parallel_loop3A_99 = arith.muli %parallel_loop3A_97, %parallel_loop3A_98 : i32
      %parallel_loop3A_100 = arith.index_cast %parallel_loop3A_99 : i32 to index
      %parallel_loop3A_101 = tpu.vector_load %arg5[%parallel_loop3A_100] {strides = array<i32>} : memref<4096xi32, #tpu.memory_space<vmem>>, vector<16xi32>,
      %parallel_loop3A_102 = arith.constant 0 : i32
      %parallel_loop3A_103 = vector.broadcast %parallel_loop3A_102 : i32 to vector<16xi32>
      %parallel_loop3A_104 = tpu.vector_load_idx %arg7[%parallel_loop3A_103, %parallel_loop3A_101] : memref<8x4096xf32, #tpu.memory_space<vmem>>[vector<16xi32>, vector<16xi32>], vector<16xf32>,
      %parallel_loop3A_105 = arith.constant 16 : i32
      %parallel_loop3A_106 = arith.muli %parallel_loop3A_95, %parallel_loop3A_105 : i32
      %parallel_loop3A_107 = arith.constant 0 : i32
      %parallel_loop3A_108 = arith.index_cast %parallel_loop3A_107 : i32 to index
      %parallel_loop3A_109 = arith.index_cast %parallel_loop3A_106 : i32 to index
      %parallel_loop3A_110 = tpu.vector_load %arg8[%parallel_loop3A_108, %parallel_loop3A_109] {strides = array<i32>} : memref<8x2048xf32, #tpu.memory_space<vmem>>, vector<16xf32>,
      tpu.vector_store %arg8[%parallel_loop3A_108, %parallel_loop3A_109], %parallel_loop3A_104 {strides = array<i32>} : memref<8x2048xf32, #tpu.memory_space<vmem>>, vector<16xf32>,
      %parallel_loop3A_111 = arith.constant 1 : i32
      %parallel_loop3A_112 = vector.broadcast %parallel_loop3A_111 : i32 to vector<16xi32>
      %parallel_loop3A_113 = tpu.vector_load_idx %arg7[%parallel_loop3A_112, %parallel_loop3A_101] : memref<8x4096xf32, #tpu.memory_space<vmem>>[vector<16xi32>, vector<16xi32>], vector<16xf32>,
      %parallel_loop3A_114 = arith.constant 16 : i32
      %parallel_loop3A_115 = arith.muli %parallel_loop3A_95, %parallel_loop3A_114 : i32
      %parallel_loop3A_116 = arith.constant 1 : i32
      %parallel_loop3A_117 = arith.index_cast %parallel_loop3A_116 : i32 to index
      %parallel_loop3A_118 = arith.index_cast %parallel_loop3A_115 : i32 to index
      %parallel_loop3A_119 = tpu.vector_load %arg8[%parallel_loop3A_117, %parallel_loop3A_118] {strides = array<i32>} : memref<8x2048xf32, #tpu.memory_space<vmem>>, vector<16xf32>,
      tpu.vector_store %arg8[%parallel_loop3A_117, %parallel_loop3A_118], %parallel_loop3A_113 {strides = array<i32>} : memref<8x2048xf32, #tpu.memory_space<vmem>>, vector<16xf32>,
      %parallel_loop3A_120 = arith.constant 2 : i32
      %parallel_loop3A_121 = vector.broadcast %parallel_loop3A_120 : i32 to vector<16xi32>
      %parallel_loop3A_122 = tpu.vector_load_idx %arg7[%parallel_loop3A_121, %parallel_loop3A_101] : memref<8x4096xf32, #tpu.memory_space<vmem>>[vector<16xi32>, vector<16xi32>], vector<16xf32>,
      %parallel_loop3A_123 = arith.constant 16 : i32
      %parallel_loop3A_124 = arith.muli %parallel_loop3A_95, %parallel_loop3A_123 : i32
      %parallel_loop3A_125 = arith.constant 2 : i32
      %parallel_loop3A_126 = arith.index_cast %parallel_loop3A_125 : i32 to index
      %parallel_loop3A_127 = arith.index_cast %parallel_loop3A_124 : i32 to index
      %parallel_loop3A_128 = tpu.vector_load %arg8[%parallel_loop3A_126, %parallel_loop3A_127] {strides = array<i32>} : memref<8x2048xf32, #tpu.memory_space<vmem>>, vector<16xf32>,
      tpu.vector_store %arg8[%parallel_loop3A_126, %parallel_loop3A_127], %parallel_loop3A_122 {strides = array<i32>} : memref<8x2048xf32, #tpu.memory_space<vmem>>, vector<16xf32>,
      %parallel_loop3A_129 = arith.constant 3 : i32
      %parallel_loop3A_130 = vector.broadcast %parallel_loop3A_129 : i32 to vector<16xi32>
      %parallel_loop3A_131 = tpu.vector_load_idx %arg7[%parallel_loop3A_130, %parallel_loop3A_101] : memref<8x4096xf32, #tpu.memory_space<vmem>>[vector<16xi32>, vector<16xi32>], vector<16xf32>,
      %parallel_loop3A_132 = arith.constant 16 : i32
      %parallel_loop3A_133 = arith.muli %parallel_loop3A_95, %parallel_loop3A_132 : i32
      %parallel_loop3A_134 = arith.constant 3 : i32
      %parallel_loop3A_135 = arith.index_cast %parallel_loop3A_134 : i32 to index
      %parallel_loop3A_136 = arith.index_cast %parallel_loop3A_133 : i32 to index
      %parallel_loop3A_137 = tpu.vector_load %arg8[%parallel_loop3A_135, %parallel_loop3A_136] {strides = array<i32>} : memref<8x2048xf32, #tpu.memory_space<vmem>>, vector<16xf32>,
      tpu.vector_store %arg8[%parallel_loop3A_135, %parallel_loop3A_136], %parallel_loop3A_131 {strides = array<i32>} : memref<8x2048xf32, #tpu.memory_space<vmem>>, vector<16xf32>,
      %parallel_loop3A_138 = arith.constant 4 : i32
      %parallel_loop3A_139 = vector.broadcast %parallel_loop3A_138 : i32 to vector<16xi32>
      %parallel_loop3A_140 = tpu.vector_load_idx %arg7[%parallel_loop3A_139, %parallel_loop3A_101] : memref<8x4096xf32, #tpu.memory_space<vmem>>[vector<16xi32>, vector<16xi32>], vector<16xf32>,
      %parallel_loop3A_141 = arith.constant 16 : i32
      %parallel_loop3A_142 = arith.muli %parallel_loop3A_95, %parallel_loop3A_141 : i32
      %parallel_loop3A_143 = arith.constant 4 : i32
      %parallel_loop3A_144 = arith.index_cast %parallel_loop3A_143 : i32 to index
      %parallel_loop3A_145 = arith.index_cast %parallel_loop3A_142 : i32 to index
      %parallel_loop3A_146 = tpu.vector_load %arg8[%parallel_loop3A_144, %parallel_loop3A_145] {strides = array<i32>} : memref<8x2048xf32, #tpu.memory_space<vmem>>, vector<16xf32>,
      tpu.vector_store %arg8[%parallel_loop3A_144, %parallel_loop3A_145], %parallel_loop3A_140 {strides = array<i32>} : memref<8x2048xf32, #tpu.memory_space<vmem>>, vector<16xf32>,
      %parallel_loop3A_147 = arith.constant 5 : i32
      %parallel_loop3A_148 = vector.broadcast %parallel_loop3A_147 : i32 to vector<16xi32>
      %parallel_loop3A_149 = tpu.vector_load_idx %arg7[%parallel_loop3A_148, %parallel_loop3A_101] : memref<8x4096xf32, #tpu.memory_space<vmem>>[vector<16xi32>, vector<16xi32>], vector<16xf32>,
      %parallel_loop3A_150 = arith.constant 16 : i32
      %parallel_loop3A_151 = arith.muli %parallel_loop3A_95, %parallel_loop3A_150 : i32
      %parallel_loop3A_152 = arith.constant 5 : i32
      %parallel_loop3A_153 = arith.index_cast %parallel_loop3A_152 : i32 to index
      %parallel_loop3A_154 = arith.index_cast %parallel_loop3A_151 : i32 to index
      %parallel_loop3A_155 = tpu.vector_load %arg8[%parallel_loop3A_153, %parallel_loop3A_154] {strides = array<i32>} : memref<8x2048xf32, #tpu.memory_space<vmem>>, vector<16xf32>,
      tpu.vector_store %arg8[%parallel_loop3A_153, %parallel_loop3A_154], %parallel_loop3A_149 {strides = array<i32>} : memref<8x2048xf32, #tpu.memory_space<vmem>>, vector<16xf32>,
      %parallel_loop3A_156 = arith.constant 6 : i32
      %parallel_loop3A_157 = vector.broadcast %parallel_loop3A_156 : i32 to vector<16xi32>
      %parallel_loop3A_158 = tpu.vector_load_idx %arg7[%parallel_loop3A_157, %parallel_loop3A_101] : memref<8x4096xf32, #tpu.memory_space<vmem>>[vector<16xi32>, vector<16xi32>], vector<16xf32>,
      %parallel_loop3A_159 = arith.constant 16 : i32
      %parallel_loop3A_160 = arith.muli %parallel_loop3A_95, %parallel_loop3A_159 : i32
      %parallel_loop3A_161 = arith.constant 6 : i32
      %parallel_loop3A_162 = arith.index_cast %parallel_loop3A_161 : i32 to index
      %parallel_loop3A_163 = arith.index_cast %parallel_loop3A_160 : i32 to index
      %parallel_loop3A_164 = tpu.vector_load %arg8[%parallel_loop3A_162, %parallel_loop3A_163] {strides = array<i32>} : memref<8x2048xf32, #tpu.memory_space<vmem>>, vector<16xf32>,
      tpu.vector_store %arg8[%parallel_loop3A_162, %parallel_loop3A_163], %parallel_loop3A_158 {strides = array<i32>} : memref<8x2048xf32, #tpu.memory_space<vmem>>, vector<16xf32>,
      %parallel_loop3A_165 = arith.constant 7 : i32
      %parallel_loop3A_166 = vector.broadcast %parallel_loop3A_165 : i32 to vector<16xi32>
      %parallel_loop3A_167 = tpu.vector_load_idx %arg7[%parallel_loop3A_166, %parallel_loop3A_101] : memref<8x4096xf32, #tpu.memory_space<vmem>>[vector<16xi32>, vector<16xi32>], vector<16xf32>,
      %parallel_loop3A_168 = arith.constant 16 : i32
      %parallel_loop3A_169 = arith.muli %parallel_loop3A_95, %parallel_loop3A_168 : i32
      %parallel_loop3A_170 = arith.constant 7 : i32
      %parallel_loop3A_171 = arith.index_cast %parallel_loop3A_170 : i32 to index
      %parallel_loop3A_172 = arith.index_cast %parallel_loop3A_169 : i32 to index
      %parallel_loop3A_173 = tpu.vector_load %arg8[%parallel_loop3A_171, %parallel_loop3A_172] {strides = array<i32>} : memref<8x2048xf32, #tpu.memory_space<vmem>>, vector<16xf32>,
      tpu.vector_store %arg8[%parallel_loop3A_171, %parallel_loop3A_172], %parallel_loop3A_167 {strides = array<i32>} : memref<8x2048xf32, #tpu.memory_space<vmem>>, vector<16xf32>,
    } {sc.loop_unroll_factor = 8 : i64, sc.parallel_access}
    %add3A_57 = arith.constant 8 : i32
    %add3A_58 = arith.addi %mul3A_2, %add3A_57 : i32
    %dma_start3A_59 = arith.constant 0 : i32
    %dma_start3A_60 = tpu.memref_slice %arg4[%add3A_58, %dma_start3A_59] : memref<8192x4096xf32, #tpu.memory_space<hbm>> -> memref<8x2048xf32, #tpu.memory_space<hbm>>
    %dma_start3A_61 = arith.constant 0 : i32
    %dma_start3A_62 = tpu.memref_slice %arg4[%add3A_58, %dma_start3A_61] : memref<8192x4096xf32, #tpu.memory_space<hbm>> -> memref<8x2048xf32, #tpu.memory_space<hbm>>
    tpu.enqueue_dma source(%arg8 : memref<8x2048xf32, #tpu.memory_space<vmem>>) target(%dma_start3A_62 : memref<8x2048xf32, #tpu.memory_space<hbm>>) target_semaphore(%arg12 : memref<!tpu.dma_semaphore, #tpu.memory_space<semaphore_mem>>)
    %add3A_63 = arith.constant 0 : i32
    %add3A_64 = arith.addi %mul3A_2, %add3A_63 : i32
    %dma_wait3A_65 = arith.constant 2048 : i32
    %dma_wait3A_66 = tpu.memref_slice %arg4[%add3A_64, %dma_wait3A_65] : memref<8192x4096xf32, #tpu.memory_space<hbm>> -> memref<8x2048xf32, #tpu.memory_space<hbm>>
    %dma_wait3A_67 = arith.constant 2048 : i32
    %dma_wait3A_68 = tpu.memref_slice %arg4[%add3A_64, %dma_wait3A_67] : memref<8192x4096xf32, #tpu.memory_space<hbm>> -> memref<8x2048xf32, #tpu.memory_space<hbm>>
    tpu.wait_dma2 semaphore(%arg13 : memref<!tpu.dma_semaphore, #tpu.memory_space<semaphore_mem>>) src(%arg9 : memref<8x2048xf32, #tpu.memory_space<vmem>>) dst(%dma_wait3A_68 : memref<8x2048xf32, #tpu.memory_space<hbm>>)
    %parallel_loop3A_69 = arith.constant 0 : i32
    %parallel_loop3A_70 = arith.constant 128 : i32
    %parallel_loop3A_71 = arith.constant 1 : i32
    scf.for %parallel_loop3A_95 = %parallel_loop3A_69 to %parallel_loop3A_70 step %parallel_loop3A_71  : i32 {
      %parallel_loop3A_96 = arith.constant 128 : i32
      %parallel_loop3A_97 = arith.addi %parallel_loop3A_96, %parallel_loop3A_95 : i32
      %parallel_loop3A_98 = arith.constant 16 : i32
      %parallel_loop3A_99 = arith.muli %parallel_loop3A_97, %parallel_loop3A_98 : i32
      %parallel_loop3A_100 = arith.index_cast %parallel_loop3A_99 : i32 to index
      %parallel_loop3A_101 = tpu.vector_load %arg5[%parallel_loop3A_100] {strides = array<i32>} : memref<4096xi32, #tpu.memory_space<vmem>>, vector<16xi32>,
      %parallel_loop3A_102 = arith.constant 0 : i32
      %parallel_loop3A_103 = vector.broadcast %parallel_loop3A_102 : i32 to vector<16xi32>
      %parallel_loop3A_104 = tpu.vector_load_idx %arg7[%parallel_loop3A_103, %parallel_loop3A_101] : memref<8x4096xf32, #tpu.memory_space<vmem>>[vector<16xi32>, vector<16xi32>], vector<16xf32>,
      %parallel_loop3A_105 = arith.constant 16 : i32
      %parallel_loop3A_106 = arith.muli %parallel_loop3A_95, %parallel_loop3A_105 : i32
      %parallel_loop3A_107 = arith.constant 0 : i32
      %parallel_loop3A_108 = arith.index_cast %parallel_loop3A_107 : i32 to index
      %parallel_loop3A_109 = arith.index_cast %parallel_loop3A_106 : i32 to index
      %parallel_loop3A_110 = tpu.vector_load %arg9[%parallel_loop3A_108, %parallel_loop3A_109] {strides = array<i32>} : memref<8x2048xf32, #tpu.memory_space<vmem>>, vector<16xf32>,
      tpu.vector_store %arg9[%parallel_loop3A_108, %parallel_loop3A_109], %parallel_loop3A_104 {strides = array<i32>} : memref<8x2048xf32, #tpu.memory_space<vmem>>, vector<16xf32>,
      %parallel_loop3A_111 = arith.constant 1 : i32
      %parallel_loop3A_112 = vector.broadcast %parallel_loop3A_111 : i32 to vector<16xi32>
      %parallel_loop3A_113 = tpu.vector_load_idx %arg7[%parallel_loop3A_112, %parallel_loop3A_101] : memref<8x4096xf32, #tpu.memory_space<vmem>>[vector<16xi32>, vector<16xi32>], vector<16xf32>,
      %parallel_loop3A_114 = arith.constant 16 : i32
      %parallel_loop3A_115 = arith.muli %parallel_loop3A_95, %parallel_loop3A_114 : i32
      %parallel_loop3A_116 = arith.constant 1 : i32
      %parallel_loop3A_117 = arith.index_cast %parallel_loop3A_116 : i32 to index
      %parallel_loop3A_118 = arith.index_cast %parallel_loop3A_115 : i32 to index
      %parallel_loop3A_119 = tpu.vector_load %arg9[%parallel_loop3A_117, %parallel_loop3A_118] {strides = array<i32>} : memref<8x2048xf32, #tpu.memory_space<vmem>>, vector<16xf32>,
      tpu.vector_store %arg9[%parallel_loop3A_117, %parallel_loop3A_118], %parallel_loop3A_113 {strides = array<i32>} : memref<8x2048xf32, #tpu.memory_space<vmem>>, vector<16xf32>,
      %parallel_loop3A_120 = arith.constant 2 : i32
      %parallel_loop3A_121 = vector.broadcast %parallel_loop3A_120 : i32 to vector<16xi32>
      %parallel_loop3A_122 = tpu.vector_load_idx %arg7[%parallel_loop3A_121, %parallel_loop3A_101] : memref<8x4096xf32, #tpu.memory_space<vmem>>[vector<16xi32>, vector<16xi32>], vector<16xf32>,
      %parallel_loop3A_123 = arith.constant 16 : i32
      %parallel_loop3A_124 = arith.muli %parallel_loop3A_95, %parallel_loop3A_123 : i32
      %parallel_loop3A_125 = arith.constant 2 : i32
      %parallel_loop3A_126 = arith.index_cast %parallel_loop3A_125 : i32 to index
      %parallel_loop3A_127 = arith.index_cast %parallel_loop3A_124 : i32 to index
      %parallel_loop3A_128 = tpu.vector_load %arg9[%parallel_loop3A_126, %parallel_loop3A_127] {strides = array<i32>} : memref<8x2048xf32, #tpu.memory_space<vmem>>, vector<16xf32>,
      tpu.vector_store %arg9[%parallel_loop3A_126, %parallel_loop3A_127], %parallel_loop3A_122 {strides = array<i32>} : memref<8x2048xf32, #tpu.memory_space<vmem>>, vector<16xf32>,
      %parallel_loop3A_129 = arith.constant 3 : i32
      %parallel_loop3A_130 = vector.broadcast %parallel_loop3A_129 : i32 to vector<16xi32>
      %parallel_loop3A_131 = tpu.vector_load_idx %arg7[%parallel_loop3A_130, %parallel_loop3A_101] : memref<8x4096xf32, #tpu.memory_space<vmem>>[vector<16xi32>, vector<16xi32>], vector<16xf32>,
      %parallel_loop3A_132 = arith.constant 16 : i32
      %parallel_loop3A_133 = arith.muli %parallel_loop3A_95, %parallel_loop3A_132 : i32
      %parallel_loop3A_134 = arith.constant 3 : i32
      %parallel_loop3A_135 = arith.index_cast %parallel_loop3A_134 : i32 to index
      %parallel_loop3A_136 = arith.index_cast %parallel_loop3A_133 : i32 to index
      %parallel_loop3A_137 = tpu.vector_load %arg9[%parallel_loop3A_135, %parallel_loop3A_136] {strides = array<i32>} : memref<8x2048xf32, #tpu.memory_space<vmem>>, vector<16xf32>,
      tpu.vector_store %arg9[%parallel_loop3A_135, %parallel_loop3A_136], %parallel_loop3A_131 {strides = array<i32>} : memref<8x2048xf32, #tpu.memory_space<vmem>>, vector<16xf32>,
      %parallel_loop3A_138 = arith.constant 4 : i32
      %parallel_loop3A_139 = vector.broadcast %parallel_loop3A_138 : i32 to vector<16xi32>
      %parallel_loop3A_140 = tpu.vector_load_idx %arg7[%parallel_loop3A_139, %parallel_loop3A_101] : memref<8x4096xf32, #tpu.memory_space<vmem>>[vector<16xi32>, vector<16xi32>], vector<16xf32>,
      %parallel_loop3A_141 = arith.constant 16 : i32
      %parallel_loop3A_142 = arith.muli %parallel_loop3A_95, %parallel_loop3A_141 : i32
      %parallel_loop3A_143 = arith.constant 4 : i32
      %parallel_loop3A_144 = arith.index_cast %parallel_loop3A_143 : i32 to index
      %parallel_loop3A_145 = arith.index_cast %parallel_loop3A_142 : i32 to index
      %parallel_loop3A_146 = tpu.vector_load %arg9[%parallel_loop3A_144, %parallel_loop3A_145] {strides = array<i32>} : memref<8x2048xf32, #tpu.memory_space<vmem>>, vector<16xf32>,
      tpu.vector_store %arg9[%parallel_loop3A_144, %parallel_loop3A_145], %parallel_loop3A_140 {strides = array<i32>} : memref<8x2048xf32, #tpu.memory_space<vmem>>, vector<16xf32>,
      %parallel_loop3A_147 = arith.constant 5 : i32
      %parallel_loop3A_148 = vector.broadcast %parallel_loop3A_147 : i32 to vector<16xi32>
      %parallel_loop3A_149 = tpu.vector_load_idx %arg7[%parallel_loop3A_148, %parallel_loop3A_101] : memref<8x4096xf32, #tpu.memory_space<vmem>>[vector<16xi32>, vector<16xi32>], vector<16xf32>,
      %parallel_loop3A_150 = arith.constant 16 : i32
      %parallel_loop3A_151 = arith.muli %parallel_loop3A_95, %parallel_loop3A_150 : i32
      %parallel_loop3A_152 = arith.constant 5 : i32
      %parallel_loop3A_153 = arith.index_cast %parallel_loop3A_152 : i32 to index
      %parallel_loop3A_154 = arith.index_cast %parallel_loop3A_151 : i32 to index
      %parallel_loop3A_155 = tpu.vector_load %arg9[%parallel_loop3A_153, %parallel_loop3A_154] {strides = array<i32>} : memref<8x2048xf32, #tpu.memory_space<vmem>>, vector<16xf32>,
      tpu.vector_store %arg9[%parallel_loop3A_153, %parallel_loop3A_154], %parallel_loop3A_149 {strides = array<i32>} : memref<8x2048xf32, #tpu.memory_space<vmem>>, vector<16xf32>,
      %parallel_loop3A_156 = arith.constant 6 : i32
      %parallel_loop3A_157 = vector.broadcast %parallel_loop3A_156 : i32 to vector<16xi32>
      %parallel_loop3A_158 = tpu.vector_load_idx %arg7[%parallel_loop3A_157, %parallel_loop3A_101] : memref<8x4096xf32, #tpu.memory_space<vmem>>[vector<16xi32>, vector<16xi32>], vector<16xf32>,
      %parallel_loop3A_159 = arith.constant 16 : i32
      %parallel_loop3A_160 = arith.muli %parallel_loop3A_95, %parallel_loop3A_159 : i32
      %parallel_loop3A_161 = arith.constant 6 : i32
      %parallel_loop3A_162 = arith.index_cast %parallel_loop3A_161 : i32 to index
      %parallel_loop3A_163 = arith.index_cast %parallel_loop3A_160 : i32 to index
      %parallel_loop3A_164 = tpu.vector_load %arg9[%parallel_loop3A_162, %parallel_loop3A_163] {strides = array<i32>} : memref<8x2048xf32, #tpu.memory_space<vmem>>, vector<16xf32>,
      tpu.vector_store %arg9[%parallel_loop3A_162, %parallel_loop3A_163], %parallel_loop3A_158 {strides = array<i32>} : memref<8x2048xf32, #tpu.memory_space<vmem>>, vector<16xf32>,
      %parallel_loop3A_165 = arith.constant 7 : i32
      %parallel_loop3A_166 = vector.broadcast %parallel_loop3A_165 : i32 to vector<16xi32>
      %parallel_loop3A_167 = tpu.vector_load_idx %arg7[%parallel_loop3A_166, %parallel_loop3A_101] : memref<8x4096xf32, #tpu.memory_space<vmem>>[vector<16xi32>, vector<16xi32>], vector<16xf32>,
      %parallel_loop3A_168 = arith.constant 16 : i32
      %parallel_loop3A_169 = arith.muli %parallel_loop3A_95, %parallel_loop3A_168 : i32
      %parallel_loop3A_170 = arith.constant 7 : i32
      %parallel_loop3A_171 = arith.index_cast %parallel_loop3A_170 : i32 to index
      %parallel_loop3A_172 = arith.index_cast %parallel_loop3A_169 : i32 to index
      %parallel_loop3A_173 = tpu.vector_load %arg9[%parallel_loop3A_171, %parallel_loop3A_172] {strides = array<i32>} : memref<8x2048xf32, #tpu.memory_space<vmem>>, vector<16xf32>,
      tpu.vector_store %arg9[%parallel_loop3A_171, %parallel_loop3A_172], %parallel_loop3A_167 {strides = array<i32>} : memref<8x2048xf32, #tpu.memory_space<vmem>>, vector<16xf32>,
    } {sc.loop_unroll_factor = 8 : i64, sc.parallel_access}
    %add3A_72 = arith.constant 8 : i32
    %add3A_73 = arith.addi %mul3A_2, %add3A_72 : i32
    %dma_start3A_74 = arith.constant 2048 : i32
    %dma_start3A_75 = tpu.memref_slice %arg4[%add3A_73, %dma_start3A_74] : memref<8192x4096xf32, #tpu.memory_space<hbm>> -> memref<8x2048xf32, #tpu.memory_space<hbm>>
    %dma_start3A_76 = arith.constant 2048 : i32
    %dma_start3A_77 = tpu.memref_slice %arg4[%add3A_73, %dma_start3A_76] : memref<8192x4096xf32, #tpu.memory_space<hbm>> -> memref<8x2048xf32, #tpu.memory_space<hbm>>
    tpu.enqueue_dma source(%arg9 : memref<8x2048xf32, #tpu.memory_space<vmem>>) target(%dma_start3A_77 : memref<8x2048xf32, #tpu.memory_space<hbm>>) target_semaphore(%arg13 : memref<!tpu.dma_semaphore, #tpu.memory_space<semaphore_mem>>)
    %scan3A = arith.constant 0 : i32
    %scan3A_78 = arith.constant 1 : i32
    %scan3A_79 = arith.constant 15 : i32
    %scan3A_80 = arith.addi %scan3A_78, %scan3A_79 : i32
    %scan3A_81 = arith.constant 1 : i32
    scf.for %scan3A_95 = %scan3A_78 to %scan3A_80 step %scan3A_81  : i32 {
      %mul3A_96 = arith.constant 2 : i32
      %mul3A_97 = arith.muli %mul3A_96, %scan3A_95 : i32
      %add3A_98 = arith.constant 1 : i32
      %add3A_99 = arith.addi %mul3A_97, %add3A_98 : i32
      %lt3A = arith.constant 32 : i32
      %lt3A_100 = arith.cmpi slt, %add3A_99, %lt3A : i32
      %convert_element_type3A = arith.extui %lt3A_100 : i1 to i32
      %cond3A = arith.constant 0 : i32
      %cond3A_101 = arith.cmpi ne, %convert_element_type3A, %cond3A : i32
      scf.if %cond3A_101 {
        %add3A_187 = arith.constant 1 : i32
        %add3A_188 = arith.addi %mul3A_97, %add3A_187 : i32
        %mul3A_189 = arith.constant 8 : i32
        %mul3A_190 = arith.muli %add3A_188, %mul3A_189 : i32
        %add3A_191 = arith.addi %mul3A_2, %mul3A_190 : i32
        %dma_start3A_192 = arith.constant 0 : i32
        %dma_start3A_193 = tpu.memref_slice %arg2[%add3A_191, %dma_start3A_192] : memref<8192x4096xf32, #tpu.memory_space<hbm>> -> memref<8x4096xf32, #tpu.memory_space<hbm>>
        %dma_start3A_194 = arith.constant 0 : i32
        %dma_start3A_195 = tpu.memref_slice %arg2[%add3A_191, %dma_start3A_194] : memref<8192x4096xf32, #tpu.memory_space<hbm>> -> memref<8x4096xf32, #tpu.memory_space<hbm>>
        tpu.enqueue_dma source(%dma_start3A_195 : memref<8x4096xf32, #tpu.memory_space<hbm>>) target(%arg7 : memref<8x4096xf32, #tpu.memory_space<vmem>>) target_semaphore(%arg11 : memref<!tpu.dma_semaphore, #tpu.memory_space<semaphore_mem>>)
      } else {
      }
      %add3A_102 = arith.constant 0 : i32
      %add3A_103 = arith.addi %mul3A_2, %add3A_102 : i32
      %dma_wait3A_104 = arith.constant 0 : i32
      %dma_wait3A_105 = tpu.memref_slice %arg2[%add3A_103, %dma_wait3A_104] : memref<8192x4096xf32, #tpu.memory_space<hbm>> -> memref<8x4096xf32, #tpu.memory_space<hbm>>
      %dma_wait3A_106 = arith.constant 0 : i32
      %dma_wait3A_107 = tpu.memref_slice %arg2[%add3A_103, %dma_wait3A_106] : memref<8192x4096xf32, #tpu.memory_space<hbm>> -> memref<8x4096xf32, #tpu.memory_space<hbm>>
      tpu.wait_dma2 semaphore(%arg10 : memref<!tpu.dma_semaphore, #tpu.memory_space<semaphore_mem>>) src(%dma_wait3A_107 : memref<8x4096xf32, #tpu.memory_space<hbm>>) dst(%arg6 : memref<8x4096xf32, #tpu.memory_space<vmem>>)
      %add3A_108 = arith.constant 0 : i32
      %add3A_109 = arith.addi %mul3A_2, %add3A_108 : i32
      %dma_wait3A_110 = arith.constant 0 : i32
      %dma_wait3A_111 = tpu.memref_slice %arg4[%add3A_109, %dma_wait3A_110] : memref<8192x4096xf32, #tpu.memory_space<hbm>> -> memref<8x2048xf32, #tpu.memory_space<hbm>>
      %dma_wait3A_112 = arith.constant 0 : i32
      %dma_wait3A_113 = tpu.memref_slice %arg4[%add3A_109, %dma_wait3A_112] : memref<8192x4096xf32, #tpu.memory_space<hbm>> -> memref<8x2048xf32, #tpu.memory_space<hbm>>
      tpu.wait_dma2 semaphore(%arg12 : memref<!tpu.dma_semaphore, #tpu.memory_space<semaphore_mem>>) src(%arg8 : memref<8x2048xf32, #tpu.memory_space<vmem>>) dst(%dma_wait3A_113 : memref<8x2048xf32, #tpu.memory_space<hbm>>)
      %parallel_loop3A_114 = arith.constant 0 : i32
      %parallel_loop3A_115 = arith.constant 128 : i32
      %parallel_loop3A_116 = arith.constant 1 : i32
      scf.for %parallel_loop3A_187 = %parallel_loop3A_114 to %parallel_loop3A_115 step %parallel_loop3A_116  : i32 {
        %parallel_loop3A_188 = arith.constant 0 : i32
        %parallel_loop3A_189 = arith.addi %parallel_loop3A_188, %parallel_loop3A_187 : i32
        %parallel_loop3A_190 = arith.constant 16 : i32
        %parallel_loop3A_191 = arith.muli %parallel_loop3A_189, %parallel_loop3A_190 : i32
        %parallel_loop3A_192 = arith.index_cast %parallel_loop3A_191 : i32 to index
        %parallel_loop3A_193 = tpu.vector_load %arg5[%parallel_loop3A_192] {strides = array<i32>} : memref<4096xi32, #tpu.memory_space<vmem>>, vector<16xi32>,
        %parallel_loop3A_194 = arith.constant 0 : i32
        %parallel_loop3A_195 = vector.broadcast %parallel_loop3A_194 : i32 to vector<16xi32>
        %parallel_loop3A_196 = tpu.vector_load_idx %arg6[%parallel_loop3A_195, %parallel_loop3A_193] : memref<8x4096xf32, #tpu.memory_space<vmem>>[vector<16xi32>, vector<16xi32>], vector<16xf32>,
        %parallel_loop3A_197 = arith.constant 16 : i32
        %parallel_loop3A_198 = arith.muli %parallel_loop3A_187, %parallel_loop3A_197 : i32
        %parallel_loop3A_199 = arith.constant 0 : i32
        %parallel_loop3A_200 = arith.index_cast %parallel_loop3A_199 : i32 to index
        %parallel_loop3A_201 = arith.index_cast %parallel_loop3A_198 : i32 to index
        %parallel_loop3A_202 = tpu.vector_load %arg8[%parallel_loop3A_200, %parallel_loop3A_201] {strides = array<i32>} : memref<8x2048xf32, #tpu.memory_space<vmem>>, vector<16xf32>,
        tpu.vector_store %arg8[%parallel_loop3A_200, %parallel_loop3A_201], %parallel_loop3A_196 {strides = array<i32>} : memref<8x2048xf32, #tpu.memory_space<vmem>>, vector<16xf32>,
        %parallel_loop3A_203 = arith.constant 1 : i32
        %parallel_loop3A_204 = vector.broadcast %parallel_loop3A_203 : i32 to vector<16xi32>
        %parallel_loop3A_205 = tpu.vector_load_idx %arg6[%parallel_loop3A_204, %parallel_loop3A_193] : memref<8x4096xf32, #tpu.memory_space<vmem>>[vector<16xi32>, vector<16xi32>], vector<16xf32>,
        %parallel_loop3A_206 = arith.constant 16 : i32
        %parallel_loop3A_207 = arith.muli %parallel_loop3A_187, %parallel_loop3A_206 : i32
        %parallel_loop3A_208 = arith.constant 1 : i32
        %parallel_loop3A_209 = arith.index_cast %parallel_loop3A_208 : i32 to index
        %parallel_loop3A_210 = arith.index_cast %parallel_loop3A_207 : i32 to index
        %parallel_loop3A_211 = tpu.vector_load %arg8[%parallel_loop3A_209, %parallel_loop3A_210] {strides = array<i32>} : memref<8x2048xf32, #tpu.memory_space<vmem>>, vector<16xf32>,
        tpu.vector_store %arg8[%parallel_loop3A_209, %parallel_loop3A_210], %parallel_loop3A_205 {strides = array<i32>} : memref<8x2048xf32, #tpu.memory_space<vmem>>, vector<16xf32>,
        %parallel_loop3A_212 = arith.constant 2 : i32
        %parallel_loop3A_213 = vector.broadcast %parallel_loop3A_212 : i32 to vector<16xi32>
        %parallel_loop3A_214 = tpu.vector_load_idx %arg6[%parallel_loop3A_213, %parallel_loop3A_193] : memref<8x4096xf32, #tpu.memory_space<vmem>>[vector<16xi32>, vector<16xi32>], vector<16xf32>,
        %parallel_loop3A_215 = arith.constant 16 : i32
        %parallel_loop3A_216 = arith.muli %parallel_loop3A_187, %parallel_loop3A_215 : i32
        %parallel_loop3A_217 = arith.constant 2 : i32
        %parallel_loop3A_218 = arith.index_cast %parallel_loop3A_217 : i32 to index
        %parallel_loop3A_219 = arith.index_cast %parallel_loop3A_216 : i32 to index
        %parallel_loop3A_220 = tpu.vector_load %arg8[%parallel_loop3A_218, %parallel_loop3A_219] {strides = array<i32>} : memref<8x2048xf32, #tpu.memory_space<vmem>>, vector<16xf32>,
        tpu.vector_store %arg8[%parallel_loop3A_218, %parallel_loop3A_219], %parallel_loop3A_214 {strides = array<i32>} : memref<8x2048xf32, #tpu.memory_space<vmem>>, vector<16xf32>,
        %parallel_loop3A_221 = arith.constant 3 : i32
        %parallel_loop3A_222 = vector.broadcast %parallel_loop3A_221 : i32 to vector<16xi32>
        %parallel_loop3A_223 = tpu.vector_load_idx %arg6[%parallel_loop3A_222, %parallel_loop3A_193] : memref<8x4096xf32, #tpu.memory_space<vmem>>[vector<16xi32>, vector<16xi32>], vector<16xf32>,
        %parallel_loop3A_224 = arith.constant 16 : i32
        %parallel_loop3A_225 = arith.muli %parallel_loop3A_187, %parallel_loop3A_224 : i32
        %parallel_loop3A_226 = arith.constant 3 : i32
        %parallel_loop3A_227 = arith.index_cast %parallel_loop3A_226 : i32 to index
        %parallel_loop3A_228 = arith.index_cast %parallel_loop3A_225 : i32 to index
        %parallel_loop3A_229 = tpu.vector_load %arg8[%parallel_loop3A_227, %parallel_loop3A_228] {strides = array<i32>} : memref<8x2048xf32, #tpu.memory_space<vmem>>, vector<16xf32>,
        tpu.vector_store %arg8[%parallel_loop3A_227, %parallel_loop3A_228], %parallel_loop3A_223 {strides = array<i32>} : memref<8x2048xf32, #tpu.memory_space<vmem>>, vector<16xf32>,
        %parallel_loop3A_230 = arith.constant 4 : i32
        %parallel_loop3A_231 = vector.broadcast %parallel_loop3A_230 : i32 to vector<16xi32>
        %parallel_loop3A_232 = tpu.vector_load_idx %arg6[%parallel_loop3A_231, %parallel_loop3A_193] : memref<8x4096xf32, #tpu.memory_space<vmem>>[vector<16xi32>, vector<16xi32>], vector<16xf32>,
        %parallel_loop3A_233 = arith.constant 16 : i32
        %parallel_loop3A_234 = arith.muli %parallel_loop3A_187, %parallel_loop3A_233 : i32
        %parallel_loop3A_235 = arith.constant 4 : i32
        %parallel_loop3A_236 = arith.index_cast %parallel_loop3A_235 : i32 to index
        %parallel_loop3A_237 = arith.index_cast %parallel_loop3A_234 : i32 to index
        %parallel_loop3A_238 = tpu.vector_load %arg8[%parallel_loop3A_236, %parallel_loop3A_237] {strides = array<i32>} : memref<8x2048xf32, #tpu.memory_space<vmem>>, vector<16xf32>,
        tpu.vector_store %arg8[%parallel_loop3A_236, %parallel_loop3A_237], %parallel_loop3A_232 {strides = array<i32>} : memref<8x2048xf32, #tpu.memory_space<vmem>>, vector<16xf32>,
        %parallel_loop3A_239 = arith.constant 5 : i32
        %parallel_loop3A_240 = vector.broadcast %parallel_loop3A_239 : i32 to vector<16xi32>
        %parallel_loop3A_241 = tpu.vector_load_idx %arg6[%parallel_loop3A_240, %parallel_loop3A_193] : memref<8x4096xf32, #tpu.memory_space<vmem>>[vector<16xi32>, vector<16xi32>], vector<16xf32>,
        %parallel_loop3A_242 = arith.constant 16 : i32
        %parallel_loop3A_243 = arith.muli %parallel_loop3A_187, %parallel_loop3A_242 : i32
        %parallel_loop3A_244 = arith.constant 5 : i32
        %parallel_loop3A_245 = arith.index_cast %parallel_loop3A_244 : i32 to index
        %parallel_loop3A_246 = arith.index_cast %parallel_loop3A_243 : i32 to index
        %parallel_loop3A_247 = tpu.vector_load %arg8[%parallel_loop3A_245, %parallel_loop3A_246] {strides = array<i32>} : memref<8x2048xf32, #tpu.memory_space<vmem>>, vector<16xf32>,
        tpu.vector_store %arg8[%parallel_loop3A_245, %parallel_loop3A_246], %parallel_loop3A_241 {strides = array<i32>} : memref<8x2048xf32, #tpu.memory_space<vmem>>, vector<16xf32>,
        %parallel_loop3A_248 = arith.constant 6 : i32
        %parallel_loop3A_249 = vector.broadcast %parallel_loop3A_248 : i32 to vector<16xi32>
        %parallel_loop3A_250 = tpu.vector_load_idx %arg6[%parallel_loop3A_249, %parallel_loop3A_193] : memref<8x4096xf32, #tpu.memory_space<vmem>>[vector<16xi32>, vector<16xi32>], vector<16xf32>,
        %parallel_loop3A_251 = arith.constant 16 : i32
        %parallel_loop3A_252 = arith.muli %parallel_loop3A_187, %parallel_loop3A_251 : i32
        %parallel_loop3A_253 = arith.constant 6 : i32
        %parallel_loop3A_254 = arith.index_cast %parallel_loop3A_253 : i32 to index
        %parallel_loop3A_255 = arith.index_cast %parallel_loop3A_252 : i32 to index
        %parallel_loop3A_256 = tpu.vector_load %arg8[%parallel_loop3A_254, %parallel_loop3A_255] {strides = array<i32>} : memref<8x2048xf32, #tpu.memory_space<vmem>>, vector<16xf32>,
        tpu.vector_store %arg8[%parallel_loop3A_254, %parallel_loop3A_255], %parallel_loop3A_250 {strides = array<i32>} : memref<8x2048xf32, #tpu.memory_space<vmem>>, vector<16xf32>,
        %parallel_loop3A_257 = arith.constant 7 : i32
        %parallel_loop3A_258 = vector.broadcast %parallel_loop3A_257 : i32 to vector<16xi32>
        %parallel_loop3A_259 = tpu.vector_load_idx %arg6[%parallel_loop3A_258, %parallel_loop3A_193] : memref<8x4096xf32, #tpu.memory_space<vmem>>[vector<16xi32>, vector<16xi32>], vector<16xf32>,
        %parallel_loop3A_260 = arith.constant 16 : i32
        %parallel_loop3A_261 = arith.muli %parallel_loop3A_187, %parallel_loop3A_260 : i32
        %parallel_loop3A_262 = arith.constant 7 : i32
        %parallel_loop3A_263 = arith.index_cast %parallel_loop3A_262 : i32 to index
        %parallel_loop3A_264 = arith.index_cast %parallel_loop3A_261 : i32 to index
        %parallel_loop3A_265 = tpu.vector_load %arg8[%parallel_loop3A_263, %parallel_loop3A_264] {strides = array<i32>} : memref<8x2048xf32, #tpu.memory_space<vmem>>, vector<16xf32>,
        tpu.vector_store %arg8[%parallel_loop3A_263, %parallel_loop3A_264], %parallel_loop3A_259 {strides = array<i32>} : memref<8x2048xf32, #tpu.memory_space<vmem>>, vector<16xf32>,
      } {sc.loop_unroll_factor = 8 : i64, sc.parallel_access}
      %mul3A_117 = arith.constant 8 : i32
      %mul3A_118 = arith.muli %mul3A_97, %mul3A_117 : i32
      %add3A_119 = arith.addi %mul3A_2, %mul3A_118 : i32
      %dma_start3A_120 = arith.constant 0 : i32
      %dma_start3A_121 = tpu.memref_slice %arg4[%add3A_119, %dma_start3A_120] : memref<8192x4096xf32, #tpu.memory_space<hbm>> -> memref<8x2048xf32, #tpu.memory_space<hbm>>
      %dma_start3A_122 = arith.constant 0 : i32
      %dma_start3A_123 = tpu.memref_slice %arg4[%add3A_119, %dma_start3A_122] : memref<8192x4096xf32, #tpu.memory_space<hbm>> -> memref<8x2048xf32, #tpu.memory_space<hbm>>
      tpu.enqueue_dma source(%arg8 : memref<8x2048xf32, #tpu.memory_space<vmem>>) target(%dma_start3A_123 : memref<8x2048xf32, #tpu.memory_space<hbm>>) target_semaphore(%arg12 : memref<!tpu.dma_semaphore, #tpu.memory_space<semaphore_mem>>)
      %add3A_124 = arith.constant 0 : i32
      %add3A_125 = arith.addi %mul3A_2, %add3A_124 : i32
      %dma_wait3A_126 = arith.constant 2048 : i32
      %dma_wait3A_127 = tpu.memref_slice %arg4[%add3A_125, %dma_wait3A_126] : memref<8192x4096xf32, #tpu.memory_space<hbm>> -> memref<8x2048xf32, #tpu.memory_space<hbm>>
      %dma_wait3A_128 = arith.constant 2048 : i32
      %dma_wait3A_129 = tpu.memref_slice %arg4[%add3A_125, %dma_wait3A_128] : memref<8192x4096xf32, #tpu.memory_space<hbm>> -> memref<8x2048xf32, #tpu.memory_space<hbm>>
      tpu.wait_dma2 semaphore(%arg13 : memref<!tpu.dma_semaphore, #tpu.memory_space<semaphore_mem>>) src(%arg9 : memref<8x2048xf32, #tpu.memory_space<vmem>>) dst(%dma_wait3A_129 : memref<8x2048xf32, #tpu.memory_space<hbm>>)
      %parallel_loop3A_130 = arith.constant 0 : i32
      %parallel_loop3A_131 = arith.constant 128 : i32
      %parallel_loop3A_132 = arith.constant 1 : i32
      scf.for %parallel_loop3A_187 = %parallel_loop3A_130 to %parallel_loop3A_131 step %parallel_loop3A_132  : i32 {
        %parallel_loop3A_188 = arith.constant 128 : i32
        %parallel_loop3A_189 = arith.addi %parallel_loop3A_188, %parallel_loop3A_187 : i32
        %parallel_loop3A_190 = arith.constant 16 : i32
        %parallel_loop3A_191 = arith.muli %parallel_loop3A_189, %parallel_loop3A_190 : i32
        %parallel_loop3A_192 = arith.index_cast %parallel_loop3A_191 : i32 to index
        %parallel_loop3A_193 = tpu.vector_load %arg5[%parallel_loop3A_192] {strides = array<i32>} : memref<4096xi32, #tpu.memory_space<vmem>>, vector<16xi32>,
        %parallel_loop3A_194 = arith.constant 0 : i32
        %parallel_loop3A_195 = vector.broadcast %parallel_loop3A_194 : i32 to vector<16xi32>
        %parallel_loop3A_196 = tpu.vector_load_idx %arg6[%parallel_loop3A_195, %parallel_loop3A_193] : memref<8x4096xf32, #tpu.memory_space<vmem>>[vector<16xi32>, vector<16xi32>], vector<16xf32>,
        %parallel_loop3A_197 = arith.constant 16 : i32
        %parallel_loop3A_198 = arith.muli %parallel_loop3A_187, %parallel_loop3A_197 : i32
        %parallel_loop3A_199 = arith.constant 0 : i32
        %parallel_loop3A_200 = arith.index_cast %parallel_loop3A_199 : i32 to index
        %parallel_loop3A_201 = arith.index_cast %parallel_loop3A_198 : i32 to index
        %parallel_loop3A_202 = tpu.vector_load %arg9[%parallel_loop3A_200, %parallel_loop3A_201] {strides = array<i32>} : memref<8x2048xf32, #tpu.memory_space<vmem>>, vector<16xf32>,
        tpu.vector_store %arg9[%parallel_loop3A_200, %parallel_loop3A_201], %parallel_loop3A_196 {strides = array<i32>} : memref<8x2048xf32, #tpu.memory_space<vmem>>, vector<16xf32>,
        %parallel_loop3A_203 = arith.constant 1 : i32
        %parallel_loop3A_204 = vector.broadcast %parallel_loop3A_203 : i32 to vector<16xi32>
        %parallel_loop3A_205 = tpu.vector_load_idx %arg6[%parallel_loop3A_204, %parallel_loop3A_193] : memref<8x4096xf32, #tpu.memory_space<vmem>>[vector<16xi32>, vector<16xi32>], vector<16xf32>,
        %parallel_loop3A_206 = arith.constant 16 : i32
        %parallel_loop3A_207 = arith.muli %parallel_loop3A_187, %parallel_loop3A_206 : i32
        %parallel_loop3A_208 = arith.constant 1 : i32
        %parallel_loop3A_209 = arith.index_cast %parallel_loop3A_208 : i32 to index
        %parallel_loop3A_210 = arith.index_cast %parallel_loop3A_207 : i32 to index
        %parallel_loop3A_211 = tpu.vector_load %arg9[%parallel_loop3A_209, %parallel_loop3A_210] {strides = array<i32>} : memref<8x2048xf32, #tpu.memory_space<vmem>>, vector<16xf32>,
        tpu.vector_store %arg9[%parallel_loop3A_209, %parallel_loop3A_210], %parallel_loop3A_205 {strides = array<i32>} : memref<8x2048xf32, #tpu.memory_space<vmem>>, vector<16xf32>,
        %parallel_loop3A_212 = arith.constant 2 : i32
        %parallel_loop3A_213 = vector.broadcast %parallel_loop3A_212 : i32 to vector<16xi32>
        %parallel_loop3A_214 = tpu.vector_load_idx %arg6[%parallel_loop3A_213, %parallel_loop3A_193] : memref<8x4096xf32, #tpu.memory_space<vmem>>[vector<16xi32>, vector<16xi32>], vector<16xf32>,
        %parallel_loop3A_215 = arith.constant 16 : i32
        %parallel_loop3A_216 = arith.muli %parallel_loop3A_187, %parallel_loop3A_215 : i32
        %parallel_loop3A_217 = arith.constant 2 : i32
        %parallel_loop3A_218 = arith.index_cast %parallel_loop3A_217 : i32 to index
        %parallel_loop3A_219 = arith.index_cast %parallel_loop3A_216 : i32 to index
        %parallel_loop3A_220 = tpu.vector_load %arg9[%parallel_loop3A_218, %parallel_loop3A_219] {strides = array<i32>} : memref<8x2048xf32, #tpu.memory_space<vmem>>, vector<16xf32>,
        tpu.vector_store %arg9[%parallel_loop3A_218, %parallel_loop3A_219], %parallel_loop3A_214 {strides = array<i32>} : memref<8x2048xf32, #tpu.memory_space<vmem>>, vector<16xf32>,
        %parallel_loop3A_221 = arith.constant 3 : i32
        %parallel_loop3A_222 = vector.broadcast %parallel_loop3A_221 : i32 to vector<16xi32>
        %parallel_loop3A_223 = tpu.vector_load_idx %arg6[%parallel_loop3A_222, %parallel_loop3A_193] : memref<8x4096xf32, #tpu.memory_space<vmem>>[vector<16xi32>, vector<16xi32>], vector<16xf32>,
        %parallel_loop3A_224 = arith.constant 16 : i32
        %parallel_loop3A_225 = arith.muli %parallel_loop3A_187, %parallel_loop3A_224 : i32
        %parallel_loop3A_226 = arith.constant 3 : i32
        %parallel_loop3A_227 = arith.index_cast %parallel_loop3A_226 : i32 to index
        %parallel_loop3A_228 = arith.index_cast %parallel_loop3A_225 : i32 to index
        %parallel_loop3A_229 = tpu.vector_load %arg9[%parallel_loop3A_227, %parallel_loop3A_228] {strides = array<i32>} : memref<8x2048xf32, #tpu.memory_space<vmem>>, vector<16xf32>,
        tpu.vector_store %arg9[%parallel_loop3A_227, %parallel_loop3A_228], %parallel_loop3A_223 {strides = array<i32>} : memref<8x2048xf32, #tpu.memory_space<vmem>>, vector<16xf32>,
        %parallel_loop3A_230 = arith.constant 4 : i32
        %parallel_loop3A_231 = vector.broadcast %parallel_loop3A_230 : i32 to vector<16xi32>
        %parallel_loop3A_232 = tpu.vector_load_idx %arg6[%parallel_loop3A_231, %parallel_loop3A_193] : memref<8x4096xf32, #tpu.memory_space<vmem>>[vector<16xi32>, vector<16xi32>], vector<16xf32>,
        %parallel_loop3A_233 = arith.constant 16 : i32
        %parallel_loop3A_234 = arith.muli %parallel_loop3A_187, %parallel_loop3A_233 : i32
        %parallel_loop3A_235 = arith.constant 4 : i32
        %parallel_loop3A_236 = arith.index_cast %parallel_loop3A_235 : i32 to index
        %parallel_loop3A_237 = arith.index_cast %parallel_loop3A_234 : i32 to index
        %parallel_loop3A_238 = tpu.vector_load %arg9[%parallel_loop3A_236, %parallel_loop3A_237] {strides = array<i32>} : memref<8x2048xf32, #tpu.memory_space<vmem>>, vector<16xf32>,
        tpu.vector_store %arg9[%parallel_loop3A_236, %parallel_loop3A_237], %parallel_loop3A_232 {strides = array<i32>} : memref<8x2048xf32, #tpu.memory_space<vmem>>, vector<16xf32>,
        %parallel_loop3A_239 = arith.constant 5 : i32
        %parallel_loop3A_240 = vector.broadcast %parallel_loop3A_239 : i32 to vector<16xi32>
        %parallel_loop3A_241 = tpu.vector_load_idx %arg6[%parallel_loop3A_240, %parallel_loop3A_193] : memref<8x4096xf32, #tpu.memory_space<vmem>>[vector<16xi32>, vector<16xi32>], vector<16xf32>,
        %parallel_loop3A_242 = arith.constant 16 : i32
        %parallel_loop3A_243 = arith.muli %parallel_loop3A_187, %parallel_loop3A_242 : i32
        %parallel_loop3A_244 = arith.constant 5 : i32
        %parallel_loop3A_245 = arith.index_cast %parallel_loop3A_244 : i32 to index
        %parallel_loop3A_246 = arith.index_cast %parallel_loop3A_243 : i32 to index
        %parallel_loop3A_247 = tpu.vector_load %arg9[%parallel_loop3A_245, %parallel_loop3A_246] {strides = array<i32>} : memref<8x2048xf32, #tpu.memory_space<vmem>>, vector<16xf32>,
        tpu.vector_store %arg9[%parallel_loop3A_245, %parallel_loop3A_246], %parallel_loop3A_241 {strides = array<i32>} : memref<8x2048xf32, #tpu.memory_space<vmem>>, vector<16xf32>,
        %parallel_loop3A_248 = arith.constant 6 : i32
        %parallel_loop3A_249 = vector.broadcast %parallel_loop3A_248 : i32 to vector<16xi32>
        %parallel_loop3A_250 = tpu.vector_load_idx %arg6[%parallel_loop3A_249, %parallel_loop3A_193] : memref<8x4096xf32, #tpu.memory_space<vmem>>[vector<16xi32>, vector<16xi32>], vector<16xf32>,
        %parallel_loop3A_251 = arith.constant 16 : i32
        %parallel_loop3A_252 = arith.muli %parallel_loop3A_187, %parallel_loop3A_251 : i32
        %parallel_loop3A_253 = arith.constant 6 : i32
        %parallel_loop3A_254 = arith.index_cast %parallel_loop3A_253 : i32 to index
        %parallel_loop3A_255 = arith.index_cast %parallel_loop3A_252 : i32 to index
        %parallel_loop3A_256 = tpu.vector_load %arg9[%parallel_loop3A_254, %parallel_loop3A_255] {strides = array<i32>} : memref<8x2048xf32, #tpu.memory_space<vmem>>, vector<16xf32>,
        tpu.vector_store %arg9[%parallel_loop3A_254, %parallel_loop3A_255], %parallel_loop3A_250 {strides = array<i32>} : memref<8x2048xf32, #tpu.memory_space<vmem>>, vector<16xf32>,
        %parallel_loop3A_257 = arith.constant 7 : i32
        %parallel_loop3A_258 = vector.broadcast %parallel_loop3A_257 : i32 to vector<16xi32>
        %parallel_loop3A_259 = tpu.vector_load_idx %arg6[%parallel_loop3A_258, %parallel_loop3A_193] : memref<8x4096xf32, #tpu.memory_space<vmem>>[vector<16xi32>, vector<16xi32>], vector<16xf32>,
        %parallel_loop3A_260 = arith.constant 16 : i32
        %parallel_loop3A_261 = arith.muli %parallel_loop3A_187, %parallel_loop3A_260 : i32
        %parallel_loop3A_262 = arith.constant 7 : i32
        %parallel_loop3A_263 = arith.index_cast %parallel_loop3A_262 : i32 to index
        %parallel_loop3A_264 = arith.index_cast %parallel_loop3A_261 : i32 to index
        %parallel_loop3A_265 = tpu.vector_load %arg9[%parallel_loop3A_263, %parallel_loop3A_264] {strides = array<i32>} : memref<8x2048xf32, #tpu.memory_space<vmem>>, vector<16xf32>,
        tpu.vector_store %arg9[%parallel_loop3A_263, %parallel_loop3A_264], %parallel_loop3A_259 {strides = array<i32>} : memref<8x2048xf32, #tpu.memory_space<vmem>>, vector<16xf32>,
      } {sc.loop_unroll_factor = 8 : i64, sc.parallel_access}
      %mul3A_133 = arith.constant 8 : i32
      %mul3A_134 = arith.muli %mul3A_97, %mul3A_133 : i32
      %add3A_135 = arith.addi %mul3A_2, %mul3A_134 : i32
      %dma_start3A_136 = arith.constant 2048 : i32
      %dma_start3A_137 = tpu.memref_slice %arg4[%add3A_135, %dma_start3A_136] : memref<8192x4096xf32, #tpu.memory_space<hbm>> -> memref<8x2048xf32, #tpu.memory_space<hbm>>
      %dma_start3A_138 = arith.constant 2048 : i32
      %dma_start3A_139 = tpu.memref_slice %arg4[%add3A_135, %dma_start3A_138] : memref<8192x4096xf32, #tpu.memory_space<hbm>> -> memref<8x2048xf32, #tpu.memory_space<hbm>>
      tpu.enqueue_dma source(%arg9 : memref<8x2048xf32, #tpu.memory_space<vmem>>) target(%dma_start3A_139 : memref<8x2048xf32, #tpu.memory_space<hbm>>) target_semaphore(%arg13 : memref<!tpu.dma_semaphore, #tpu.memory_space<semaphore_mem>>)
      %add3A_140 = arith.constant 2 : i32
      %add3A_141 = arith.addi %mul3A_97, %add3A_140 : i32
      %lt3A_142 = arith.constant 32 : i32
      %lt3A_143 = arith.cmpi slt, %add3A_141, %lt3A_142 : i32
      %convert_element_type3A_144 = arith.extui %lt3A_143 : i1 to i32
      %cond3A_145 = arith.constant 0 : i32
      %cond3A_146 = arith.cmpi ne, %convert_element_type3A_144, %cond3A_145 : i32
      scf.if %cond3A_146 {
        %add3A_187 = arith.constant 2 : i32
        %add3A_188 = arith.addi %mul3A_97, %add3A_187 : i32
        %mul3A_189 = arith.constant 8 : i32
        %mul3A_190 = arith.muli %add3A_188, %mul3A_189 : i32
        %add3A_191 = arith.addi %mul3A_2, %mul3A_190 : i32
        %dma_start3A_192 = arith.constant 0 : i32
        %dma_start3A_193 = tpu.memref_slice %arg2[%add3A_191, %dma_start3A_192] : memref<8192x4096xf32, #tpu.memory_space<hbm>> -> memref<8x4096xf32, #tpu.memory_space<hbm>>
        %dma_start3A_194 = arith.constant 0 : i32
        %dma_start3A_195 = tpu.memref_slice %arg2[%add3A_191, %dma_start3A_194] : memref<8192x4096xf32, #tpu.memory_space<hbm>> -> memref<8x4096xf32, #tpu.memory_space<hbm>>
        tpu.enqueue_dma source(%dma_start3A_195 : memref<8x4096xf32, #tpu.memory_space<hbm>>) target(%arg6 : memref<8x4096xf32, #tpu.memory_space<vmem>>) target_semaphore(%arg10 : memref<!tpu.dma_semaphore, #tpu.memory_space<semaphore_mem>>)
      } else {
      }
      %add3A_147 = arith.constant 0 : i32
      %add3A_148 = arith.addi %mul3A_2, %add3A_147 : i32
      %dma_wait3A_149 = arith.constant 0 : i32
      %dma_wait3A_150 = tpu.memref_slice %arg2[%add3A_148, %dma_wait3A_149] : memref<8192x4096xf32, #tpu.memory_space<hbm>> -> memref<8x4096xf32, #tpu.memory_space<hbm>>
      %dma_wait3A_151 = arith.constant 0 : i32
      %dma_wait3A_152 = tpu.memref_slice %arg2[%add3A_148, %dma_wait3A_151] : memref<8192x4096xf32, #tpu.memory_space<hbm>> -> memref<8x4096xf32, #tpu.memory_space<hbm>>
      tpu.wait_dma2 semaphore(%arg11 : memref<!tpu.dma_semaphore, #tpu.memory_space<semaphore_mem>>) src(%dma_wait3A_152 : memref<8x4096xf32, #tpu.memory_space<hbm>>) dst(%arg7 : memref<8x4096xf32, #tpu.memory_space<vmem>>)
      %add3A_153 = arith.constant 1 : i32
      %add3A_154 = arith.addi %mul3A_97, %add3A_153 : i32
      %add3A_155 = arith.constant 0 : i32
      %add3A_156 = arith.addi %mul3A_2, %add3A_155 : i32
      %dma_wait3A_157 = arith.constant 0 : i32
      %dma_wait3A_158 = tpu.memref_slice %arg4[%add3A_156, %dma_wait3A_157] : memref<8192x4096xf32, #tpu.memory_space<hbm>> -> memref<8x2048xf32, #tpu.memory_space<hbm>>
      %dma_wait3A_159 = arith.constant 0 : i32
      %dma_wait3A_160 = tpu.memref_slice %arg4[%add3A_156, %dma_wait3A_159] : memref<8192x4096xf32, #tpu.memory_space<hbm>> -> memref<8x2048xf32, #tpu.memory_space<hbm>>
      tpu.wait_dma2 semaphore(%arg12 : memref<!tpu.dma_semaphore, #tpu.memory_space<semaphore_mem>>) src(%arg8 : memref<8x2048xf32, #tpu.memory_space<vmem>>) dst(%dma_wait3A_160 : memref<8x2048xf32, #tpu.memory_space<hbm>>)
      %parallel_loop3A_161 = arith.constant 0 : i32
      %parallel_loop3A_162 = arith.constant 128 : i32
      %parallel_loop3A_163 = arith.constant 1 : i32
      scf.for %parallel_loop3A_187 = %parallel_loop3A_161 to %parallel_loop3A_162 step %parallel_loop3A_163  : i32 {
        %parallel_loop3A_188 = arith.constant 0 : i32
        %parallel_loop3A_189 = arith.addi %parallel_loop3A_188, %parallel_loop3A_187 : i32
        %parallel_loop3A_190 = arith.constant 16 : i32
        %parallel_loop3A_191 = arith.muli %parallel_loop3A_189, %parallel_loop3A_190 : i32
        %parallel_loop3A_192 = arith.index_cast %parallel_loop3A_191 : i32 to index
        %parallel_loop3A_193 = tpu.vector_load %arg5[%parallel_loop3A_192] {strides = array<i32>} : memref<4096xi32, #tpu.memory_space<vmem>>, vector<16xi32>,
        %parallel_loop3A_194 = arith.constant 0 : i32
        %parallel_loop3A_195 = vector.broadcast %parallel_loop3A_194 : i32 to vector<16xi32>
        %parallel_loop3A_196 = tpu.vector_load_idx %arg7[%parallel_loop3A_195, %parallel_loop3A_193] : memref<8x4096xf32, #tpu.memory_space<vmem>>[vector<16xi32>, vector<16xi32>], vector<16xf32>,
        %parallel_loop3A_197 = arith.constant 16 : i32
        %parallel_loop3A_198 = arith.muli %parallel_loop3A_187, %parallel_loop3A_197 : i32
        %parallel_loop3A_199 = arith.constant 0 : i32
        %parallel_loop3A_200 = arith.index_cast %parallel_loop3A_199 : i32 to index
        %parallel_loop3A_201 = arith.index_cast %parallel_loop3A_198 : i32 to index
        %parallel_loop3A_202 = tpu.vector_load %arg8[%parallel_loop3A_200, %parallel_loop3A_201] {strides = array<i32>} : memref<8x2048xf32, #tpu.memory_space<vmem>>, vector<16xf32>,
        tpu.vector_store %arg8[%parallel_loop3A_200, %parallel_loop3A_201], %parallel_loop3A_196 {strides = array<i32>} : memref<8x2048xf32, #tpu.memory_space<vmem>>, vector<16xf32>,
        %parallel_loop3A_203 = arith.constant 1 : i32
        %parallel_loop3A_204 = vector.broadcast %parallel_loop3A_203 : i32 to vector<16xi32>
        %parallel_loop3A_205 = tpu.vector_load_idx %arg7[%parallel_loop3A_204, %parallel_loop3A_193] : memref<8x4096xf32, #tpu.memory_space<vmem>>[vector<16xi32>, vector<16xi32>], vector<16xf32>,
        %parallel_loop3A_206 = arith.constant 16 : i32
        %parallel_loop3A_207 = arith.muli %parallel_loop3A_187, %parallel_loop3A_206 : i32
        %parallel_loop3A_208 = arith.constant 1 : i32
        %parallel_loop3A_209 = arith.index_cast %parallel_loop3A_208 : i32 to index
        %parallel_loop3A_210 = arith.index_cast %parallel_loop3A_207 : i32 to index
        %parallel_loop3A_211 = tpu.vector_load %arg8[%parallel_loop3A_209, %parallel_loop3A_210] {strides = array<i32>} : memref<8x2048xf32, #tpu.memory_space<vmem>>, vector<16xf32>,
        tpu.vector_store %arg8[%parallel_loop3A_209, %parallel_loop3A_210], %parallel_loop3A_205 {strides = array<i32>} : memref<8x2048xf32, #tpu.memory_space<vmem>>, vector<16xf32>,
        %parallel_loop3A_212 = arith.constant 2 : i32
        %parallel_loop3A_213 = vector.broadcast %parallel_loop3A_212 : i32 to vector<16xi32>
        %parallel_loop3A_214 = tpu.vector_load_idx %arg7[%parallel_loop3A_213, %parallel_loop3A_193] : memref<8x4096xf32, #tpu.memory_space<vmem>>[vector<16xi32>, vector<16xi32>], vector<16xf32>,
        %parallel_loop3A_215 = arith.constant 16 : i32
        %parallel_loop3A_216 = arith.muli %parallel_loop3A_187, %parallel_loop3A_215 : i32
        %parallel_loop3A_217 = arith.constant 2 : i32
        %parallel_loop3A_218 = arith.index_cast %parallel_loop3A_217 : i32 to index
        %parallel_loop3A_219 = arith.index_cast %parallel_loop3A_216 : i32 to index
        %parallel_loop3A_220 = tpu.vector_load %arg8[%parallel_loop3A_218, %parallel_loop3A_219] {strides = array<i32>} : memref<8x2048xf32, #tpu.memory_space<vmem>>, vector<16xf32>,
        tpu.vector_store %arg8[%parallel_loop3A_218, %parallel_loop3A_219], %parallel_loop3A_214 {strides = array<i32>} : memref<8x2048xf32, #tpu.memory_space<vmem>>, vector<16xf32>,
        %parallel_loop3A_221 = arith.constant 3 : i32
        %parallel_loop3A_222 = vector.broadcast %parallel_loop3A_221 : i32 to vector<16xi32>
        %parallel_loop3A_223 = tpu.vector_load_idx %arg7[%parallel_loop3A_222, %parallel_loop3A_193] : memref<8x4096xf32, #tpu.memory_space<vmem>>[vector<16xi32>, vector<16xi32>], vector<16xf32>,
        %parallel_loop3A_224 = arith.constant 16 : i32
        %parallel_loop3A_225 = arith.muli %parallel_loop3A_187, %parallel_loop3A_224 : i32
        %parallel_loop3A_226 = arith.constant 3 : i32
        %parallel_loop3A_227 = arith.index_cast %parallel_loop3A_226 : i32 to index
        %parallel_loop3A_228 = arith.index_cast %parallel_loop3A_225 : i32 to index
        %parallel_loop3A_229 = tpu.vector_load %arg8[%parallel_loop3A_227, %parallel_loop3A_228] {strides = array<i32>} : memref<8x2048xf32, #tpu.memory_space<vmem>>, vector<16xf32>,
        tpu.vector_store %arg8[%parallel_loop3A_227, %parallel_loop3A_228], %parallel_loop3A_223 {strides = array<i32>} : memref<8x2048xf32, #tpu.memory_space<vmem>>, vector<16xf32>,
        %parallel_loop3A_230 = arith.constant 4 : i32
        %parallel_loop3A_231 = vector.broadcast %parallel_loop3A_230 : i32 to vector<16xi32>
        %parallel_loop3A_232 = tpu.vector_load_idx %arg7[%parallel_loop3A_231, %parallel_loop3A_193] : memref<8x4096xf32, #tpu.memory_space<vmem>>[vector<16xi32>, vector<16xi32>], vector<16xf32>,
        %parallel_loop3A_233 = arith.constant 16 : i32
        %parallel_loop3A_234 = arith.muli %parallel_loop3A_187, %parallel_loop3A_233 : i32
        %parallel_loop3A_235 = arith.constant 4 : i32
        %parallel_loop3A_236 = arith.index_cast %parallel_loop3A_235 : i32 to index
        %parallel_loop3A_237 = arith.index_cast %parallel_loop3A_234 : i32 to index
        %parallel_loop3A_238 = tpu.vector_load %arg8[%parallel_loop3A_236, %parallel_loop3A_237] {strides = array<i32>} : memref<8x2048xf32, #tpu.memory_space<vmem>>, vector<16xf32>,
        tpu.vector_store %arg8[%parallel_loop3A_236, %parallel_loop3A_237], %parallel_loop3A_232 {strides = array<i32>} : memref<8x2048xf32, #tpu.memory_space<vmem>>, vector<16xf32>,
        %parallel_loop3A_239 = arith.constant 5 : i32
        %parallel_loop3A_240 = vector.broadcast %parallel_loop3A_239 : i32 to vector<16xi32>
        %parallel_loop3A_241 = tpu.vector_load_idx %arg7[%parallel_loop3A_240, %parallel_loop3A_193] : memref<8x4096xf32, #tpu.memory_space<vmem>>[vector<16xi32>, vector<16xi32>], vector<16xf32>,
        %parallel_loop3A_242 = arith.constant 16 : i32
        %parallel_loop3A_243 = arith.muli %parallel_loop3A_187, %parallel_loop3A_242 : i32
        %parallel_loop3A_244 = arith.constant 5 : i32
        %parallel_loop3A_245 = arith.index_cast %parallel_loop3A_244 : i32 to index
        %parallel_loop3A_246 = arith.index_cast %parallel_loop3A_243 : i32 to index
        %parallel_loop3A_247 = tpu.vector_load %arg8[%parallel_loop3A_245, %parallel_loop3A_246] {strides = array<i32>} : memref<8x2048xf32, #tpu.memory_space<vmem>>, vector<16xf32>,
        tpu.vector_store %arg8[%parallel_loop3A_245, %parallel_loop3A_246], %parallel_loop3A_241 {strides = array<i32>} : memref<8x2048xf32, #tpu.memory_space<vmem>>, vector<16xf32>,
        %parallel_loop3A_248 = arith.constant 6 : i32
        %parallel_loop3A_249 = vector.broadcast %parallel_loop3A_248 : i32 to vector<16xi32>
        %parallel_loop3A_250 = tpu.vector_load_idx %arg7[%parallel_loop3A_249, %parallel_loop3A_193] : memref<8x4096xf32, #tpu.memory_space<vmem>>[vector<16xi32>, vector<16xi32>], vector<16xf32>,
        %parallel_loop3A_251 = arith.constant 16 : i32
        %parallel_loop3A_252 = arith.muli %parallel_loop3A_187, %parallel_loop3A_251 : i32
        %parallel_loop3A_253 = arith.constant 6 : i32
        %parallel_loop3A_254 = arith.index_cast %parallel_loop3A_253 : i32 to index
        %parallel_loop3A_255 = arith.index_cast %parallel_loop3A_252 : i32 to index
        %parallel_loop3A_256 = tpu.vector_load %arg8[%parallel_loop3A_254, %parallel_loop3A_255] {strides = array<i32>} : memref<8x2048xf32, #tpu.memory_space<vmem>>, vector<16xf32>,
        tpu.vector_store %arg8[%parallel_loop3A_254, %parallel_loop3A_255], %parallel_loop3A_250 {strides = array<i32>} : memref<8x2048xf32, #tpu.memory_space<vmem>>, vector<16xf32>,
        %parallel_loop3A_257 = arith.constant 7 : i32
        %parallel_loop3A_258 = vector.broadcast %parallel_loop3A_257 : i32 to vector<16xi32>
        %parallel_loop3A_259 = tpu.vector_load_idx %arg7[%parallel_loop3A_258, %parallel_loop3A_193] : memref<8x4096xf32, #tpu.memory_space<vmem>>[vector<16xi32>, vector<16xi32>], vector<16xf32>,
        %parallel_loop3A_260 = arith.constant 16 : i32
        %parallel_loop3A_261 = arith.muli %parallel_loop3A_187, %parallel_loop3A_260 : i32
        %parallel_loop3A_262 = arith.constant 7 : i32
        %parallel_loop3A_263 = arith.index_cast %parallel_loop3A_262 : i32 to index
        %parallel_loop3A_264 = arith.index_cast %parallel_loop3A_261 : i32 to index
        %parallel_loop3A_265 = tpu.vector_load %arg8[%parallel_loop3A_263, %parallel_loop3A_264] {strides = array<i32>} : memref<8x2048xf32, #tpu.memory_space<vmem>>, vector<16xf32>,
        tpu.vector_store %arg8[%parallel_loop3A_263, %parallel_loop3A_264], %parallel_loop3A_259 {strides = array<i32>} : memref<8x2048xf32, #tpu.memory_space<vmem>>, vector<16xf32>,
      } {sc.loop_unroll_factor = 8 : i64, sc.parallel_access}
      %mul3A_164 = arith.constant 8 : i32
      %mul3A_165 = arith.muli %add3A_154, %mul3A_164 : i32
      %add3A_166 = arith.addi %mul3A_2, %mul3A_165 : i32
      %dma_start3A_167 = arith.constant 0 : i32
      %dma_start3A_168 = tpu.memref_slice %arg4[%add3A_166, %dma_start3A_167] : memref<8192x4096xf32, #tpu.memory_space<hbm>> -> memref<8x2048xf32, #tpu.memory_space<hbm>>
      %dma_start3A_169 = arith.constant 0 : i32
      %dma_start3A_170 = tpu.memref_slice %arg4[%add3A_166, %dma_start3A_169] : memref<8192x4096xf32, #tpu.memory_space<hbm>> -> memref<8x2048xf32, #tpu.memory_space<hbm>>
      tpu.enqueue_dma source(%arg8 : memref<8x2048xf32, #tpu.memory_space<vmem>>) target(%dma_start3A_170 : memref<8x2048xf32, #tpu.memory_space<hbm>>) target_semaphore(%arg12 : memref<!tpu.dma_semaphore, #tpu.memory_space<semaphore_mem>>)
      %add3A_171 = arith.constant 0 : i32
      %add3A_172 = arith.addi %mul3A_2, %add3A_171 : i32
      %dma_wait3A_173 = arith.constant 2048 : i32
      %dma_wait3A_174 = tpu.memref_slice %arg4[%add3A_172, %dma_wait3A_173] : memref<8192x4096xf32, #tpu.memory_space<hbm>> -> memref<8x2048xf32, #tpu.memory_space<hbm>>
      %dma_wait3A_175 = arith.constant 2048 : i32
      %dma_wait3A_176 = tpu.memref_slice %arg4[%add3A_172, %dma_wait3A_175] : memref<8192x4096xf32, #tpu.memory_space<hbm>> -> memref<8x2048xf32, #tpu.memory_space<hbm>>
      tpu.wait_dma2 semaphore(%arg13 : memref<!tpu.dma_semaphore, #tpu.memory_space<semaphore_mem>>) src(%arg9 : memref<8x2048xf32, #tpu.memory_space<vmem>>) dst(%dma_wait3A_176 : memref<8x2048xf32, #tpu.memory_space<hbm>>)
      %parallel_loop3A_177 = arith.constant 0 : i32
      %parallel_loop3A_178 = arith.constant 128 : i32
      %parallel_loop3A_179 = arith.constant 1 : i32
      scf.for %parallel_loop3A_187 = %parallel_loop3A_177 to %parallel_loop3A_178 step %parallel_loop3A_179  : i32 {
        %parallel_loop3A_188 = arith.constant 128 : i32
        %parallel_loop3A_189 = arith.addi %parallel_loop3A_188, %parallel_loop3A_187 : i32
        %parallel_loop3A_190 = arith.constant 16 : i32
        %parallel_loop3A_191 = arith.muli %parallel_loop3A_189, %parallel_loop3A_190 : i32
        %parallel_loop3A_192 = arith.index_cast %parallel_loop3A_191 : i32 to index
        %parallel_loop3A_193 = tpu.vector_load %arg5[%parallel_loop3A_192] {strides = array<i32>} : memref<4096xi32, #tpu.memory_space<vmem>>, vector<16xi32>,
        %parallel_loop3A_194 = arith.constant 0 : i32
        %parallel_loop3A_195 = vector.broadcast %parallel_loop3A_194 : i32 to vector<16xi32>
        %parallel_loop3A_196 = tpu.vector_load_idx %arg7[%parallel_loop3A_195, %parallel_loop3A_193] : memref<8x4096xf32, #tpu.memory_space<vmem>>[vector<16xi32>, vector<16xi32>], vector<16xf32>,
        %parallel_loop3A_197 = arith.constant 16 : i32
        %parallel_loop3A_198 = arith.muli %parallel_loop3A_187, %parallel_loop3A_197 : i32
        %parallel_loop3A_199 = arith.constant 0 : i32
        %parallel_loop3A_200 = arith.index_cast %parallel_loop3A_199 : i32 to index
        %parallel_loop3A_201 = arith.index_cast %parallel_loop3A_198 : i32 to index
        %parallel_loop3A_202 = tpu.vector_load %arg9[%parallel_loop3A_200, %parallel_loop3A_201] {strides = array<i32>} : memref<8x2048xf32, #tpu.memory_space<vmem>>, vector<16xf32>,
        tpu.vector_store %arg9[%parallel_loop3A_200, %parallel_loop3A_201], %parallel_loop3A_196 {strides = array<i32>} : memref<8x2048xf32, #tpu.memory_space<vmem>>, vector<16xf32>,
        %parallel_loop3A_203 = arith.constant 1 : i32
        %parallel_loop3A_204 = vector.broadcast %parallel_loop3A_203 : i32 to vector<16xi32>
        %parallel_loop3A_205 = tpu.vector_load_idx %arg7[%parallel_loop3A_204, %parallel_loop3A_193] : memref<8x4096xf32, #tpu.memory_space<vmem>>[vector<16xi32>, vector<16xi32>], vector<16xf32>,
        %parallel_loop3A_206 = arith.constant 16 : i32
        %parallel_loop3A_207 = arith.muli %parallel_loop3A_187, %parallel_loop3A_206 : i32
        %parallel_loop3A_208 = arith.constant 1 : i32
        %parallel_loop3A_209 = arith.index_cast %parallel_loop3A_208 : i32 to index
        %parallel_loop3A_210 = arith.index_cast %parallel_loop3A_207 : i32 to index
        %parallel_loop3A_211 = tpu.vector_load %arg9[%parallel_loop3A_209, %parallel_loop3A_210] {strides = array<i32>} : memref<8x2048xf32, #tpu.memory_space<vmem>>, vector<16xf32>,
        tpu.vector_store %arg9[%parallel_loop3A_209, %parallel_loop3A_210], %parallel_loop3A_205 {strides = array<i32>} : memref<8x2048xf32, #tpu.memory_space<vmem>>, vector<16xf32>,
        %parallel_loop3A_212 = arith.constant 2 : i32
        %parallel_loop3A_213 = vector.broadcast %parallel_loop3A_212 : i32 to vector<16xi32>
        %parallel_loop3A_214 = tpu.vector_load_idx %arg7[%parallel_loop3A_213, %parallel_loop3A_193] : memref<8x4096xf32, #tpu.memory_space<vmem>>[vector<16xi32>, vector<16xi32>], vector<16xf32>,
        %parallel_loop3A_215 = arith.constant 16 : i32
        %parallel_loop3A_216 = arith.muli %parallel_loop3A_187, %parallel_loop3A_215 : i32
        %parallel_loop3A_217 = arith.constant 2 : i32
        %parallel_loop3A_218 = arith.index_cast %parallel_loop3A_217 : i32 to index
        %parallel_loop3A_219 = arith.index_cast %parallel_loop3A_216 : i32 to index
        %parallel_loop3A_220 = tpu.vector_load %arg9[%parallel_loop3A_218, %parallel_loop3A_219] {strides = array<i32>} : memref<8x2048xf32, #tpu.memory_space<vmem>>, vector<16xf32>,
        tpu.vector_store %arg9[%parallel_loop3A_218, %parallel_loop3A_219], %parallel_loop3A_214 {strides = array<i32>} : memref<8x2048xf32, #tpu.memory_space<vmem>>, vector<16xf32>,
        %parallel_loop3A_221 = arith.constant 3 : i32
        %parallel_loop3A_222 = vector.broadcast %parallel_loop3A_221 : i32 to vector<16xi32>
        %parallel_loop3A_223 = tpu.vector_load_idx %arg7[%parallel_loop3A_222, %parallel_loop3A_193] : memref<8x4096xf32, #tpu.memory_space<vmem>>[vector<16xi32>, vector<16xi32>], vector<16xf32>,
        %parallel_loop3A_224 = arith.constant 16 : i32
        %parallel_loop3A_225 = arith.muli %parallel_loop3A_187, %parallel_loop3A_224 : i32
        %parallel_loop3A_226 = arith.constant 3 : i32
        %parallel_loop3A_227 = arith.index_cast %parallel_loop3A_226 : i32 to index
        %parallel_loop3A_228 = arith.index_cast %parallel_loop3A_225 : i32 to index
        %parallel_loop3A_229 = tpu.vector_load %arg9[%parallel_loop3A_227, %parallel_loop3A_228] {strides = array<i32>} : memref<8x2048xf32, #tpu.memory_space<vmem>>, vector<16xf32>,
        tpu.vector_store %arg9[%parallel_loop3A_227, %parallel_loop3A_228], %parallel_loop3A_223 {strides = array<i32>} : memref<8x2048xf32, #tpu.memory_space<vmem>>, vector<16xf32>,
        %parallel_loop3A_230 = arith.constant 4 : i32
        %parallel_loop3A_231 = vector.broadcast %parallel_loop3A_230 : i32 to vector<16xi32>
        %parallel_loop3A_232 = tpu.vector_load_idx %arg7[%parallel_loop3A_231, %parallel_loop3A_193] : memref<8x4096xf32, #tpu.memory_space<vmem>>[vector<16xi32>, vector<16xi32>], vector<16xf32>,
        %parallel_loop3A_233 = arith.constant 16 : i32
        %parallel_loop3A_234 = arith.muli %parallel_loop3A_187, %parallel_loop3A_233 : i32
        %parallel_loop3A_235 = arith.constant 4 : i32
        %parallel_loop3A_236 = arith.index_cast %parallel_loop3A_235 : i32 to index
        %parallel_loop3A_237 = arith.index_cast %parallel_loop3A_234 : i32 to index
        %parallel_loop3A_238 = tpu.vector_load %arg9[%parallel_loop3A_236, %parallel_loop3A_237] {strides = array<i32>} : memref<8x2048xf32, #tpu.memory_space<vmem>>, vector<16xf32>,
        tpu.vector_store %arg9[%parallel_loop3A_236, %parallel_loop3A_237], %parallel_loop3A_232 {strides = array<i32>} : memref<8x2048xf32, #tpu.memory_space<vmem>>, vector<16xf32>,
        %parallel_loop3A_239 = arith.constant 5 : i32
        %parallel_loop3A_240 = vector.broadcast %parallel_loop3A_239 : i32 to vector<16xi32>
        %parallel_loop3A_241 = tpu.vector_load_idx %arg7[%parallel_loop3A_240, %parallel_loop3A_193] : memref<8x4096xf32, #tpu.memory_space<vmem>>[vector<16xi32>, vector<16xi32>], vector<16xf32>,
        %parallel_loop3A_242 = arith.constant 16 : i32
        %parallel_loop3A_243 = arith.muli %parallel_loop3A_187, %parallel_loop3A_242 : i32
        %parallel_loop3A_244 = arith.constant 5 : i32
        %parallel_loop3A_245 = arith.index_cast %parallel_loop3A_244 : i32 to index
        %parallel_loop3A_246 = arith.index_cast %parallel_loop3A_243 : i32 to index
        %parallel_loop3A_247 = tpu.vector_load %arg9[%parallel_loop3A_245, %parallel_loop3A_246] {strides = array<i32>} : memref<8x2048xf32, #tpu.memory_space<vmem>>, vector<16xf32>,
        tpu.vector_store %arg9[%parallel_loop3A_245, %parallel_loop3A_246], %parallel_loop3A_241 {strides = array<i32>} : memref<8x2048xf32, #tpu.memory_space<vmem>>, vector<16xf32>,
        %parallel_loop3A_248 = arith.constant 6 : i32
        %parallel_loop3A_249 = vector.broadcast %parallel_loop3A_248 : i32 to vector<16xi32>
        %parallel_loop3A_250 = tpu.vector_load_idx %arg7[%parallel_loop3A_249, %parallel_loop3A_193] : memref<8x4096xf32, #tpu.memory_space<vmem>>[vector<16xi32>, vector<16xi32>], vector<16xf32>,
        %parallel_loop3A_251 = arith.constant 16 : i32
        %parallel_loop3A_252 = arith.muli %parallel_loop3A_187, %parallel_loop3A_251 : i32
        %parallel_loop3A_253 = arith.constant 6 : i32
        %parallel_loop3A_254 = arith.index_cast %parallel_loop3A_253 : i32 to index
        %parallel_loop3A_255 = arith.index_cast %parallel_loop3A_252 : i32 to index
        %parallel_loop3A_256 = tpu.vector_load %arg9[%parallel_loop3A_254, %parallel_loop3A_255] {strides = array<i32>} : memref<8x2048xf32, #tpu.memory_space<vmem>>, vector<16xf32>,
        tpu.vector_store %arg9[%parallel_loop3A_254, %parallel_loop3A_255], %parallel_loop3A_250 {strides = array<i32>} : memref<8x2048xf32, #tpu.memory_space<vmem>>, vector<16xf32>,
        %parallel_loop3A_257 = arith.constant 7 : i32
        %parallel_loop3A_258 = vector.broadcast %parallel_loop3A_257 : i32 to vector<16xi32>
        %parallel_loop3A_259 = tpu.vector_load_idx %arg7[%parallel_loop3A_258, %parallel_loop3A_193] : memref<8x4096xf32, #tpu.memory_space<vmem>>[vector<16xi32>, vector<16xi32>], vector<16xf32>,
        %parallel_loop3A_260 = arith.constant 16 : i32
        %parallel_loop3A_261 = arith.muli %parallel_loop3A_187, %parallel_loop3A_260 : i32
        %parallel_loop3A_262 = arith.constant 7 : i32
        %parallel_loop3A_263 = arith.index_cast %parallel_loop3A_262 : i32 to index
        %parallel_loop3A_264 = arith.index_cast %parallel_loop3A_261 : i32 to index
        %parallel_loop3A_265 = tpu.vector_load %arg9[%parallel_loop3A_263, %parallel_loop3A_264] {strides = array<i32>} : memref<8x2048xf32, #tpu.memory_space<vmem>>, vector<16xf32>,
        tpu.vector_store %arg9[%parallel_loop3A_263, %parallel_loop3A_264], %parallel_loop3A_259 {strides = array<i32>} : memref<8x2048xf32, #tpu.memory_space<vmem>>, vector<16xf32>,
      } {sc.loop_unroll_factor = 8 : i64, sc.parallel_access}
      %mul3A_180 = arith.constant 8 : i32
      %mul3A_181 = arith.muli %add3A_154, %mul3A_180 : i32
      %add3A_182 = arith.addi %mul3A_2, %mul3A_181 : i32
      %dma_start3A_183 = arith.constant 2048 : i32
      %dma_start3A_184 = tpu.memref_slice %arg4[%add3A_182, %dma_start3A_183] : memref<8192x4096xf32, #tpu.memory_space<hbm>> -> memref<8x2048xf32, #tpu.memory_space<hbm>>
      %dma_start3A_185 = arith.constant 2048 : i32
      %dma_start3A_186 = tpu.memref_slice %arg4[%add3A_182, %dma_start3A_185] : memref<8192x4096xf32, #tpu.memory_space<hbm>> -> memref<8x2048xf32, #tpu.memory_space<hbm>>
      tpu.enqueue_dma source(%arg9 : memref<8x2048xf32, #tpu.memory_space<vmem>>) target(%dma_start3A_186 : memref<8x2048xf32, #tpu.memory_space<hbm>>) target_semaphore(%arg13 : memref<!tpu.dma_semaphore, #tpu.memory_space<semaphore_mem>>)
    }
    %scan3A_82 = arith.constant 15 : i32
    %add3A_83 = arith.constant 0 : i32
    %add3A_84 = arith.addi %mul3A_2, %add3A_83 : i32
    %dma_wait3A_85 = arith.constant 0 : i32
    %dma_wait3A_86 = tpu.memref_slice %arg4[%add3A_84, %dma_wait3A_85] : memref<8192x4096xf32, #tpu.memory_space<hbm>> -> memref<8x2048xf32, #tpu.memory_space<hbm>>
    %dma_wait3A_87 = arith.constant 0 : i32
    %dma_wait3A_88 = tpu.memref_slice %arg4[%add3A_84, %dma_wait3A_87] : memref<8192x4096xf32, #tpu.memory_space<hbm>> -> memref<8x2048xf32, #tpu.memory_space<hbm>>
    tpu.wait_dma2 semaphore(%arg12 : memref<!tpu.dma_semaphore, #tpu.memory_space<semaphore_mem>>) src(%arg8 : memref<8x2048xf32, #tpu.memory_space<vmem>>) dst(%dma_wait3A_88 : memref<8x2048xf32, #tpu.memory_space<hbm>>)
    %add3A_89 = arith.constant 0 : i32
    %add3A_90 = arith.addi %mul3A_2, %add3A_89 : i32
    %dma_wait3A_91 = arith.constant 2048 : i32
    %dma_wait3A_92 = tpu.memref_slice %arg4[%add3A_90, %dma_wait3A_91] : memref<8192x4096xf32, #tpu.memory_space<hbm>> -> memref<8x2048xf32, #tpu.memory_space<hbm>>
    %dma_wait3A_93 = arith.constant 2048 : i32
    %dma_wait3A_94 = tpu.memref_slice %arg4[%add3A_90, %dma_wait3A_93] : memref<8192x4096xf32, #tpu.memory_space<hbm>> -> memref<8x2048xf32, #tpu.memory_space<hbm>>
    tpu.wait_dma2 semaphore(%arg13 : memref<!tpu.dma_semaphore, #tpu.memory_space<semaphore_mem>>) src(%arg9 : memref<8x2048xf32, #tpu.memory_space<vmem>>) dst(%dma_wait3A_94 : memref<8x2048xf32, #tpu.memory_space<hbm>>)
    return
  }
}

</mosaic_0001>

<sc_bundles>
// kernel: _permute.3.cloned.1.call-start
scs
__scs_entry_jumppad:
0x0: {  	(pc) =	sbr.rel $0x88, $3  }
0x1: {  	(tag) =	ssettag $0x0;
	lr =	simm.s32 $0x1  }
0x2: {  	[smem:$0x3F9F] =	sst lr;
	_ =	strace $0xD0000000  }
0x3: {  	_ = 	snop  }
0x4: {  	_ = 	snop  }
0x5: {  	_ = 	snop  }
0x6: {  	_ = 	snop  }
0x7: {  	_ = 	snop  }
__scs_overlays_trampoline_lowered:
0x8: {  	[smem:$0x3FAE] =	sst s0  }
0x9: {  	[smem:$0x3FAF] =	sst s1  }
0xa: {  	[smem:$0x3FB0] =	sst s2  }
0xb: {  	[smem:$0x3FB1] =	sst s3  }
0xc: {  	[smem:$0x3FB2] =	sst s4  }
0xd: {  	[smem:$0x3FB3] =	sst s5  }
0xe: {  	[smem:$0x3FB4] =	sst s6  }
0xf: {  	[smem:$0x3FB5] =	sst s7  }
0x10: {  	[smem:$0x3FB6] =	sst s8  }
0x11: {  	[smem:$0x3FB7] =	sst s9;
	s0 =	simm.s32 @!p0 $0x0  }
0x12: {  	s1 =	sld [smem:$0x3F9D];
	s0 =	simm.s32 @p0 $0x1  }
0x13: {  	[smem:$0x3FB8] =	sst s0;
	s0 =	simm.s32 @!p1 $0x0  }
0x14: {  	s2 =	sld [smem:$0x3F9C];
	s0 =	simm.s32 @p1 $0x1  }
0x15: {  	[smem:$0x3FB9] =	sst s0;
	s0 =	simm.s32 @!p2 $0x0  }
0x16: {  	s3 =	sld [smem:$0x3FDB];
	s0 =	simm.s32 @p2 $0x1  }
0x17: {  	s4 =	simm.s32 $0x1BF5;
	[smem:$0x3FBB] =	sst s0  }
0x18: {  	s0 =	sld [smem:$0x3F9E];
	_ =	swait.ge [sflag:s4], $0x0  }
0x19: {  	s7 =	sld [smem:$0x3F9F]  }
0x1a: {  	s8 =	sadd.s32 $0xFFFFE003, lr  }
0x1b: {  	s9 =	sadd.s32 $0xFFFFFEF7, lr;
	s5 =	simm.s32 $0xFFFFFFFF;
	p2 =	slt.u32 s8, $0xFFFFF086  }
0x1c: {  	p1 =	slt.u32 s9, $0xF7A;
	s5 =	simm.s32 @!p2 $0x0  }
0x1d: {  	s5 =	simm.s32 @p1 $0x1;
	p0 =	seq.s32 s7, s2  }
0x1e: {  	s7 =	smul.u32 @!p0 $0xF7A, s2;
	p2 =	seq.s32 @!p0 s5, $0x0  }
0x1f: {  	s9 =	smul.u32 $0xF7A, s1;
	s8 =	simm.s32 @!p0 $0x1BF5;
	p2 =	por !p2, p0  }
0x20: {  	[sflag:s8] =	ssyncset.s32 @!p0 $0xFFFFF086;
	s6 =	sadd.s32 @!p0 s3, s7;
	s7 =	simm.s32 @!p0 $0x108  }
0x21: {  	s3 =	sadd.s32 s3, s9;
	s6 =	sadd.s32 @!p0 $0x88, s6;
	s7 =	simm.s32 @p2 $0x1082  }
0x22: {  	[simem:s7], [sflag:s8] =	dma.local @!p0 [hbm:s6], $0xF7A  }
0x23: {  	s9 =	sor.u32 $0xD0000000, s2;
	s6 =	simm.s32 $0x108;
	_ =	swait.ge @!p0 [sflag:s8], $0x0  }
0x24: {  	s3 =	sadd.s32 $0x88, s3;
	s6 =	simm.s32 @!p1 $0x1082;
	[sflag:s4] =	ssyncset.s32 $0xFFFFF086  }
0x25: {  	[simem:s6], [sflag:s4] =	dma.local [hbm:s3], $0xF7A  }
0x26: {  	[smem:$0x3F9F] =	sst s1;
	(tag) =	ssettag s2;
	_ =	strace s9  }
0x27: {  	s1 =	sld [smem:$0x3FAF]  }
0x28: {  	s2 =	sld [smem:$0x3FB0]  }
0x29: {  	s4 =	sld [smem:$0x3FB2]  }
0x2a: {  	p0 =	seq.s32 s5, $0x0;
	s5 =	sld [smem:$0x3FB3]  }
0x2b: {  	s6 =	sld [smem:$0x3FB4]  }
0x2c: {  	s7 =	sld [smem:$0x3FB5]  }
0x2d: {  	s3 =	simm.s32 $0x108;
	s8 =	sld [smem:$0x3FB6]  }
0x2e: {  	s3 =	simm.s32 @!p0 $0x1082;
	s9 =	sld [smem:$0x3FB7]  }
0x2f: {  	lr =	sadd.s32 s0, s3;
	s0 =	sld [smem:$0x3FAE]  }
0x30: {  	s3 =	sld [smem:$0x3FB1]  }
0x31: {  	[smem:$0x3FBA] =	sst s10  }
0x32: {  	s10 =	sld [smem:$0x3FB8];
	_ =	sdelay $0x3  }
0x33: {  	p0 =	seq.s32 s10, $0x1;
	s10 =	sld [smem:$0x3FBA];
	_ =	sdelay $0x3  }
0x34: {  	[smem:$0x3FBA] =	sst s10  }
0x35: {  	s10 =	sld [smem:$0x3FB9];
	_ =	sdelay $0x3  }
0x36: {  	p1 =	seq.s32 s10, $0x1;
	s10 =	sld [smem:$0x3FBA];
	_ =	sdelay $0x3  }
0x37: {  	[smem:$0x3FBA] =	sst s10  }
0x38: {  	s10 =	sld [smem:$0x3FBB]  }
0x39: {  	_ = 	snop;
	(pc) =	sbr.ind lr, $3  }
0x3a: {  	_ = 	snop  }
0x3b: {  	_ = 	snop  }
0x3c: {  	p2 =	seq.s32 s10, $0x1;
	s10 =	sld [smem:$0x3FBA]  }
0x3d: {  	_ =	shalt  }
0x3e: {  	_ =	shalt  }
0x3f: {  	_ =	shalt  }
0x40: {  	_ =	shalt  }
0x41: {  	_ =	shalt  }
0x42: {  	_ =	shalt  }
0x43: {  	_ =	shalt  }
0x44: {  	_ =	shalt  }
0x45: {  	_ =	shalt  }
0x46: {  	_ =	shalt  }
0x47: {  	_ =	shalt  }
0x48: {  	_ =	shalt  }
0x49: {  	_ =	shalt  }
0x4a: {  	_ =	shalt  }
0x4b: {  	_ =	shalt  }
0x4c: {  	_ =	shalt  }
0x4d: {  	_ =	shalt  }
0x4e: {  	_ =	shalt  }
0x4f: {  	_ =	shalt  }
0x50: {  	_ =	shalt  }
0x51: {  	_ =	shalt  }
0x52: {  	_ =	shalt  }
0x53: {  	_ =	shalt  }
0x54: {  	_ =	shalt  }
0x55: {  	_ =	shalt  }
0x56: {  	_ =	shalt  }
0x57: {  	_ =	shalt  }
0x58: {  	_ =	shalt  }
0x59: {  	_ =	shalt  }
0x5a: {  	_ =	shalt  }
0x5b: {  	_ =	shalt  }
0x5c: {  	_ =	shalt  }
0x5d: {  	_ =	shalt  }
0x5e: {  	_ =	shalt  }
0x5f: {  	_ =	shalt  }
0x60: {  	_ =	shalt  }
0x61: {  	_ =	shalt  }
0x62: {  	_ =	shalt  }
0x63: {  	_ =	shalt  }
0x64: {  	_ =	shalt  }
0x65: {  	_ =	shalt  }
0x66: {  	_ =	shalt  }
0x67: {  	_ =	shalt  }
0x68: {  	_ =	shalt  }
0x69: {  	_ =	shalt  }
0x6a: {  	_ =	shalt  }
0x6b: {  	_ =	shalt  }
0x6c: {  	_ =	shalt  }
0x6d: {  	_ =	shalt  }
0x6e: {  	_ =	shalt  }
0x6f: {  	_ =	shalt  }
0x70: {  	_ =	shalt  }
0x71: {  	_ =	shalt  }
0x72: {  	_ =	shalt  }
0x73: {  	_ =	shalt  }
0x74: {  	_ =	shalt  }
0x75: {  	_ =	shalt  }
0x76: {  	_ =	shalt  }
0x77: {  	_ =	shalt  }
0x78: {  	_ =	shalt  }
0x79: {  	_ =	shalt  }
0x7a: {  	_ =	shalt  }
0x7b: {  	_ =	shalt  }
0x7c: {  	_ =	shalt  }
0x7d: {  	_ =	shalt  }
0x7e: {  	_ =	shalt  }
0x7f: {  	_ =	shalt  }
0x80: {  	_ =	shalt  }
0x81: {  	_ =	shalt  }
0x82: {  	_ =	shalt  }
0x83: {  	_ =	shalt  }
0x84: {  	_ =	shalt  }
0x85: {  	_ =	shalt  }
0x86: {  	_ =	shalt  }
0x87: {  	_ =	shalt  }
.Lfunc_end0:
.L_simem_size_0:
called_computation_lowered:
.L_overlay_start_0:
0x88: {  	s2 =	sld [smem:$0x3FD9]  }
0x89: {  	s3 =	sld [smem:$0x3FFE];
	_ =	sdelay $0x1  }
0x8a: {  	s1 =	srdreg.scid  }
0x8b: {  	s0 =	sand.u32 $0x1, s1  }
0x8c: {  	s18 =	sshll.u32 s0, $0xA;
	s2 =	sadd.s32 s3, s2  }
0x8d: {  	s2 =	sadd.s32 s2, s18  }
0x8e: {  	[smem:$0x3FC6] =	sst s2  }
0x8f: {  	_ = 	snop  }
0x90: {  	s2 =	sld [smem:$0x3FC9]  }
0x91: {  	s19 =	sld [smem:$0x3FC8]  }
0x92: {  	s4 =	sld [smem:$0x3FD0];
	(tm) =	ssettm $0x1  }
0x93: {  	s5 =	sld [smem:$0x3FFB];
	_ =	sdelay $0x3  }
0x94: {  	_ =	strace s5  }
0x95: {  	s5 =	sld [smem:$0x3FFC];
	_ =	sdelay $0x3  }
0x96: {  	_ =	strace s5  }
0x97: {  	s5 =	sld [smem:$0x3FFD];
	_ =	sdelay $0x3  }
0x98: {  	_ =	strace s5  }
0x99: {  	_ =	strace $0x8FFFFFFF  }
0x9a: {  	s20 =	sld [smem:$0x3FDB];
	_ =	sdelay $0x1  }
0x9b: {  	s6 =	simm.s32 $_scs_section_size  }
0x9c: {  	s7 =	simm.s32 $_size__tile_overlayer_lowered;
	s8 =	simm.s32 $_tile_overlayer_lowered  }
0x9d: {  	s23 =	simm.s32 $0x1BFF;
	s22 =	sshll.u32 s8, $0x1;
	s5 =	sadd.s32 s6, s20  }
0x9e: {  	s9 =	simm.s32 $0x0;
	s21 =	sshll.u32 s7, $0x1;
	s7 =	sadd.s32 s22, s5  }
0x9f: {  	[timem:s9], [sflag:s23] =	dma.local [hbm:s7], s21  }
0xa0: {  	_ =	swait.ge [sflag:s23], s21  }
0xa1: {  	s6 =	ssub.s32 $0x0, s21;
	[sflag:s23] =	ssyncset.done $0x0  }
0xa2: {  	[sflag:s23] =	ssyncadd.s32 s6;
	_ =	sdelay $0x1  }
0xa3: {  	s24 =	simm.s32 $0x1B8B  }
0xa4: {  	_ =	swait.ge [sflag:s24], $0x1  }
0xa5: {  	[sflag:s24] =	ssyncset.done $0x0  }
0xa6: {  	s25 =	simm.s32 $0x1B8E;
	[sflag:s24] =	ssyncadd.s32 $0xFFFFFFFF  }
0xa7: {  	s26 =	simm.s32 $execute0_lowered;
	[smem:$0x3FD2] =	sst s25  }
0xa8: {  	s6 =	sshll.u32 s26, $0x1;
	_ =	strace $0x80000046;
	[dreg:$0x1] =	wrdreg $0xFFFFFFFF  }
0xa9: {  	s28 =	simm.s32 $_size_execute0_lowered;
	s5 =	sadd.s32 s5, s6;
	[dreg:$0x0] =	wrdreg $0x0  }
0xaa: {  	s6 =	sshll.u32 s28, $0x1;
	[dreg:$0x2] =	wrdreg s5  }
0xab: {  	[dreg:$0x3] =	wrdreg s6  }
0xac: {  	[dreg:$0x4] =	wrdreg $0xC0  }
0xad: {  	_ =	task [dreg:s9], $0x5FFFF  }
0xae: {  	[dreg:$0x1] =	wrdreg $0xFFFFFFFF  }
0xaf: {  	[dreg:$0x0] =	wrdreg $0x60  }
0xb0: {  	[dreg:$0x2] =	wrdreg s2  }
0xb1: {  	[dreg:$0x3] =	wrdreg s19  }
0xb2: {  	[dreg:$0x4] =	wrdreg s4  }
0xb3: {  	[dreg:$0x5] =	wrdreg $0x9  }
0xb4: {  	_ =	task.clear_ibuf [dreg:s9], $0x6FFFF;
	_ =	strace $0x90000046  }
0xb5: {  	s29 =	simm.s32 $0x9;
	_ =	strace $0x80000048  }
0xb6: {  	_ =	swait.ge [sflag:s29], $0x1  }
0xb7: {  	[sflag:s29] =	ssyncadd.s32 $0xFFFFFFFF  }
0xb8: {  	_ =	strace $0x90000048  }
0xb9: {  	_ =	sfence  }
0xba: {  	s30 =	sld [smem:$0x0];
	_ =	sdelay $0x2  }
0xbb: {  	s31 =	sshll.u32 s1, $0xD;
	s1 =	sshrl.u32 s1, $0x2  }
0xbc: {  	s3 =	sand.u32 $0x4000, s31;
	s1 =	sadd.s32 s1, s30  }
0xbd: {  	s0 =	sor.u32 s3, s0;
	s1 =	sshll.u32 s1, $0x11  }
0xbe: {  	s0 =	sor.u32 s1, s0  }
0xbf: {  	s0 =	sadd.s32 $0x8F2B, s0  }
0xc0: {  	[sflag:s0] =	ssyncadd.remote.s32 $0x1  }
0xc1: {  	_ =	sfence.sel $0xFFFF  }
0xc2: {  	[dreg:$0x0] =	wrdreg $0xFFFFFFFF;
	(pc) =	sbr.abs _section_cstart, $3  }
0xc3: {  	[dreg:$0x1] =	wrdreg $0xFFFFFFFF  }
0xc4: {  	_ =	task.clear_ibuf [dreg:s9], $0x2FFFF;
	_ =	strace $0x9FFFFFFF  }
0xc5: {  	(tm) =	ssettm $0x7FFFFFFF  }
tec
execute0_lowered:
.L_overlay_start_1:
0x0: {  	(tag) =	ssettag $0x1  }
0x1: {  	s2 =	rddreg [dreg:$0x0]  }
0x2: {  	s0 =	srdreg.scid;
	s4 =	rddreg [dreg:$0x2]  }
0x3: {  	s1 =	stileid.u32;
	s5 =	simm.s32 $0x0;
	s18 =	simm.s32 $0x5  }
0x4: {  	s19 =	simm.s32 $0x1000;
	s20 =	simm.s32 $0x9000;
	s21 =	simm.s32 $0x1  }
0x5: {  	s22 =	simm.s32 $0x11000;
	s23 =	simm.s32 $0x15000;
	s24 =	simm.s32 $0x2  }
0x6: {  	s25 =	simm.s32 $0x3;
	s26 =	simm.s32 $0x4;
	s28 =	simm.s32 $0x0  }
0x7: {  	s0 =	sand.u32 $0x1, s0;
	s1 =	sshll.u32 s1, $0x9;
	[smem:$0x7FF] =	sst s5  }
0x8: {  	s9 =	sadd.s32 $0x800, s4;
	s3 =	sshll.u32 s0, $0x8;
	s0 =	ssub.s32 $0x2, s0  }
0x9: {  	_ =	strace $0x80000047;
	s1 =	sor.u32 s3, s1;
	s29 =	sshrl.u32 s0, $0x1  }
0xa: {  	s6 =	sshll.u32 s1, $0x9;
	s0 =	ssub.s32 s0, s29;
	s15 =	sshrl.u32 s1, $0x3  }
0xb: {  	s30 =	sor.u32 $0x1000, s6;
	s7 =	sadd.s32 s2, s6;
	s10 =	sadd.s32 s4, s6  }
0xc: {  	s31 =	sadd.s32 s6, s9;
	s16 =	sor.u32 $0x2, s15;
	s17 =	smax.u32 s0, $0x1  }
0xd: {  	s8 =	sadd.s32 s2, s30;
	[dreg:$0x5] =	wrdreg s31;
	s12 =	sadd.s32 $0x2000, s7  }
0xe: {  	s13 =	sadd.s32 s4, s30;
	s14 =	sadd.s32 $0x1800, s10;
	[dreg:$0x4] =	wrdreg s8  }
.LBB2_1:
0xf: {  	s0 =	rddreg [dreg:$0x1]  }
0x10: {  	[tilespmem:s5], [sflag:$0x5] =	stream.linear.gather [hbm4b:s0+s5], $0x1000, $0x38;
	[tilespmem:$0x19000] =	vst v63  }
0x11: {  	_ =	swait.ge [sflag:s18], $0x1000  }
0x12: {  	[sflag:s18] =	ssyncset.done $0x0  }
0x13: {  	[sflag:s18] =	ssyncadd.s32 $0xFFFFF000  }
0x14: {  	[tilespmem:s19], [sflag:$0x1] =	stream.linear.gather [hbm4b:s7+s5], $0x8000, $0x38;
	[tilespmem:$0x19000] =	vst v63  }
0x15: {  	s30 =	rddreg [dreg:$0x4]  }
0x16: {  	[tilespmem:s20], [sflag:$0x2] =	stream.linear.gather [hbm4b:s30+s5], $0x8000, $0x38;
	[tilespmem:$0x19000] =	vst v63  }
0x17: {  	_ =	swait.ge [sflag:s21], $0x8000  }
0x18: {  	[sflag:s21] =	ssyncset.done $0x0  }
0x19: {  	s31 =	simm.s32 $0x40;
	[sflag:s21] =	ssyncadd.s32 $0xFFFF8000  }
0x1a: {  	v0 =	vld [tilespmem:s31+$0x30];
	_ =	sdelay $0x3  }
0x1b: {  	v1 =	vld [tilespmem:s31+$0xFFFFFFD0]  }
0x1c: {  	v2 =	vshll.u32 v0, $0x3  }
0x1d: {  	v3 =	vld [tilespmem:s31+$0xFFFFFFE0];
	v0 =	vand.u32 $0x7F, v0;
	v2 =	vand.u32 $0xFFFFFC00, v2  }
0x1e: {  	v5 =	vld [tilespmem:s31+$0xFFFFFFC0];
	v4 =	vor.u32 v0, v2;
	_ =	sdelay $0x1  }
0x1f: {  	v2 =	vld [tilespmem:s31+$0xFFFFFFF0];
	v0 =	vshll.u32 v1, $0x3  }
0x20: {  	v7 =	vld [tilespmem:s31+$0x10];
	v1 =	vand.u32 $0x7F, v1;
	v8 =	vand.u32 $0xFFFFFC00, v0  }
0x21: {  	v6 =	vld [tilespmem:s31+$0x0];
	v0 =	vshll.u32 v3, $0x3;
	v1 =	vor.u32 v1, v8  }
0x22: {  	v11 =	vor.u32 $0x80, v4;
	v9 =	vand.u32 $0xFFFFFC00, v0;
	v0 =	vshll.u32 v5, $0x3;
	v10 =	vld.idx.msk [tilespmem:v4+s19+$0x0], $0xffff  }
0x23: {  	v12 =	vld [tilespmem:s31+$0x20];
	v3 =	vand.u32 $0x7F, v3;
	v5 =	vand.u32 $0x7F, v5;
	v0 =	vand.u32 $0xFFFFFC00, v0  }
0x24: {  	v0 =	vor.u32 v5, v0;
	v13 =	vshll.u32 v2, $0x3;
	v8 =	vand.u32 $0x7F, v2  }
0x25: {  	v2 =	vor.u32 v3, v9;
	v9 =	vshll.u32 v7, $0x3;
	v5 =	vand.u32 $0xFFFFFC00, v13  }
0x26: {  	s0 =	simm.s32 $0x11200;
	v13 =	vshll.u32 v6, $0x3;
	v3 =	vor.u32 v8, v5;
	v5 =	vand.u32 $0xFFFFFC00, v9;
	v9 =	vld.idx.msk [tilespmem:v1+s19+$0x0], $0xffff  }
0x27: {  	v15 =	vor.u32 $0x80, v1;
	v6 =	vand.u32 $0x7F, v6;
	v13 =	vand.u32 $0xFFFFFC00, v13;
	[tilespmem:s0+$0xFFFFFE70] =	vst v10  }
0x28: {  	v7 =	vand.u32 $0x7F, v7;
	v8 =	vshll.u32 v12, $0x3;
	v10 =	vor.u32 v6, v13;
	v6 =	vld.idx.msk [tilespmem:v11+s19+$0x0], $0xffff  }
0x29: {  	v11 =	vor.u32 v7, v5;
	v5 =	vld.idx.msk [tilespmem:v0+s19+$0x0], $0xffff;
	v7 =	vand.u32 $0xFFFFFC00, v8;
	v8 =	vand.u32 $0x7F, v12  }
0x2a: {  	v13 =	vor.u32 $0x100, v4;
	v12 =	vor.u32 v8, v7;
	v7 =	vld.idx.msk [tilespmem:v2+s19+$0x0], $0xffff  }
0x2b: {  	v8 =	vor.u32 $0x80, v0;
	v14 =	vld.idx.msk [tilespmem:v3+s19+$0x0], $0xffff;
	[tilespmem:s0+$0xFFFFFE10] =	vst v9  }
0x2c: {  	v15 =	vld.idx.msk [tilespmem:v15+s19+$0x0], $0xffff  }
0x2d: {  	v17 =	vor.u32 $0x80, v2;
	v16 =	vld.idx.msk [tilespmem:v10+s19+$0x0], $0xffff  }
0x2e: {  	v18 =	vld.idx.msk [tilespmem:v11+s19+$0x0], $0xffff;
	[tilespmem:s0+$0xFFFFFEF0] =	vst v6;
	v6 =	vor.u32 $0x80, v3  }
0x2f: {  	[tilespmem:s0+$0xFFFFFE00] =	vst v5;
	v5 =	vld.idx.msk [tilespmem:v13+s19+$0x0], $0xffff;
	v13 =	vor.u32 $0x80, v10  }
0x30: {  	v19 =	vor.u32 $0x80, v11;
	v8 =	vld.idx.msk [tilespmem:v8+s19+$0x0], $0xffff;
	[tilespmem:s0+$0xFFFFFE20] =	vst v7  }
0x31: {  	v9 =	vld.idx.msk [tilespmem:v12+s19+$0x0], $0xffff;
	v7 =	vor.u32 $0x180, v4;
	[tilespmem:s0+$0xFFFFFE30] =	vst v14  }
0x32: {  	v14 =	vor.u32 $0x80, v12;
	v17 =	vld.idx.msk [tilespmem:v17+s19+$0x0], $0xffff;
	[tilespmem:s0+$0xFFFFFE40] =	vst v16  }
0x33: {  	v16 =	vor.u32 $0x100, v0;
	v6 =	vld.idx.msk [tilespmem:v6+s19+$0x0], $0xffff;
	[tilespmem:s0+$0xFFFFFE50] =	vst v18  }
0x34: {  	v18 =	vor.u32 $0x100, v1;
	v13 =	vld.idx.msk [tilespmem:v13+s19+$0x0], $0xffff;
	[tilespmem:s0+$0xFFFFFF70] =	vst v5  }
0x35: {  	v5 =	vor.u32 $0x100, v2;
	[tilespmem:s0+$0xFFFFFE80] =	vst v8;
	v8 =	vld.idx.msk [tilespmem:v19+s19+$0x0], $0xffff  }
0x36: {  	[tilespmem:s0+$0xFFFFFE60] =	vst v9;
	v9 =	vor.u32 $0x100, v3;
	v7 =	vld.idx.msk [tilespmem:v7+s19+$0x0], $0xffff  }
0x37: {  	[tilespmem:s0+$0xFFFFFE90] =	vst v15;
	v19 =	vor.u32 $0x100, v10;
	v14 =	vld.idx.msk [tilespmem:v14+s19+$0x0], $0xffff  }
0x38: {  	[tilespmem:s0+$0xFFFFFEA0] =	vst v17;
	v17 =	vor.u32 $0x100, v11;
	v16 =	vld.idx.msk [tilespmem:v16+s19+$0x0], $0xffff  }
0x39: {  	v15 =	vor.u32 $0x200, v4;
	v18 =	vld.idx.msk [tilespmem:v18+s19+$0x0], $0xffff;
	[tilespmem:s0+$0xFFFFFEB0] =	vst v6  }
0x3a: {  	v6 =	vor.u32 $0x100, v12;
	v5 =	vld.idx.msk [tilespmem:v5+s19+$0x0], $0xffff;
	[tilespmem:s0+$0xFFFFFEC0] =	vst v13  }
0x3b: {  	v13 =	vor.u32 $0x180, v0;
	v9 =	vld.idx.msk [tilespmem:v9+s19+$0x0], $0xffff;
	[tilespmem:s0+$0xFFFFFED0] =	vst v8  }
0x3c: {  	[tilespmem:s0+$0xFFFFFFF0] =	vst v7;
	v7 =	vor.u32 $0x180, v1;
	v19 =	vld.idx.msk [tilespmem:v19+s19+$0x0], $0xffff  }
0x3d: {  	[tilespmem:s0+$0xFFFFFEE0] =	vst v14;
	v14 =	vld.idx.msk [tilespmem:v17+s19+$0x0], $0xffff;
	v17 =	vor.u32 $0x180, v3  }
0x3e: {  	v8 =	vld.idx.msk [tilespmem:v15+s19+$0x0], $0xffff;
	v15 =	vor.u32 $0x180, v2;
	[tilespmem:s0+$0xFFFFFF00] =	vst v16  }
0x3f: {  	v16 =	vor.u32 $0x280, v4;
	[tilespmem:s0+$0xFFFFFF10] =	vst v18;
	v6 =	vld.idx.msk [tilespmem:v6+s19+$0x0], $0xffff  }
0x40: {  	v18 =	vor.u32 $0x180, v10;
	v13 =	vld.idx.msk [tilespmem:v13+s19+$0x0], $0xffff;
	[tilespmem:s0+$0xFFFFFF20] =	vst v5  }
0x41: {  	v5 =	vor.u32 $0x180, v11;
	[tilespmem:s0+$0xFFFFFF30] =	vst v9;
	v7 =	vld.idx.msk [tilespmem:v7+s19+$0x0], $0xffff  }
0x42: {  	v9 =	vor.u32 $0x180, v12;
	[tilespmem:s0+$0xFFFFFF40] =	vst v19;
	v17 =	vld.idx.msk [tilespmem:v17+s19+$0x0], $0xffff  }
0x43: {  	v15 =	vld.idx.msk [tilespmem:v15+s19+$0x0], $0xffff;
	[tilespmem:s0+$0x70] =	vst v8;
	v8 =	vor.u32 $0x200, v0  }
0x44: {  	v19 =	vor.u32 $0x200, v1;
	[tilespmem:s0+$0xFFFFFF50] =	vst v14;
	v16 =	vld.idx.msk [tilespmem:v16+s19+$0x0], $0xffff  }
0x45: {  	v14 =	vld.idx.msk [tilespmem:v18+s19+$0x0], $0xffff;
	[tilespmem:s0+$0xFFFFFF60] =	vst v6;
	v6 =	vor.u32 $0x300, v4  }
0x46: {  	v18 =	vor.u32 $0x200, v2;
	[tilespmem:s0+$0xFFFFFF80] =	vst v13;
	v5 =	vld.idx.msk [tilespmem:v5+s19+$0x0], $0xffff  }
0x47: {  	v13 =	vor.u32 $0x200, v3;
	[tilespmem:s0+$0xFFFFFF90] =	vst v7;
	v7 =	vld.idx.msk [tilespmem:v9+s19+$0x0], $0xffff  }
0x48: {  	v9 =	vor.u32 $0x200, v10;
	v8 =	vld.idx.msk [tilespmem:v8+s19+$0x0], $0xffff;
	[tilespmem:s0+$0xFFFFFFA0] =	vst v15  }
0x49: {  	v15 =	vor.u32 $0x200, v11;
	v19 =	vld.idx.msk [tilespmem:v19+s19+$0x0], $0xffff;
	[tilespmem:s0+$0xF0] =	vst v16  }
0x4a: {  	[tilespmem:s0+$0xFFFFFFB0] =	vst v17;
	v16 =	vor.u32 $0x200, v12;
	v6 =	vld.idx.msk [tilespmem:v6+s19+$0x0], $0xffff  }
0x4b: {  	v17 =	vor.u32 $0x280, v0;
	v18 =	vld.idx.msk [tilespmem:v18+s19+$0x0], $0xffff;
	[tilespmem:s0+$0xFFFFFFC0] =	vst v14  }
0x4c: {  	v4 =	vor.u32 $0x380, v4;
	v13 =	vld.idx.msk [tilespmem:v13+s19+$0x0], $0xffff;
	[tilespmem:s0+$0xFFFFFFD0] =	vst v5  }
0x4d: {  	v5 =	vor.u32 $0x280, v1;
	v9 =	vld.idx.msk [tilespmem:v9+s19+$0x0], $0xffff;
	[tilespmem:s0+$0xFFFFFFE0] =	vst v7  }
0x4e: {  	v7 =	vor.u32 $0x280, v2;
	[tilespmem:s0+$0x0] =	vst v8;
	v8 =	vld.idx.msk [tilespmem:v15+s19+$0x0], $0xffff  }
0x4f: {  	v14 =	vor.u32 $0x280, v3;
	[tilespmem:s0+$0x10] =	vst v19;
	v15 =	vld.idx.msk [tilespmem:v16+s19+$0x0], $0xffff  }
0x50: {  	v16 =	vor.u32 $0x280, v10;
	v17 =	vld.idx.msk [tilespmem:v17+s19+$0x0], $0xffff;
	[tilespmem:s0+$0x170] =	vst v6  }
0x51: {  	v6 =	vor.u32 $0x280, v11;
	[tilespmem:s0+$0x20] =	vst v18;
	v4 =	vld.idx.msk [tilespmem:v4+s19+$0x0], $0xffff  }
0x52: {  	v18 =	vor.u32 $0x280, v12;
	v5 =	vld.idx.msk [tilespmem:v5+s19+$0x0], $0xffff;
	[tilespmem:s0+$0x30] =	vst v13  }
0x53: {  	v13 =	vor.u32 $0x300, v0;
	v7 =	vld.idx.msk [tilespmem:v7+s19+$0x0], $0xffff;
	[tilespmem:s0+$0x40] =	vst v9  }
0x54: {  	v9 =	vor.u32 $0x300, v1;
	v19 =	vld.idx.msk [tilespmem:v14+s19+$0x0], $0xffff;
	[tilespmem:s0+$0x50] =	vst v8  }
0x55: {  	v20 =	vor.u32 $0x300, v2;
	v21 =	vld.idx.msk [tilespmem:v16+s19+$0x0], $0xffff;
	[tilespmem:s0+$0x60] =	vst v15  }
0x56: {  	v22 =	vor.u32 $0x300, v3;
	[tilespmem:s0+$0x80] =	vst v17;
	v17 =	vld.idx.msk [tilespmem:v6+s19+$0x0], $0xffff  }
0x57: {  	v23 =	vor.u32 $0x300, v10;
	v15 =	vld.idx.msk [tilespmem:v18+s19+$0x0], $0xffff;
	[tilespmem:s0+$0x1F0] =	vst v4  }
0x58: {  	v14 =	vld.idx.msk [tilespmem:v13+s19+$0x0], $0xffff;
	[tilespmem:s0+$0x90] =	vst v5  }
0x59: {  	v13 =	vld.idx.msk [tilespmem:v9+s19+$0x0], $0xffff;
	[tilespmem:s0+$0xA0] =	vst v7  }
0x5a: {  	v8 =	vor.u32 $0x300, v11;
	v6 =	vor.u32 $0x380, v1;
	v1 =	vor.u32 $0x380, v11;
	[tilespmem:s0+$0xB0] =	vst v19;
	v16 =	vld.idx.msk [tilespmem:v20+s19+$0x0], $0xffff  }
0x5b: {  	v5 =	vor.u32 $0x380, v2;
	v4 =	vor.u32 $0x380, v3;
	v2 =	vor.u32 $0x380, v10;
	v3 =	vld.idx.msk [tilespmem:v22+s19+$0x0], $0xffff;
	[tilespmem:s0+$0xC0] =	vst v21  }
0x5c: {  	s3 =	simm.s32 $0x0;
	s8 =	simm.s32 $0xC0;
	s1 =	simm.s32 $0x11200;
	v7 =	vor.u32 $0x380, v0;
	v9 =	vor.u32 $0x300, v12;
	v0 =	vor.u32 $0x380, v12;
	v10 =	vld.idx.msk [tilespmem:v23+s19+$0x0], $0xffff;
	[tilespmem:s0+$0xD0] =	vst v17  }
.LBB2_2:
0x5d: {  	v11 =	vld [tilespmem:s8+$0x30];
	s3 =	sadd.s32 $0x8, s3;
	[tilespmem:s0+$0xE0] =	vst v15  }
0x5e: {  	v12 =	vld [tilespmem:s8+$0xFFFFFFD0];
	p0 =	slt.u32 s3, $0x78;
	[tilespmem:s0+$0x100] =	vst v14  }
0x5f: {  	v14 =	vld [tilespmem:s8+$0xFFFFFFE0];
	[tilespmem:s0+$0x110] =	vst v13  }
0x60: {  	v13 =	vld [tilespmem:s8+$0xFFFFFFF0];
	[tilespmem:s0+$0x120] =	vst v16  }
0x61: {  	v15 =	vld [tilespmem:s8+$0x0];
	[tilespmem:s0+$0x130] =	vst v3  }
0x62: {  	v16 =	vld [tilespmem:s8+$0x10];
	v3 =	vshll.u32 v11, $0x3;
	[tilespmem:s0+$0x140] =	vst v10  }
0x63: {  	v11 =	vand.u32 $0x7F, v11;
	v10 =	vshll.u32 v12, $0x3;
	v17 =	vld [tilespmem:s8+$0x20];
	v3 =	vand.u32 $0xFFFFFC00, v3  }
0x64: {  	v18 =	vld [tilespmem:s8+$0xFFFFFFC0];
	v10 =	vand.u32 $0xFFFFFC00, v10;
	v19 =	vshll.u32 v14, $0x3;
	v3 =	vor.u32 v11, v3  }
0x65: {  	v11 =	vand.u32 $0x7F, v12;
	v12 =	vand.u32 $0xFFFFFC00, v19;
	v19 =	vshll.u32 v13, $0x3;
	v8 =	vld.idx.msk [tilespmem:v8+s19+$0x0], $0xffff  }
0x66: {  	v14 =	vand.u32 $0x7F, v14;
	v19 =	vand.u32 $0xFFFFFC00, v19;
	v20 =	vshll.u32 v15, $0x3;
	v9 =	vld.idx.msk [tilespmem:v9+s19+$0x0], $0xffff  }
0x67: {  	v13 =	vand.u32 $0x7F, v13;
	v20 =	vand.u32 $0xFFFFFC00, v20;
	v21 =	vshll.u32 v16, $0x3;
	v7 =	vld.idx.msk [tilespmem:v7+s19+$0x0], $0xffff  }
0x68: {  	v15 =	vand.u32 $0x7F, v15;
	v21 =	vand.u32 $0xFFFFFC00, v21;
	v22 =	vshll.u32 v17, $0x3;
	v6 =	vld.idx.msk [tilespmem:v6+s19+$0x0], $0xffff  }
0x69: {  	v23 =	vand.u32 $0x7F, v18;
	v18 =	vshll.u32 v18, $0x3;
	v22 =	vand.u32 $0xFFFFFC00, v22;
	v24 =	vld.idx.msk [tilespmem:v3+s19+$0x0], $0xffff  }
0x6a: {  	v16 =	vand.u32 $0x7F, v16;
	v17 =	vand.u32 $0x7F, v17;
	v18 =	vand.u32 $0xFFFFFC00, v18;
	v5 =	vld.idx.msk [tilespmem:v5+s19+$0x0], $0xffff  }
0x6b: {  	v25 =	vor.u32 v11, v10;
	v10 =	vor.u32 $0x80, v3;
	v23 =	vor.u32 v23, v18;
	v4 =	vld.idx.msk [tilespmem:v4+s19+$0x0], $0xffff;
	[tilespmem:s0+$0x150] =	vst v8  }
0x6c: {  	v26 =	vor.u32 v14, v12;
	v27 =	vor.u32 v13, v19;
	v28 =	vor.u32 v15, v20;
	[tilespmem:s0+$0x160] =	vst v9  }
0x6d: {  	v21 =	vor.u32 v16, v21;
	v22 =	vor.u32 v17, v22;
	v8 =	vor.u32 $0x80, v23;
	[tilespmem:s0+$0x180] =	vst v7;
	v2 =	vld.idx.msk [tilespmem:v2+s19+$0x0], $0xffff  }
0x6e: {  	v29 =	vor.u32 $0x80, v27;
	v9 =	vor.u32 $0x80, v26;
	v7 =	vor.u32 $0x80, v25;
	s0 =	sadd.s32 $0x400, s0;
	[tilespmem:s1+$0x190] =	vst v6;
	v1 =	vld.idx.msk [tilespmem:v1+s19+$0x0], $0xffff  }
0x6f: {  	v30 =	vor.u32 $0x80, v28;
	v31 =	vor.u32 $0x80, v21;
	v32 =	vor.u32 $0x80, v22;
	[tilespmem:s0+$0xFFFFFE70] =	vst v24;
	v0 =	vld.idx.msk [tilespmem:v0+s19+$0x0], $0xffff  }
0x70: {  	v33 =	vor.u32 $0x100, v25;
	v34 =	vor.u32 $0x100, v26;
	v24 =	vor.u32 $0x100, v23;
	v6 =	vld.idx.msk [tilespmem:v10+s19+$0x0], $0xffff;
	[tilespmem:s1+$0x1A0] =	vst v5  }
0x71: {  	v35 =	vor.u32 $0x100, v27;
	v36 =	vor.u32 $0x100, v28;
	v37 =	vor.u32 $0x100, v21;
	v5 =	vld.idx.msk [tilespmem:v23+s19+$0x0], $0xffff;
	[tilespmem:s1+$0x1B0] =	vst v4  }
0x72: {  	v39 =	vor.u32 $0x100, v22;
	v38 =	vor.u32 $0x180, v23;
	v10 =	vor.u32 $0x100, v3;
	v4 =	vld.idx.msk [tilespmem:v25+s19+$0x0], $0xffff  }
0x73: {  	v40 =	vor.u32 $0x180, v25;
	v41 =	vor.u32 $0x180, v26;
	v42 =	vor.u32 $0x180, v27;
	v11 =	vld.idx.msk [tilespmem:v26+s19+$0x0], $0xffff;
	[tilespmem:s1+$0x1C0] =	vst v2  }
0x74: {  	v43 =	vor.u32 $0x180, v28;
	v44 =	vor.u32 $0x180, v21;
	v45 =	vor.u32 $0x180, v22;
	v2 =	vld.idx.msk [tilespmem:v27+s19+$0x0], $0xffff;
	[tilespmem:s1+$0x1D0] =	vst v1  }
0x75: {  	v47 =	vor.u32 $0x200, v25;
	v48 =	vor.u32 $0x200, v26;
	v46 =	vor.u32 $0x200, v23;
	v1 =	vld.idx.msk [tilespmem:v28+s19+$0x0], $0xffff;
	[tilespmem:s1+$0x1E0] =	vst v0;
	s1 =	smov.u32 s0  }
0x76: {  	v49 =	vor.u32 $0x200, v27;
	v50 =	vor.u32 $0x200, v28;
	v51 =	vor.u32 $0x200, v21;
	v0 =	vld.idx.msk [tilespmem:v21+s19+$0x0], $0xffff;
	[tilespmem:s0+$0xFFFFFEF0] =	vst v6  }
0x77: {  	v18 =	vor.u32 $0x280, v25;
	v53 =	vor.u32 $0x200, v22;
	v52 =	vor.u32 $0x280, v23;
	[tilespmem:s0+$0xFFFFFE00] =	vst v5;
	v54 =	vld.idx.msk [tilespmem:v10+s19+$0x0], $0xffff  }
0x78: {  	v20 =	vor.u32 $0x280, v26;
	v19 =	vor.u32 $0x280, v27;
	v15 =	vor.u32 $0x280, v28;
	[tilespmem:s0+$0xFFFFFE10] =	vst v4;
	v55 =	vld.idx.msk [tilespmem:v22+s19+$0x0], $0xffff  }
0x79: {  	v57 =	vor.u32 $0x180, v3;
	v17 =	vor.u32 $0x280, v21;
	v16 =	vor.u32 $0x280, v22;
	v56 =	vld.idx.msk [tilespmem:v8+s19+$0x0], $0xffff;
	[tilespmem:s0+$0xFFFFFE20] =	vst v11  }
0x7a: {  	v13 =	vor.u32 $0x300, v25;
	v14 =	vor.u32 $0x300, v23;
	v10 =	vor.u32 $0x300, v26;
	v58 =	vld.idx.msk [tilespmem:v7+s19+$0x0], $0xffff;
	[tilespmem:s0+$0xFFFFFE30] =	vst v2  }
0x7b: {  	v12 =	vor.u32 $0x300, v27;
	v11 =	vor.u32 $0x300, v28;
	v8 =	vor.u32 $0x300, v21;
	v59 =	vld.idx.msk [tilespmem:v9+s19+$0x0], $0xffff;
	[tilespmem:s0+$0xFFFFFE40] =	vst v1  }
0x7c: {  	v6 =	vor.u32 $0x380, v25;
	v7 =	vor.u32 $0x380, v23;
	v9 =	vor.u32 $0x300, v22;
	v23 =	vld.idx.msk [tilespmem:v29+s19+$0x0], $0xffff;
	[tilespmem:s0+$0xFFFFFE50] =	vst v0  }
0x7d: {  	v5 =	vor.u32 $0x380, v26;
	v4 =	vor.u32 $0x380, v27;
	v2 =	vor.u32 $0x380, v28;
	v25 =	vld.idx.msk [tilespmem:v30+s19+$0x0], $0xffff;
	[tilespmem:s0+$0xFFFFFF70] =	vst v54  }
0x7e: {  	v1 =	vor.u32 $0x380, v21;
	v0 =	vor.u32 $0x380, v22;
	[tilespmem:s0+$0xFFFFFE60] =	vst v55;
	v21 =	vld.idx.msk [tilespmem:v57+s19+$0x0], $0xffff  }
0x7f: {  	[tilespmem:s0+$0xFFFFFE80] =	vst v56;
	v22 =	vld.idx.msk [tilespmem:v31+s19+$0x0], $0xffff  }
0x80: {  	v27 =	vor.u32 $0x200, v3;
	[tilespmem:s0+$0xFFFFFE90] =	vst v58;
	v26 =	vld.idx.msk [tilespmem:v32+s19+$0x0], $0xffff  }
0x81: {  	v24 =	vld.idx.msk [tilespmem:v24+s19+$0x0], $0xffff;
	[tilespmem:s0+$0xFFFFFEA0] =	vst v59  }
0x82: {  	v28 =	vld.idx.msk [tilespmem:v33+s19+$0x0], $0xffff;
	[tilespmem:s0+$0xFFFFFEB0] =	vst v23  }
0x83: {  	v23 =	vld.idx.msk [tilespmem:v34+s19+$0x0], $0xffff;
	[tilespmem:s0+$0xFFFFFEC0] =	vst v25  }
0x84: {  	v25 =	vld.idx.msk [tilespmem:v35+s19+$0x0], $0xffff;
	[tilespmem:s0+$0xFFFFFFF0] =	vst v21  }
0x85: {  	[tilespmem:s0+$0xFFFFFED0] =	vst v22;
	v21 =	vld.idx.msk [tilespmem:v27+s19+$0x0], $0xffff  }
0x86: {  	v22 =	vld.idx.msk [tilespmem:v36+s19+$0x0], $0xffff;
	[tilespmem:s0+$0xFFFFFEE0] =	vst v26  }
0x87: {  	v26 =	vor.u32 $0x280, v3;
	[tilespmem:s0+$0xFFFFFF00] =	vst v24;
	v24 =	vld.idx.msk [tilespmem:v37+s19+$0x0], $0xffff  }
0x88: {  	[tilespmem:s0+$0xFFFFFF10] =	vst v28;
	v27 =	vld.idx.msk [tilespmem:v39+s19+$0x0], $0xffff  }
0x89: {  	v28 =	vld.idx.msk [tilespmem:v38+s19+$0x0], $0xffff;
	[tilespmem:s0+$0xFFFFFF20] =	vst v23  }
0x8a: {  	v23 =	vld.idx.msk [tilespmem:v40+s19+$0x0], $0xffff;
	[tilespmem:s0+$0xFFFFFF30] =	vst v25  }
0x8b: {  	v25 =	vld.idx.msk [tilespmem:v41+s19+$0x0], $0xffff;
	[tilespmem:s0+$0x70] =	vst v21  }
0x8c: {  	[tilespmem:s0+$0xFFFFFF40] =	vst v22;
	v21 =	vld.idx.msk [tilespmem:v26+s19+$0x0], $0xffff  }
0x8d: {  	v22 =	vld.idx.msk [tilespmem:v42+s19+$0x0], $0xffff;
	[tilespmem:s0+$0xFFFFFF50] =	vst v24  }
0x8e: {  	v26 =	vor.u32 $0x300, v3;
	v24 =	vld.idx.msk [tilespmem:v43+s19+$0x0], $0xffff;
	[tilespmem:s0+$0xFFFFFF60] =	vst v27  }
0x8f: {  	[tilespmem:s0+$0xFFFFFF80] =	vst v28;
	v27 =	vld.idx.msk [tilespmem:v44+s19+$0x0], $0xffff  }
0x90: {  	[tilespmem:s0+$0xFFFFFF90] =	vst v23;
	v23 =	vld.idx.msk [tilespmem:v45+s19+$0x0], $0xffff  }
0x91: {  	v28 =	vld.idx.msk [tilespmem:v46+s19+$0x0], $0xffff;
	[tilespmem:s0+$0xFFFFFFA0] =	vst v25  }
0x92: {  	v25 =	vld.idx.msk [tilespmem:v47+s19+$0x0], $0xffff;
	[tilespmem:s0+$0xF0] =	vst v21  }
0x93: {  	[tilespmem:s0+$0xFFFFFFB0] =	vst v22;
	v21 =	vld.idx.msk [tilespmem:v26+s19+$0x0], $0xffff  }
0x94: {  	v22 =	vld.idx.msk [tilespmem:v48+s19+$0x0], $0xffff;
	[tilespmem:s0+$0xFFFFFFC0] =	vst v24  }
0x95: {  	v3 =	vor.u32 $0x380, v3;
	v24 =	vld.idx.msk [tilespmem:v49+s19+$0x0], $0xffff;
	[tilespmem:s0+$0xFFFFFFD0] =	vst v27  }
0x96: {  	v26 =	vld.idx.msk [tilespmem:v50+s19+$0x0], $0xffff;
	[tilespmem:s0+$0xFFFFFFE0] =	vst v23  }
0x97: {  	[tilespmem:s0+$0x0] =	vst v28;
	v23 =	vld.idx.msk [tilespmem:v51+s19+$0x0], $0xffff  }
0x98: {  	[tilespmem:s0+$0x10] =	vst v25;
	v25 =	vld.idx.msk [tilespmem:v53+s19+$0x0], $0xffff  }
0x99: {  	v27 =	vld.idx.msk [tilespmem:v52+s19+$0x0], $0xffff;
	[tilespmem:s0+$0x170] =	vst v21  }
0x9a: {  	[tilespmem:s0+$0x20] =	vst v22;
	v3 =	vld.idx.msk [tilespmem:v3+s19+$0x0], $0xffff  }
0x9b: {  	v18 =	vld.idx.msk [tilespmem:v18+s19+$0x0], $0xffff;
	[tilespmem:s0+$0x30] =	vst v24  }
0x9c: {  	v20 =	vld.idx.msk [tilespmem:v20+s19+$0x0], $0xffff;
	[tilespmem:s0+$0x40] =	vst v26  }
0x9d: {  	v19 =	vld.idx.msk [tilespmem:v19+s19+$0x0], $0xffff;
	[tilespmem:s0+$0x50] =	vst v23  }
0x9e: {  	v21 =	vld.idx.msk [tilespmem:v15+s19+$0x0], $0xffff;
	[tilespmem:s0+$0x60] =	vst v25  }
0x9f: {  	[tilespmem:s0+$0x80] =	vst v27;
	v17 =	vld.idx.msk [tilespmem:v17+s19+$0x0], $0xffff  }
0xa0: {  	v15 =	vld.idx.msk [tilespmem:v16+s19+$0x0], $0xffff;
	[tilespmem:s0+$0x1F0] =	vst v3  }
.Ltmp0:
0xa1: {  	v14 =	vld.idx.msk [tilespmem:v14+s19+$0x0], $0xffff;
	[tilespmem:s0+$0x90] =	vst v18;
	(pc) =	sbr.rel @p0 .LBB2_2-.Ltmp0, $4  }
0xa2: {  	v13 =	vld.idx.msk [tilespmem:v13+s19+$0x0], $0xffff;
	[tilespmem:s0+$0xA0] =	vst v20  }
0xa3: {  	v16 =	vld.idx.msk [tilespmem:v10+s19+$0x0], $0xffff;
	[tilespmem:s0+$0xB0] =	vst v19  }
0xa4: {  	v3 =	vld.idx.msk [tilespmem:v12+s19+$0x0], $0xffff;
	[tilespmem:s0+$0xC0] =	vst v21  }
0xa5: {  	s8 =	sadd.s32 $0x80, s8;
	v10 =	vld.idx.msk [tilespmem:v11+s19+$0x0], $0xffff;
	[tilespmem:s0+$0xD0] =	vst v17  }
0xa6: {  	_ =	sdelay $0x2  }
0xa7: {  	[tilespmem:s0+$0xE0] =	vst v15  }
0xa8: {  	[tilespmem:s0+$0x100] =	vst v14;
	v8 =	vld.idx.msk [tilespmem:v8+s19+$0x0], $0xffff  }
0xa9: {  	[tilespmem:s0+$0x110] =	vst v13;
	v9 =	vld.idx.msk [tilespmem:v9+s19+$0x0], $0xffff  }
0xaa: {  	v7 =	vld.idx.msk [tilespmem:v7+s19+$0x0], $0xffff;
	[tilespmem:s0+$0x120] =	vst v16  }
0xab: {  	[tilespmem:s0+$0x130] =	vst v3;
	v3 =	vld.idx.msk [tilespmem:v6+s19+$0x0], $0xffff  }
0xac: {  	v5 =	vld.idx.msk [tilespmem:v5+s19+$0x0], $0xffff;
	[tilespmem:s0+$0x140] =	vst v10  }
0xad: {  	v4 =	vld.idx.msk [tilespmem:v4+s19+$0x0], $0xffff;
	[tilespmem:s0+$0x150] =	vst v8  }
0xae: {  	v2 =	vld.idx.msk [tilespmem:v2+s19+$0x0], $0xffff;
	[tilespmem:s0+$0x160] =	vst v9  }
0xaf: {  	[tilespmem:s0+$0x180] =	vst v7;
	v1 =	vld.idx.msk [tilespmem:v1+s19+$0x0], $0xffff  }
0xb0: {  	v0 =	vld.idx.msk [tilespmem:v0+s19+$0x0], $0xffff;
	[tilespmem:s1+$0x190] =	vst v3  }
0xb1: {  	[tilespmem:s1+$0x1A0] =	vst v5  }
0xb2: {  	[tilespmem:s1+$0x1B0] =	vst v4  }
0xb3: {  	[tilespmem:s1+$0x1C0] =	vst v2  }
0xb4: {  	[tilespmem:s1+$0x1D0] =	vst v1  }
0xb5: {  	s31 =	simm.s32 $0x870;
	[tilespmem:s1+$0x1E0] =	vst v0  }
0xb6: {  	[hbm4b:s10+s5] =	stream.linear.scatter [tilespmem:s22], [sflag:$0x3], $0x4000, $0x38;
	[tilespmem:$0x19000] =	vst v63  }
0xb7: {  	v0 =	vld [tilespmem:s31+$0x0];
	_ =	sdelay $0x3  }
0xb8: {  	v1 =	vld [tilespmem:s31+$0xFFFFFFA0]  }
0xb9: {  	v2 =	vshll.u32 v0, $0x3  }
0xba: {  	v3 =	vld [tilespmem:s31+$0xFFFFFFB0];
	v0 =	vand.u32 $0x7F, v0;
	v2 =	vand.u32 $0xFFFFFC00, v2  }
0xbb: {  	v5 =	vld [tilespmem:s31+$0xFFFFFF90];
	v4 =	vor.u32 v0, v2;
	_ =	sdelay $0x1  }
0xbc: {  	v2 =	vld [tilespmem:s31+$0xFFFFFFC0];
	v0 =	vshll.u32 v1, $0x3  }
0xbd: {  	v7 =	vld [tilespmem:s31+$0xFFFFFFE0];
	v1 =	vand.u32 $0x7F, v1;
	v8 =	vand.u32 $0xFFFFFC00, v0  }
0xbe: {  	v6 =	vld [tilespmem:s31+$0xFFFFFFD0];
	v0 =	vshll.u32 v3, $0x3;
	v1 =	vor.u32 v1, v8  }
0xbf: {  	v11 =	vor.u32 $0x80, v4;
	v9 =	vand.u32 $0xFFFFFC00, v0;
	v0 =	vshll.u32 v5, $0x3;
	v10 =	vld.idx.msk [tilespmem:v4+s19+$0x0], $0xffff  }
0xc0: {  	v12 =	vld [tilespmem:s31+$0xFFFFFFF0];
	v3 =	vand.u32 $0x7F, v3;
	v5 =	vand.u32 $0x7F, v5;
	v0 =	vand.u32 $0xFFFFFC00, v0  }
0xc1: {  	v0 =	vor.u32 v5, v0;
	v13 =	vshll.u32 v2, $0x3;
	v8 =	vand.u32 $0x7F, v2  }
0xc2: {  	v2 =	vor.u32 v3, v9;
	v9 =	vshll.u32 v7, $0x3;
	v5 =	vand.u32 $0xFFFFFC00, v13  }
0xc3: {  	s0 =	simm.s32 $0x15200;
	v13 =	vshll.u32 v6, $0x3;
	v3 =	vor.u32 v8, v5;
	v5 =	vand.u32 $0xFFFFFC00, v9;
	v9 =	vld.idx.msk [tilespmem:v1+s19+$0x0], $0xffff  }
0xc4: {  	v15 =	vor.u32 $0x80, v1;
	v6 =	vand.u32 $0x7F, v6;
	v13 =	vand.u32 $0xFFFFFC00, v13;
	[tilespmem:s0+$0xFFFFFE70] =	vst v10  }
0xc5: {  	v7 =	vand.u32 $0x7F, v7;
	v8 =	vshll.u32 v12, $0x3;
	v10 =	vor.u32 v6, v13;
	v6 =	vld.idx.msk [tilespmem:v11+s19+$0x0], $0xffff  }
0xc6: {  	v11 =	vor.u32 v7, v5;
	v5 =	vld.idx.msk [tilespmem:v0+s19+$0x0], $0xffff;
	v7 =	vand.u32 $0xFFFFFC00, v8;
	v8 =	vand.u32 $0x7F, v12  }
0xc7: {  	v13 =	vor.u32 $0x100, v4;
	v12 =	vor.u32 v8, v7;
	v7 =	vld.idx.msk [tilespmem:v2+s19+$0x0], $0xffff  }
0xc8: {  	v8 =	vor.u32 $0x80, v0;
	v14 =	vld.idx.msk [tilespmem:v3+s19+$0x0], $0xffff;
	[tilespmem:s0+$0xFFFFFE10] =	vst v9  }
0xc9: {  	v15 =	vld.idx.msk [tilespmem:v15+s19+$0x0], $0xffff  }
0xca: {  	v17 =	vor.u32 $0x80, v2;
	v16 =	vld.idx.msk [tilespmem:v10+s19+$0x0], $0xffff  }
0xcb: {  	v18 =	vld.idx.msk [tilespmem:v11+s19+$0x0], $0xffff;
	[tilespmem:s0+$0xFFFFFEF0] =	vst v6;
	v6 =	vor.u32 $0x80, v3  }
0xcc: {  	[tilespmem:s0+$0xFFFFFE00] =	vst v5;
	v5 =	vld.idx.msk [tilespmem:v13+s19+$0x0], $0xffff;
	v13 =	vor.u32 $0x80, v10  }
0xcd: {  	v19 =	vor.u32 $0x80, v11;
	v8 =	vld.idx.msk [tilespmem:v8+s19+$0x0], $0xffff;
	[tilespmem:s0+$0xFFFFFE20] =	vst v7  }
0xce: {  	v9 =	vld.idx.msk [tilespmem:v12+s19+$0x0], $0xffff;
	v7 =	vor.u32 $0x180, v4;
	[tilespmem:s0+$0xFFFFFE30] =	vst v14  }
0xcf: {  	v14 =	vor.u32 $0x80, v12;
	v17 =	vld.idx.msk [tilespmem:v17+s19+$0x0], $0xffff;
	[tilespmem:s0+$0xFFFFFE40] =	vst v16  }
0xd0: {  	v16 =	vor.u32 $0x100, v0;
	v6 =	vld.idx.msk [tilespmem:v6+s19+$0x0], $0xffff;
	[tilespmem:s0+$0xFFFFFE50] =	vst v18  }
0xd1: {  	v18 =	vor.u32 $0x100, v1;
	v13 =	vld.idx.msk [tilespmem:v13+s19+$0x0], $0xffff;
	[tilespmem:s0+$0xFFFFFF70] =	vst v5  }
0xd2: {  	v5 =	vor.u32 $0x100, v2;
	[tilespmem:s0+$0xFFFFFE80] =	vst v8;
	v8 =	vld.idx.msk [tilespmem:v19+s19+$0x0], $0xffff  }
0xd3: {  	[tilespmem:s0+$0xFFFFFE60] =	vst v9;
	v9 =	vor.u32 $0x100, v3;
	v7 =	vld.idx.msk [tilespmem:v7+s19+$0x0], $0xffff  }
0xd4: {  	[tilespmem:s0+$0xFFFFFE90] =	vst v15;
	v19 =	vor.u32 $0x100, v10;
	v14 =	vld.idx.msk [tilespmem:v14+s19+$0x0], $0xffff  }
0xd5: {  	[tilespmem:s0+$0xFFFFFEA0] =	vst v17;
	v17 =	vor.u32 $0x100, v11;
	v16 =	vld.idx.msk [tilespmem:v16+s19+$0x0], $0xffff  }
0xd6: {  	v15 =	vor.u32 $0x200, v4;
	v18 =	vld.idx.msk [tilespmem:v18+s19+$0x0], $0xffff;
	[tilespmem:s0+$0xFFFFFEB0] =	vst v6  }
0xd7: {  	v6 =	vor.u32 $0x100, v12;
	v5 =	vld.idx.msk [tilespmem:v5+s19+$0x0], $0xffff;
	[tilespmem:s0+$0xFFFFFEC0] =	vst v13  }
0xd8: {  	v13 =	vor.u32 $0x180, v0;
	v9 =	vld.idx.msk [tilespmem:v9+s19+$0x0], $0xffff;
	[tilespmem:s0+$0xFFFFFED0] =	vst v8  }
0xd9: {  	[tilespmem:s0+$0xFFFFFFF0] =	vst v7;
	v7 =	vor.u32 $0x180, v1;
	v19 =	vld.idx.msk [tilespmem:v19+s19+$0x0], $0xffff  }
0xda: {  	[tilespmem:s0+$0xFFFFFEE0] =	vst v14;
	v14 =	vld.idx.msk [tilespmem:v17+s19+$0x0], $0xffff;
	v17 =	vor.u32 $0x180, v3  }
0xdb: {  	v8 =	vld.idx.msk [tilespmem:v15+s19+$0x0], $0xffff;
	v15 =	vor.u32 $0x180, v2;
	[tilespmem:s0+$0xFFFFFF00] =	vst v16  }
0xdc: {  	v16 =	vor.u32 $0x280, v4;
	[tilespmem:s0+$0xFFFFFF10] =	vst v18;
	v6 =	vld.idx.msk [tilespmem:v6+s19+$0x0], $0xffff  }
0xdd: {  	v18 =	vor.u32 $0x180, v10;
	v13 =	vld.idx.msk [tilespmem:v13+s19+$0x0], $0xffff;
	[tilespmem:s0+$0xFFFFFF20] =	vst v5  }
0xde: {  	v5 =	vor.u32 $0x180, v11;
	[tilespmem:s0+$0xFFFFFF30] =	vst v9;
	v7 =	vld.idx.msk [tilespmem:v7+s19+$0x0], $0xffff  }
0xdf: {  	v9 =	vor.u32 $0x180, v12;
	[tilespmem:s0+$0xFFFFFF40] =	vst v19;
	v17 =	vld.idx.msk [tilespmem:v17+s19+$0x0], $0xffff  }
0xe0: {  	v15 =	vld.idx.msk [tilespmem:v15+s19+$0x0], $0xffff;
	[tilespmem:s0+$0x70] =	vst v8;
	v8 =	vor.u32 $0x200, v0  }
0xe1: {  	v19 =	vor.u32 $0x200, v1;
	[tilespmem:s0+$0xFFFFFF50] =	vst v14;
	v16 =	vld.idx.msk [tilespmem:v16+s19+$0x0], $0xffff  }
0xe2: {  	v14 =	vld.idx.msk [tilespmem:v18+s19+$0x0], $0xffff;
	[tilespmem:s0+$0xFFFFFF60] =	vst v6;
	v6 =	vor.u32 $0x300, v4  }
0xe3: {  	v18 =	vor.u32 $0x200, v2;
	[tilespmem:s0+$0xFFFFFF80] =	vst v13;
	v5 =	vld.idx.msk [tilespmem:v5+s19+$0x0], $0xffff  }
0xe4: {  	v13 =	vor.u32 $0x200, v3;
	[tilespmem:s0+$0xFFFFFF90] =	vst v7;
	v7 =	vld.idx.msk [tilespmem:v9+s19+$0x0], $0xffff  }
0xe5: {  	v9 =	vor.u32 $0x200, v10;
	v8 =	vld.idx.msk [tilespmem:v8+s19+$0x0], $0xffff;
	[tilespmem:s0+$0xFFFFFFA0] =	vst v15  }
0xe6: {  	v15 =	vor.u32 $0x200, v11;
	v19 =	vld.idx.msk [tilespmem:v19+s19+$0x0], $0xffff;
	[tilespmem:s0+$0xF0] =	vst v16  }
0xe7: {  	[tilespmem:s0+$0xFFFFFFB0] =	vst v17;
	v16 =	vor.u32 $0x200, v12;
	v6 =	vld.idx.msk [tilespmem:v6+s19+$0x0], $0xffff  }
0xe8: {  	v17 =	vor.u32 $0x280, v0;
	v18 =	vld.idx.msk [tilespmem:v18+s19+$0x0], $0xffff;
	[tilespmem:s0+$0xFFFFFFC0] =	vst v14  }
0xe9: {  	v4 =	vor.u32 $0x380, v4;
	v13 =	vld.idx.msk [tilespmem:v13+s19+$0x0], $0xffff;
	[tilespmem:s0+$0xFFFFFFD0] =	vst v5  }
0xea: {  	v5 =	vor.u32 $0x280, v1;
	v9 =	vld.idx.msk [tilespmem:v9+s19+$0x0], $0xffff;
	[tilespmem:s0+$0xFFFFFFE0] =	vst v7  }
0xeb: {  	v7 =	vor.u32 $0x280, v2;
	[tilespmem:s0+$0x0] =	vst v8;
	v8 =	vld.idx.msk [tilespmem:v15+s19+$0x0], $0xffff  }
0xec: {  	v14 =	vor.u32 $0x280, v3;
	[tilespmem:s0+$0x10] =	vst v19;
	v15 =	vld.idx.msk [tilespmem:v16+s19+$0x0], $0xffff  }
0xed: {  	v16 =	vor.u32 $0x280, v10;
	v17 =	vld.idx.msk [tilespmem:v17+s19+$0x0], $0xffff;
	[tilespmem:s0+$0x170] =	vst v6  }
0xee: {  	v6 =	vor.u32 $0x280, v11;
	[tilespmem:s0+$0x20] =	vst v18;
	v4 =	vld.idx.msk [tilespmem:v4+s19+$0x0], $0xffff  }
0xef: {  	v18 =	vor.u32 $0x280, v12;
	v5 =	vld.idx.msk [tilespmem:v5+s19+$0x0], $0xffff;
	[tilespmem:s0+$0x30] =	vst v13  }
0xf0: {  	v13 =	vor.u32 $0x300, v0;
	v7 =	vld.idx.msk [tilespmem:v7+s19+$0x0], $0xffff;
	[tilespmem:s0+$0x40] =	vst v9  }
0xf1: {  	v9 =	vor.u32 $0x300, v1;
	v19 =	vld.idx.msk [tilespmem:v14+s19+$0x0], $0xffff;
	[tilespmem:s0+$0x50] =	vst v8  }
0xf2: {  	v20 =	vor.u32 $0x300, v2;
	v21 =	vld.idx.msk [tilespmem:v16+s19+$0x0], $0xffff;
	[tilespmem:s0+$0x60] =	vst v15  }
0xf3: {  	v22 =	vor.u32 $0x300, v3;
	[tilespmem:s0+$0x80] =	vst v17;
	v17 =	vld.idx.msk [tilespmem:v6+s19+$0x0], $0xffff  }
0xf4: {  	v23 =	vor.u32 $0x300, v10;
	v15 =	vld.idx.msk [tilespmem:v18+s19+$0x0], $0xffff;
	[tilespmem:s0+$0x1F0] =	vst v4  }
0xf5: {  	v14 =	vld.idx.msk [tilespmem:v13+s19+$0x0], $0xffff;
	[tilespmem:s0+$0x90] =	vst v5  }
0xf6: {  	v13 =	vld.idx.msk [tilespmem:v9+s19+$0x0], $0xffff;
	[tilespmem:s0+$0xA0] =	vst v7  }
0xf7: {  	v8 =	vor.u32 $0x300, v11;
	v6 =	vor.u32 $0x380, v1;
	v1 =	vor.u32 $0x380, v11;
	[tilespmem:s0+$0xB0] =	vst v19;
	v16 =	vld.idx.msk [tilespmem:v20+s19+$0x0], $0xffff  }
0xf8: {  	v5 =	vor.u32 $0x380, v2;
	v4 =	vor.u32 $0x380, v3;
	v2 =	vor.u32 $0x380, v10;
	v3 =	vld.idx.msk [tilespmem:v22+s19+$0x0], $0xffff;
	[tilespmem:s0+$0xC0] =	vst v21  }
0xf9: {  	s3 =	simm.s32 $0x0;
	s8 =	simm.s32 $0x8F0;
	s1 =	simm.s32 $0x15200;
	v7 =	vor.u32 $0x380, v0;
	v9 =	vor.u32 $0x300, v12;
	v0 =	vor.u32 $0x380, v12;
	v10 =	vld.idx.msk [tilespmem:v23+s19+$0x0], $0xffff;
	[tilespmem:s0+$0xD0] =	vst v17  }
.LBB2_4:
0xfa: {  	v11 =	vld [tilespmem:s8+$0x0];
	s3 =	sadd.s32 $0x8, s3;
	[tilespmem:s0+$0xE0] =	vst v15  }
0xfb: {  	v12 =	vld [tilespmem:s8+$0xFFFFFFA0];
	p0 =	slt.u32 s3, $0x78;
	[tilespmem:s0+$0x100] =	vst v14  }
0xfc: {  	v14 =	vld [tilespmem:s8+$0xFFFFFFB0];
	[tilespmem:s0+$0x110] =	vst v13  }
0xfd: {  	v13 =	vld [tilespmem:s8+$0xFFFFFFC0];
	[tilespmem:s0+$0x120] =	vst v16  }
0xfe: {  	v15 =	vld [tilespmem:s8+$0xFFFFFFD0];
	[tilespmem:s0+$0x130] =	vst v3  }
0xff: {  	v16 =	vld [tilespmem:s8+$0xFFFFFFE0];
	v3 =	vshll.u32 v11, $0x3;
	[tilespmem:s0+$0x140] =	vst v10  }
0x100: {  	v11 =	vand.u32 $0x7F, v11;
	v10 =	vshll.u32 v12, $0x3;
	v17 =	vld [tilespmem:s8+$0xFFFFFFF0];
	v3 =	vand.u32 $0xFFFFFC00, v3  }
0x101: {  	v18 =	vld [tilespmem:s8+$0xFFFFFF90];
	v10 =	vand.u32 $0xFFFFFC00, v10;
	v19 =	vshll.u32 v14, $0x3;
	v3 =	vor.u32 v11, v3  }
0x102: {  	v11 =	vand.u32 $0x7F, v12;
	v12 =	vand.u32 $0xFFFFFC00, v19;
	v19 =	vshll.u32 v13, $0x3;
	v8 =	vld.idx.msk [tilespmem:v8+s19+$0x0], $0xffff  }
0x103: {  	v14 =	vand.u32 $0x7F, v14;
	v19 =	vand.u32 $0xFFFFFC00, v19;
	v20 =	vshll.u32 v15, $0x3;
	v9 =	vld.idx.msk [tilespmem:v9+s19+$0x0], $0xffff  }
0x104: {  	v13 =	vand.u32 $0x7F, v13;
	v20 =	vand.u32 $0xFFFFFC00, v20;
	v21 =	vshll.u32 v16, $0x3;
	v7 =	vld.idx.msk [tilespmem:v7+s19+$0x0], $0xffff  }
0x105: {  	v15 =	vand.u32 $0x7F, v15;
	v21 =	vand.u32 $0xFFFFFC00, v21;
	v22 =	vshll.u32 v17, $0x3;
	v6 =	vld.idx.msk [tilespmem:v6+s19+$0x0], $0xffff  }
0x106: {  	v23 =	vand.u32 $0x7F, v18;
	v18 =	vshll.u32 v18, $0x3;
	v22 =	vand.u32 $0xFFFFFC00, v22;
	v24 =	vld.idx.msk [tilespmem:v3+s19+$0x0], $0xffff  }
0x107: {  	v16 =	vand.u32 $0x7F, v16;
	v17 =	vand.u32 $0x7F, v17;
	v18 =	vand.u32 $0xFFFFFC00, v18;
	v5 =	vld.idx.msk [tilespmem:v5+s19+$0x0], $0xffff  }
0x108: {  	v25 =	vor.u32 v11, v10;
	v10 =	vor.u32 $0x80, v3;
	v23 =	vor.u32 v23, v18;
	v4 =	vld.idx.msk [tilespmem:v4+s19+$0x0], $0xffff;
	[tilespmem:s0+$0x150] =	vst v8  }
0x109: {  	v26 =	vor.u32 v14, v12;
	v27 =	vor.u32 v13, v19;
	v28 =	vor.u32 v15, v20;
	[tilespmem:s0+$0x160] =	vst v9  }
0x10a: {  	v21 =	vor.u32 v16, v21;
	v22 =	vor.u32 v17, v22;
	v8 =	vor.u32 $0x80, v23;
	[tilespmem:s0+$0x180] =	vst v7;
	v2 =	vld.idx.msk [tilespmem:v2+s19+$0x0], $0xffff  }
0x10b: {  	v29 =	vor.u32 $0x80, v27;
	v9 =	vor.u32 $0x80, v26;
	v7 =	vor.u32 $0x80, v25;
	s0 =	sadd.s32 $0x400, s0;
	[tilespmem:s1+$0x190] =	vst v6;
	v1 =	vld.idx.msk [tilespmem:v1+s19+$0x0], $0xffff  }
0x10c: {  	v30 =	vor.u32 $0x80, v28;
	v31 =	vor.u32 $0x80, v21;
	v32 =	vor.u32 $0x80, v22;
	[tilespmem:s0+$0xFFFFFE70] =	vst v24;
	v0 =	vld.idx.msk [tilespmem:v0+s19+$0x0], $0xffff  }
0x10d: {  	v33 =	vor.u32 $0x100, v25;
	v34 =	vor.u32 $0x100, v26;
	v24 =	vor.u32 $0x100, v23;
	v6 =	vld.idx.msk [tilespmem:v10+s19+$0x0], $0xffff;
	[tilespmem:s1+$0x1A0] =	vst v5  }
0x10e: {  	v35 =	vor.u32 $0x100, v27;
	v36 =	vor.u32 $0x100, v28;
	v37 =	vor.u32 $0x100, v21;
	v5 =	vld.idx.msk [tilespmem:v23+s19+$0x0], $0xffff;
	[tilespmem:s1+$0x1B0] =	vst v4  }
0x10f: {  	v39 =	vor.u32 $0x100, v22;
	v38 =	vor.u32 $0x180, v23;
	v10 =	vor.u32 $0x100, v3;
	v4 =	vld.idx.msk [tilespmem:v25+s19+$0x0], $0xffff  }
0x110: {  	v40 =	vor.u32 $0x180, v25;
	v41 =	vor.u32 $0x180, v26;
	v42 =	vor.u32 $0x180, v27;
	v11 =	vld.idx.msk [tilespmem:v26+s19+$0x0], $0xffff;
	[tilespmem:s1+$0x1C0] =	vst v2  }
0x111: {  	v43 =	vor.u32 $0x180, v28;
	v44 =	vor.u32 $0x180, v21;
	v45 =	vor.u32 $0x180, v22;
	v2 =	vld.idx.msk [tilespmem:v27+s19+$0x0], $0xffff;
	[tilespmem:s1+$0x1D0] =	vst v1  }
0x112: {  	v47 =	vor.u32 $0x200, v25;
	v48 =	vor.u32 $0x200, v26;
	v46 =	vor.u32 $0x200, v23;
	v1 =	vld.idx.msk [tilespmem:v28+s19+$0x0], $0xffff;
	[tilespmem:s1+$0x1E0] =	vst v0;
	s1 =	smov.u32 s0  }
0x113: {  	v49 =	vor.u32 $0x200, v27;
	v50 =	vor.u32 $0x200, v28;
	v51 =	vor.u32 $0x200, v21;
	v0 =	vld.idx.msk [tilespmem:v21+s19+$0x0], $0xffff;
	[tilespmem:s0+$0xFFFFFEF0] =	vst v6  }
0x114: {  	v18 =	vor.u32 $0x280, v25;
	v53 =	vor.u32 $0x200, v22;
	v52 =	vor.u32 $0x280, v23;
	[tilespmem:s0+$0xFFFFFE00] =	vst v5;
	v54 =	vld.idx.msk [tilespmem:v10+s19+$0x0], $0xffff  }
0x115: {  	v20 =	vor.u32 $0x280, v26;
	v19 =	vor.u32 $0x280, v27;
	v15 =	vor.u32 $0x280, v28;
	[tilespmem:s0+$0xFFFFFE10] =	vst v4;
	v55 =	vld.idx.msk [tilespmem:v22+s19+$0x0], $0xffff  }
0x116: {  	v57 =	vor.u32 $0x180, v3;
	v17 =	vor.u32 $0x280, v21;
	v16 =	vor.u32 $0x280, v22;
	v56 =	vld.idx.msk [tilespmem:v8+s19+$0x0], $0xffff;
	[tilespmem:s0+$0xFFFFFE20] =	vst v11  }
0x117: {  	v13 =	vor.u32 $0x300, v25;
	v14 =	vor.u32 $0x300, v23;
	v10 =	vor.u32 $0x300, v26;
	v58 =	vld.idx.msk [tilespmem:v7+s19+$0x0], $0xffff;
	[tilespmem:s0+$0xFFFFFE30] =	vst v2  }
0x118: {  	v12 =	vor.u32 $0x300, v27;
	v11 =	vor.u32 $0x300, v28;
	v8 =	vor.u32 $0x300, v21;
	v59 =	vld.idx.msk [tilespmem:v9+s19+$0x0], $0xffff;
	[tilespmem:s0+$0xFFFFFE40] =	vst v1  }
0x119: {  	v6 =	vor.u32 $0x380, v25;
	v7 =	vor.u32 $0x380, v23;
	v9 =	vor.u32 $0x300, v22;
	v23 =	vld.idx.msk [tilespmem:v29+s19+$0x0], $0xffff;
	[tilespmem:s0+$0xFFFFFE50] =	vst v0  }
0x11a: {  	v5 =	vor.u32 $0x380, v26;
	v4 =	vor.u32 $0x380, v27;
	v2 =	vor.u32 $0x380, v28;
	v25 =	vld.idx.msk [tilespmem:v30+s19+$0x0], $0xffff;
	[tilespmem:s0+$0xFFFFFF70] =	vst v54  }
0x11b: {  	v1 =	vor.u32 $0x380, v21;
	v0 =	vor.u32 $0x380, v22;
	[tilespmem:s0+$0xFFFFFE60] =	vst v55;
	v21 =	vld.idx.msk [tilespmem:v57+s19+$0x0], $0xffff  }
0x11c: {  	[tilespmem:s0+$0xFFFFFE80] =	vst v56;
	v22 =	vld.idx.msk [tilespmem:v31+s19+$0x0], $0xffff  }
0x11d: {  	v27 =	vor.u32 $0x200, v3;
	[tilespmem:s0+$0xFFFFFE90] =	vst v58;
	v26 =	vld.idx.msk [tilespmem:v32+s19+$0x0], $0xffff  }
0x11e: {  	v24 =	vld.idx.msk [tilespmem:v24+s19+$0x0], $0xffff;
	[tilespmem:s0+$0xFFFFFEA0] =	vst v59  }
0x11f: {  	v28 =	vld.idx.msk [tilespmem:v33+s19+$0x0], $0xffff;
	[tilespmem:s0+$0xFFFFFEB0] =	vst v23  }
0x120: {  	v23 =	vld.idx.msk [tilespmem:v34+s19+$0x0], $0xffff;
	[tilespmem:s0+$0xFFFFFEC0] =	vst v25  }
0x121: {  	v25 =	vld.idx.msk [tilespmem:v35+s19+$0x0], $0xffff;
	[tilespmem:s0+$0xFFFFFFF0] =	vst v21  }
0x122: {  	[tilespmem:s0+$0xFFFFFED0] =	vst v22;
	v21 =	vld.idx.msk [tilespmem:v27+s19+$0x0], $0xffff  }
0x123: {  	v22 =	vld.idx.msk [tilespmem:v36+s19+$0x0], $0xffff;
	[tilespmem:s0+$0xFFFFFEE0] =	vst v26  }
0x124: {  	v26 =	vor.u32 $0x280, v3;
	[tilespmem:s0+$0xFFFFFF00] =	vst v24;
	v24 =	vld.idx.msk [tilespmem:v37+s19+$0x0], $0xffff  }
0x125: {  	[tilespmem:s0+$0xFFFFFF10] =	vst v28;
	v27 =	vld.idx.msk [tilespmem:v39+s19+$0x0], $0xffff  }
0x126: {  	v28 =	vld.idx.msk [tilespmem:v38+s19+$0x0], $0xffff;
	[tilespmem:s0+$0xFFFFFF20] =	vst v23  }
0x127: {  	v23 =	vld.idx.msk [tilespmem:v40+s19+$0x0], $0xffff;
	[tilespmem:s0+$0xFFFFFF30] =	vst v25  }
0x128: {  	v25 =	vld.idx.msk [tilespmem:v41+s19+$0x0], $0xffff;
	[tilespmem:s0+$0x70] =	vst v21  }
0x129: {  	[tilespmem:s0+$0xFFFFFF40] =	vst v22;
	v21 =	vld.idx.msk [tilespmem:v26+s19+$0x0], $0xffff  }
0x12a: {  	v22 =	vld.idx.msk [tilespmem:v42+s19+$0x0], $0xffff;
	[tilespmem:s0+$0xFFFFFF50] =	vst v24  }
0x12b: {  	v26 =	vor.u32 $0x300, v3;
	v24 =	vld.idx.msk [tilespmem:v43+s19+$0x0], $0xffff;
	[tilespmem:s0+$0xFFFFFF60] =	vst v27  }
0x12c: {  	[tilespmem:s0+$0xFFFFFF80] =	vst v28;
	v27 =	vld.idx.msk [tilespmem:v44+s19+$0x0], $0xffff  }
0x12d: {  	[tilespmem:s0+$0xFFFFFF90] =	vst v23;
	v23 =	vld.idx.msk [tilespmem:v45+s19+$0x0], $0xffff  }
0x12e: {  	v28 =	vld.idx.msk [tilespmem:v46+s19+$0x0], $0xffff;
	[tilespmem:s0+$0xFFFFFFA0] =	vst v25  }
0x12f: {  	v25 =	vld.idx.msk [tilespmem:v47+s19+$0x0], $0xffff;
	[tilespmem:s0+$0xF0] =	vst v21  }
0x130: {  	[tilespmem:s0+$0xFFFFFFB0] =	vst v22;
	v21 =	vld.idx.msk [tilespmem:v26+s19+$0x0], $0xffff  }
0x131: {  	v22 =	vld.idx.msk [tilespmem:v48+s19+$0x0], $0xffff;
	[tilespmem:s0+$0xFFFFFFC0] =	vst v24  }
0x132: {  	v3 =	vor.u32 $0x380, v3;
	v24 =	vld.idx.msk [tilespmem:v49+s19+$0x0], $0xffff;
	[tilespmem:s0+$0xFFFFFFD0] =	vst v27  }
0x133: {  	v26 =	vld.idx.msk [tilespmem:v50+s19+$0x0], $0xffff;
	[tilespmem:s0+$0xFFFFFFE0] =	vst v23  }
0x134: {  	[tilespmem:s0+$0x0] =	vst v28;
	v23 =	vld.idx.msk [tilespmem:v51+s19+$0x0], $0xffff  }
0x135: {  	[tilespmem:s0+$0x10] =	vst v25;
	v25 =	vld.idx.msk [tilespmem:v53+s19+$0x0], $0xffff  }
0x136: {  	v27 =	vld.idx.msk [tilespmem:v52+s19+$0x0], $0xffff;
	[tilespmem:s0+$0x170] =	vst v21  }
0x137: {  	[tilespmem:s0+$0x20] =	vst v22;
	v3 =	vld.idx.msk [tilespmem:v3+s19+$0x0], $0xffff  }
0x138: {  	v18 =	vld.idx.msk [tilespmem:v18+s19+$0x0], $0xffff;
	[tilespmem:s0+$0x30] =	vst v24  }
0x139: {  	v20 =	vld.idx.msk [tilespmem:v20+s19+$0x0], $0xffff;
	[tilespmem:s0+$0x40] =	vst v26  }
0x13a: {  	v19 =	vld.idx.msk [tilespmem:v19+s19+$0x0], $0xffff;
	[tilespmem:s0+$0x50] =	vst v23  }
0x13b: {  	v21 =	vld.idx.msk [tilespmem:v15+s19+$0x0], $0xffff;
	[tilespmem:s0+$0x60] =	vst v25  }
0x13c: {  	[tilespmem:s0+$0x80] =	vst v27;
	v17 =	vld.idx.msk [tilespmem:v17+s19+$0x0], $0xffff  }
0x13d: {  	v15 =	vld.idx.msk [tilespmem:v16+s19+$0x0], $0xffff;
	[tilespmem:s0+$0x1F0] =	vst v3  }
.Ltmp1:
0x13e: {  	v14 =	vld.idx.msk [tilespmem:v14+s19+$0x0], $0xffff;
	[tilespmem:s0+$0x90] =	vst v18;
	(pc) =	sbr.rel @p0 .LBB2_4-.Ltmp1, $4  }
0x13f: {  	v13 =	vld.idx.msk [tilespmem:v13+s19+$0x0], $0xffff;
	[tilespmem:s0+$0xA0] =	vst v20  }
0x140: {  	v16 =	vld.idx.msk [tilespmem:v10+s19+$0x0], $0xffff;
	[tilespmem:s0+$0xB0] =	vst v19  }
0x141: {  	v3 =	vld.idx.msk [tilespmem:v12+s19+$0x0], $0xffff;
	[tilespmem:s0+$0xC0] =	vst v21  }
0x142: {  	s8 =	sadd.s32 $0x80, s8;
	v10 =	vld.idx.msk [tilespmem:v11+s19+$0x0], $0xffff;
	[tilespmem:s0+$0xD0] =	vst v17  }
0x143: {  	_ =	sdelay $0x2  }
0x144: {  	[tilespmem:s0+$0xE0] =	vst v15  }
0x145: {  	[tilespmem:s0+$0x100] =	vst v14;
	v8 =	vld.idx.msk [tilespmem:v8+s19+$0x0], $0xffff  }
0x146: {  	[tilespmem:s0+$0x110] =	vst v13;
	v9 =	vld.idx.msk [tilespmem:v9+s19+$0x0], $0xffff  }
0x147: {  	v7 =	vld.idx.msk [tilespmem:v7+s19+$0x0], $0xffff;
	[tilespmem:s0+$0x120] =	vst v16  }
0x148: {  	[tilespmem:s0+$0x130] =	vst v3;
	v3 =	vld.idx.msk [tilespmem:v6+s19+$0x0], $0xffff  }
0x149: {  	v5 =	vld.idx.msk [tilespmem:v5+s19+$0x0], $0xffff;
	[tilespmem:s0+$0x140] =	vst v10  }
0x14a: {  	v4 =	vld.idx.msk [tilespmem:v4+s19+$0x0], $0xffff;
	[tilespmem:s0+$0x150] =	vst v8  }
0x14b: {  	v2 =	vld.idx.msk [tilespmem:v2+s19+$0x0], $0xffff;
	[tilespmem:s0+$0x160] =	vst v9  }
0x14c: {  	[tilespmem:s0+$0x180] =	vst v7;
	v1 =	vld.idx.msk [tilespmem:v1+s19+$0x0], $0xffff  }
0x14d: {  	v0 =	vld.idx.msk [tilespmem:v0+s19+$0x0], $0xffff;
	[tilespmem:s1+$0x190] =	vst v3  }
0x14e: {  	[tilespmem:s1+$0x1A0] =	vst v5  }
0x14f: {  	[tilespmem:s1+$0x1B0] =	vst v4  }
0x150: {  	[tilespmem:s1+$0x1C0] =	vst v2  }
0x151: {  	[tilespmem:s1+$0x1D0] =	vst v1  }
0x152: {  	[tilespmem:s1+$0x1E0] =	vst v0  }
0x153: {  	s0 =	rddreg [dreg:$0x5]  }
0x154: {  	[hbm4b:s0+s5] =	stream.linear.scatter [tilespmem:s23], [sflag:$0x4], $0x4000, $0x38;
	[tilespmem:$0x19000] =	vst v63  }
0x155: {  	_ = 	snop  }
0x156: {  	[tilespmem:s19], [sflag:$0x1] =	stream.linear.gather [hbm4b:s12+s5], $0x8000, $0x38;
	[tilespmem:$0x19000] =	vst v63  }
0x157: {  	_ =	swait.ge [sflag:s24], $0x8000  }
0x158: {  	[sflag:s24] =	ssyncset.done $0x0  }
0x159: {  	[sflag:s24] =	ssyncadd.s32 $0xFFFF8000  }
0x15a: {  	_ =	swait.ge [sflag:s25], $0x4000  }
0x15b: {  	[sflag:s25] =	ssyncset.done $0x0  }
0x15c: {  	s31 =	simm.s32 $0x40;
	[sflag:s25] =	ssyncadd.s32 $0xFFFFC000  }
0x15d: {  	v0 =	vld [tilespmem:s31+$0x30];
	_ =	sdelay $0x3  }
0x15e: {  	v1 =	vld [tilespmem:s31+$0xFFFFFFD0]  }
0x15f: {  	v2 =	vshll.u32 v0, $0x3  }
0x160: {  	v3 =	vld [tilespmem:s31+$0xFFFFFFE0];
	v0 =	vand.u32 $0x7F, v0;
	v2 =	vand.u32 $0xFFFFFC00, v2  }
0x161: {  	v5 =	vld [tilespmem:s31+$0xFFFFFFC0];
	v4 =	vor.u32 v0, v2;
	_ =	sdelay $0x1  }
0x162: {  	v2 =	vld [tilespmem:s31+$0xFFFFFFF0];
	v0 =	vshll.u32 v1, $0x3  }
0x163: {  	v7 =	vld [tilespmem:s31+$0x10];
	v1 =	vand.u32 $0x7F, v1;
	v8 =	vand.u32 $0xFFFFFC00, v0  }
0x164: {  	v6 =	vld [tilespmem:s31+$0x0];
	v0 =	vshll.u32 v3, $0x3;
	v1 =	vor.u32 v1, v8  }
0x165: {  	v11 =	vor.u32 $0x80, v4;
	v9 =	vand.u32 $0xFFFFFC00, v0;
	v0 =	vshll.u32 v5, $0x3;
	v10 =	vld.idx.msk [tilespmem:v4+s20+$0x0], $0xffff  }
0x166: {  	v12 =	vld [tilespmem:s31+$0x20];
	v3 =	vand.u32 $0x7F, v3;
	v5 =	vand.u32 $0x7F, v5;
	v0 =	vand.u32 $0xFFFFFC00, v0  }
0x167: {  	v0 =	vor.u32 v5, v0;
	v13 =	vshll.u32 v2, $0x3;
	v8 =	vand.u32 $0x7F, v2  }
0x168: {  	v2 =	vor.u32 v3, v9;
	v9 =	vshll.u32 v7, $0x3;
	v5 =	vand.u32 $0xFFFFFC00, v13  }
0x169: {  	s0 =	simm.s32 $0x11200;
	v13 =	vshll.u32 v6, $0x3;
	v3 =	vor.u32 v8, v5;
	v5 =	vand.u32 $0xFFFFFC00, v9;
	v9 =	vld.idx.msk [tilespmem:v1+s20+$0x0], $0xffff  }
0x16a: {  	v15 =	vor.u32 $0x80, v1;
	v6 =	vand.u32 $0x7F, v6;
	v13 =	vand.u32 $0xFFFFFC00, v13;
	[tilespmem:s0+$0xFFFFFE70] =	vst v10  }
0x16b: {  	v7 =	vand.u32 $0x7F, v7;
	v8 =	vshll.u32 v12, $0x3;
	v10 =	vor.u32 v6, v13;
	v6 =	vld.idx.msk [tilespmem:v11+s20+$0x0], $0xffff  }
0x16c: {  	v11 =	vor.u32 v7, v5;
	v5 =	vld.idx.msk [tilespmem:v0+s20+$0x0], $0xffff;
	v7 =	vand.u32 $0xFFFFFC00, v8;
	v8 =	vand.u32 $0x7F, v12  }
0x16d: {  	v13 =	vor.u32 $0x100, v4;
	v12 =	vor.u32 v8, v7;
	v7 =	vld.idx.msk [tilespmem:v2+s20+$0x0], $0xffff  }
0x16e: {  	v8 =	vor.u32 $0x80, v0;
	v14 =	vld.idx.msk [tilespmem:v3+s20+$0x0], $0xffff;
	[tilespmem:s0+$0xFFFFFE10] =	vst v9  }
0x16f: {  	v15 =	vld.idx.msk [tilespmem:v15+s20+$0x0], $0xffff  }
0x170: {  	v17 =	vor.u32 $0x80, v2;
	v16 =	vld.idx.msk [tilespmem:v10+s20+$0x0], $0xffff  }
0x171: {  	v18 =	vld.idx.msk [tilespmem:v11+s20+$0x0], $0xffff;
	[tilespmem:s0+$0xFFFFFEF0] =	vst v6;
	v6 =	vor.u32 $0x80, v3  }
0x172: {  	[tilespmem:s0+$0xFFFFFE00] =	vst v5;
	v5 =	vld.idx.msk [tilespmem:v13+s20+$0x0], $0xffff;
	v13 =	vor.u32 $0x80, v10  }
0x173: {  	v19 =	vor.u32 $0x80, v11;
	v8 =	vld.idx.msk [tilespmem:v8+s20+$0x0], $0xffff;
	[tilespmem:s0+$0xFFFFFE20] =	vst v7  }
0x174: {  	v9 =	vld.idx.msk [tilespmem:v12+s20+$0x0], $0xffff;
	v7 =	vor.u32 $0x180, v4;
	[tilespmem:s0+$0xFFFFFE30] =	vst v14  }
0x175: {  	v14 =	vor.u32 $0x80, v12;
	v17 =	vld.idx.msk [tilespmem:v17+s20+$0x0], $0xffff;
	[tilespmem:s0+$0xFFFFFE40] =	vst v16  }
0x176: {  	v16 =	vor.u32 $0x100, v0;
	v6 =	vld.idx.msk [tilespmem:v6+s20+$0x0], $0xffff;
	[tilespmem:s0+$0xFFFFFE50] =	vst v18  }
0x177: {  	v18 =	vor.u32 $0x100, v1;
	v13 =	vld.idx.msk [tilespmem:v13+s20+$0x0], $0xffff;
	[tilespmem:s0+$0xFFFFFF70] =	vst v5  }
0x178: {  	v5 =	vor.u32 $0x100, v2;
	[tilespmem:s0+$0xFFFFFE80] =	vst v8;
	v8 =	vld.idx.msk [tilespmem:v19+s20+$0x0], $0xffff  }
0x179: {  	[tilespmem:s0+$0xFFFFFE60] =	vst v9;
	v9 =	vor.u32 $0x100, v3;
	v7 =	vld.idx.msk [tilespmem:v7+s20+$0x0], $0xffff  }
0x17a: {  	[tilespmem:s0+$0xFFFFFE90] =	vst v15;
	v19 =	vor.u32 $0x100, v10;
	v14 =	vld.idx.msk [tilespmem:v14+s20+$0x0], $0xffff  }
0x17b: {  	[tilespmem:s0+$0xFFFFFEA0] =	vst v17;
	v17 =	vor.u32 $0x100, v11;
	v16 =	vld.idx.msk [tilespmem:v16+s20+$0x0], $0xffff  }
0x17c: {  	v15 =	vor.u32 $0x200, v4;
	v18 =	vld.idx.msk [tilespmem:v18+s20+$0x0], $0xffff;
	[tilespmem:s0+$0xFFFFFEB0] =	vst v6  }
0x17d: {  	v6 =	vor.u32 $0x100, v12;
	v5 =	vld.idx.msk [tilespmem:v5+s20+$0x0], $0xffff;
	[tilespmem:s0+$0xFFFFFEC0] =	vst v13  }
0x17e: {  	v13 =	vor.u32 $0x180, v0;
	v9 =	vld.idx.msk [tilespmem:v9+s20+$0x0], $0xffff;
	[tilespmem:s0+$0xFFFFFED0] =	vst v8  }
0x17f: {  	[tilespmem:s0+$0xFFFFFFF0] =	vst v7;
	v7 =	vor.u32 $0x180, v1;
	v19 =	vld.idx.msk [tilespmem:v19+s20+$0x0], $0xffff  }
0x180: {  	[tilespmem:s0+$0xFFFFFEE0] =	vst v14;
	v14 =	vld.idx.msk [tilespmem:v17+s20+$0x0], $0xffff;
	v17 =	vor.u32 $0x180, v3  }
0x181: {  	v8 =	vld.idx.msk [tilespmem:v15+s20+$0x0], $0xffff;
	v15 =	vor.u32 $0x180, v2;
	[tilespmem:s0+$0xFFFFFF00] =	vst v16  }
0x182: {  	v16 =	vor.u32 $0x280, v4;
	[tilespmem:s0+$0xFFFFFF10] =	vst v18;
	v6 =	vld.idx.msk [tilespmem:v6+s20+$0x0], $0xffff  }
0x183: {  	v18 =	vor.u32 $0x180, v10;
	v13 =	vld.idx.msk [tilespmem:v13+s20+$0x0], $0xffff;
	[tilespmem:s0+$0xFFFFFF20] =	vst v5  }
0x184: {  	v5 =	vor.u32 $0x180, v11;
	[tilespmem:s0+$0xFFFFFF30] =	vst v9;
	v7 =	vld.idx.msk [tilespmem:v7+s20+$0x0], $0xffff  }
0x185: {  	v9 =	vor.u32 $0x180, v12;
	[tilespmem:s0+$0xFFFFFF40] =	vst v19;
	v17 =	vld.idx.msk [tilespmem:v17+s20+$0x0], $0xffff  }
0x186: {  	v15 =	vld.idx.msk [tilespmem:v15+s20+$0x0], $0xffff;
	[tilespmem:s0+$0x70] =	vst v8;
	v8 =	vor.u32 $0x200, v0  }
0x187: {  	v19 =	vor.u32 $0x200, v1;
	[tilespmem:s0+$0xFFFFFF50] =	vst v14;
	v16 =	vld.idx.msk [tilespmem:v16+s20+$0x0], $0xffff  }
0x188: {  	v14 =	vld.idx.msk [tilespmem:v18+s20+$0x0], $0xffff;
	[tilespmem:s0+$0xFFFFFF60] =	vst v6;
	v6 =	vor.u32 $0x300, v4  }
0x189: {  	v18 =	vor.u32 $0x200, v2;
	[tilespmem:s0+$0xFFFFFF80] =	vst v13;
	v5 =	vld.idx.msk [tilespmem:v5+s20+$0x0], $0xffff  }
0x18a: {  	v13 =	vor.u32 $0x200, v3;
	[tilespmem:s0+$0xFFFFFF90] =	vst v7;
	v7 =	vld.idx.msk [tilespmem:v9+s20+$0x0], $0xffff  }
0x18b: {  	v9 =	vor.u32 $0x200, v10;
	v8 =	vld.idx.msk [tilespmem:v8+s20+$0x0], $0xffff;
	[tilespmem:s0+$0xFFFFFFA0] =	vst v15  }
0x18c: {  	v15 =	vor.u32 $0x200, v11;
	v19 =	vld.idx.msk [tilespmem:v19+s20+$0x0], $0xffff;
	[tilespmem:s0+$0xF0] =	vst v16  }
0x18d: {  	[tilespmem:s0+$0xFFFFFFB0] =	vst v17;
	v16 =	vor.u32 $0x200, v12;
	v6 =	vld.idx.msk [tilespmem:v6+s20+$0x0], $0xffff  }
0x18e: {  	v17 =	vor.u32 $0x280, v0;
	v18 =	vld.idx.msk [tilespmem:v18+s20+$0x0], $0xffff;
	[tilespmem:s0+$0xFFFFFFC0] =	vst v14  }
0x18f: {  	v4 =	vor.u32 $0x380, v4;
	v13 =	vld.idx.msk [tilespmem:v13+s20+$0x0], $0xffff;
	[tilespmem:s0+$0xFFFFFFD0] =	vst v5  }
0x190: {  	v5 =	vor.u32 $0x280, v1;
	v9 =	vld.idx.msk [tilespmem:v9+s20+$0x0], $0xffff;
	[tilespmem:s0+$0xFFFFFFE0] =	vst v7  }
0x191: {  	v7 =	vor.u32 $0x280, v2;
	[tilespmem:s0+$0x0] =	vst v8;
	v8 =	vld.idx.msk [tilespmem:v15+s20+$0x0], $0xffff  }
0x192: {  	v14 =	vor.u32 $0x280, v3;
	[tilespmem:s0+$0x10] =	vst v19;
	v15 =	vld.idx.msk [tilespmem:v16+s20+$0x0], $0xffff  }
0x193: {  	v16 =	vor.u32 $0x280, v10;
	v17 =	vld.idx.msk [tilespmem:v17+s20+$0x0], $0xffff;
	[tilespmem:s0+$0x170] =	vst v6  }
0x194: {  	v6 =	vor.u32 $0x280, v11;
	[tilespmem:s0+$0x20] =	vst v18;
	v4 =	vld.idx.msk [tilespmem:v4+s20+$0x0], $0xffff  }
0x195: {  	v18 =	vor.u32 $0x280, v12;
	v5 =	vld.idx.msk [tilespmem:v5+s20+$0x0], $0xffff;
	[tilespmem:s0+$0x30] =	vst v13  }
0x196: {  	v13 =	vor.u32 $0x300, v0;
	v7 =	vld.idx.msk [tilespmem:v7+s20+$0x0], $0xffff;
	[tilespmem:s0+$0x40] =	vst v9  }
0x197: {  	v9 =	vor.u32 $0x300, v1;
	v19 =	vld.idx.msk [tilespmem:v14+s20+$0x0], $0xffff;
	[tilespmem:s0+$0x50] =	vst v8  }
0x198: {  	v20 =	vor.u32 $0x300, v2;
	v21 =	vld.idx.msk [tilespmem:v16+s20+$0x0], $0xffff;
	[tilespmem:s0+$0x60] =	vst v15  }
0x199: {  	v22 =	vor.u32 $0x300, v3;
	[tilespmem:s0+$0x80] =	vst v17;
	v17 =	vld.idx.msk [tilespmem:v6+s20+$0x0], $0xffff  }
0x19a: {  	v23 =	vor.u32 $0x300, v10;
	v15 =	vld.idx.msk [tilespmem:v18+s20+$0x0], $0xffff;
	[tilespmem:s0+$0x1F0] =	vst v4  }
0x19b: {  	v14 =	vld.idx.msk [tilespmem:v13+s20+$0x0], $0xffff;
	[tilespmem:s0+$0x90] =	vst v5  }
0x19c: {  	v13 =	vld.idx.msk [tilespmem:v9+s20+$0x0], $0xffff;
	[tilespmem:s0+$0xA0] =	vst v7  }
0x19d: {  	v8 =	vor.u32 $0x300, v11;
	v6 =	vor.u32 $0x380, v1;
	v1 =	vor.u32 $0x380, v11;
	[tilespmem:s0+$0xB0] =	vst v19;
	v16 =	vld.idx.msk [tilespmem:v20+s20+$0x0], $0xffff  }
0x19e: {  	v5 =	vor.u32 $0x380, v2;
	v4 =	vor.u32 $0x380, v3;
	v2 =	vor.u32 $0x380, v10;
	v3 =	vld.idx.msk [tilespmem:v22+s20+$0x0], $0xffff;
	[tilespmem:s0+$0xC0] =	vst v21  }
0x19f: {  	s3 =	simm.s32 $0x0;
	s8 =	simm.s32 $0xC0;
	s1 =	simm.s32 $0x11200;
	v7 =	vor.u32 $0x380, v0;
	v9 =	vor.u32 $0x300, v12;
	v0 =	vor.u32 $0x380, v12;
	v10 =	vld.idx.msk [tilespmem:v23+s20+$0x0], $0xffff;
	[tilespmem:s0+$0xD0] =	vst v17  }
.LBB2_6:
0x1a0: {  	v11 =	vld [tilespmem:s8+$0x30];
	s3 =	sadd.s32 $0x8, s3;
	[tilespmem:s0+$0xE0] =	vst v15  }
0x1a1: {  	v12 =	vld [tilespmem:s8+$0xFFFFFFD0];
	p0 =	slt.u32 s3, $0x78;
	[tilespmem:s0+$0x100] =	vst v14  }
0x1a2: {  	v14 =	vld [tilespmem:s8+$0xFFFFFFE0];
	[tilespmem:s0+$0x110] =	vst v13  }
0x1a3: {  	v13 =	vld [tilespmem:s8+$0xFFFFFFF0];
	[tilespmem:s0+$0x120] =	vst v16  }
0x1a4: {  	v15 =	vld [tilespmem:s8+$0x0];
	[tilespmem:s0+$0x130] =	vst v3  }
0x1a5: {  	v16 =	vld [tilespmem:s8+$0x10];
	v3 =	vshll.u32 v11, $0x3;
	[tilespmem:s0+$0x140] =	vst v10  }
0x1a6: {  	v11 =	vand.u32 $0x7F, v11;
	v10 =	vshll.u32 v12, $0x3;
	v17 =	vld [tilespmem:s8+$0x20];
	v3 =	vand.u32 $0xFFFFFC00, v3  }
0x1a7: {  	v18 =	vld [tilespmem:s8+$0xFFFFFFC0];
	v10 =	vand.u32 $0xFFFFFC00, v10;
	v19 =	vshll.u32 v14, $0x3;
	v3 =	vor.u32 v11, v3  }
0x1a8: {  	v11 =	vand.u32 $0x7F, v12;
	v12 =	vand.u32 $0xFFFFFC00, v19;
	v19 =	vshll.u32 v13, $0x3;
	v8 =	vld.idx.msk [tilespmem:v8+s20+$0x0], $0xffff  }
0x1a9: {  	v14 =	vand.u32 $0x7F, v14;
	v19 =	vand.u32 $0xFFFFFC00, v19;
	v20 =	vshll.u32 v15, $0x3;
	v9 =	vld.idx.msk [tilespmem:v9+s20+$0x0], $0xffff  }
0x1aa: {  	v13 =	vand.u32 $0x7F, v13;
	v20 =	vand.u32 $0xFFFFFC00, v20;
	v21 =	vshll.u32 v16, $0x3;
	v7 =	vld.idx.msk [tilespmem:v7+s20+$0x0], $0xffff  }
0x1ab: {  	v15 =	vand.u32 $0x7F, v15;
	v21 =	vand.u32 $0xFFFFFC00, v21;
	v22 =	vshll.u32 v17, $0x3;
	v6 =	vld.idx.msk [tilespmem:v6+s20+$0x0], $0xffff  }
0x1ac: {  	v23 =	vand.u32 $0x7F, v18;
	v18 =	vshll.u32 v18, $0x3;
	v22 =	vand.u32 $0xFFFFFC00, v22;
	v24 =	vld.idx.msk [tilespmem:v3+s20+$0x0], $0xffff  }
0x1ad: {  	v16 =	vand.u32 $0x7F, v16;
	v17 =	vand.u32 $0x7F, v17;
	v18 =	vand.u32 $0xFFFFFC00, v18;
	v5 =	vld.idx.msk [tilespmem:v5+s20+$0x0], $0xffff  }
0x1ae: {  	v25 =	vor.u32 v11, v10;
	v10 =	vor.u32 $0x80, v3;
	v23 =	vor.u32 v23, v18;
	v4 =	vld.idx.msk [tilespmem:v4+s20+$0x0], $0xffff;
	[tilespmem:s0+$0x150] =	vst v8  }
0x1af: {  	v26 =	vor.u32 v14, v12;
	v27 =	vor.u32 v13, v19;
	v28 =	vor.u32 v15, v20;
	[tilespmem:s0+$0x160] =	vst v9  }
0x1b0: {  	v21 =	vor.u32 v16, v21;
	v22 =	vor.u32 v17, v22;
	v8 =	vor.u32 $0x80, v23;
	[tilespmem:s0+$0x180] =	vst v7;
	v2 =	vld.idx.msk [tilespmem:v2+s20+$0x0], $0xffff  }
0x1b1: {  	v29 =	vor.u32 $0x80, v27;
	v9 =	vor.u32 $0x80, v26;
	v7 =	vor.u32 $0x80, v25;
	s0 =	sadd.s32 $0x400, s0;
	[tilespmem:s1+$0x190] =	vst v6;
	v1 =	vld.idx.msk [tilespmem:v1+s20+$0x0], $0xffff  }
0x1b2: {  	v30 =	vor.u32 $0x80, v28;
	v31 =	vor.u32 $0x80, v21;
	v32 =	vor.u32 $0x80, v22;
	[tilespmem:s0+$0xFFFFFE70] =	vst v24;
	v0 =	vld.idx.msk [tilespmem:v0+s20+$0x0], $0xffff  }
0x1b3: {  	v33 =	vor.u32 $0x100, v25;
	v34 =	vor.u32 $0x100, v26;
	v24 =	vor.u32 $0x100, v23;
	v6 =	vld.idx.msk [tilespmem:v10+s20+$0x0], $0xffff;
	[tilespmem:s1+$0x1A0] =	vst v5  }
0x1b4: {  	v35 =	vor.u32 $0x100, v27;
	v36 =	vor.u32 $0x100, v28;
	v37 =	vor.u32 $0x100, v21;
	v5 =	vld.idx.msk [tilespmem:v23+s20+$0x0], $0xffff;
	[tilespmem:s1+$0x1B0] =	vst v4  }
0x1b5: {  	v39 =	vor.u32 $0x100, v22;
	v38 =	vor.u32 $0x180, v23;
	v10 =	vor.u32 $0x100, v3;
	v4 =	vld.idx.msk [tilespmem:v25+s20+$0x0], $0xffff  }
0x1b6: {  	v40 =	vor.u32 $0x180, v25;
	v41 =	vor.u32 $0x180, v26;
	v42 =	vor.u32 $0x180, v27;
	v11 =	vld.idx.msk [tilespmem:v26+s20+$0x0], $0xffff;
	[tilespmem:s1+$0x1C0] =	vst v2  }
0x1b7: {  	v43 =	vor.u32 $0x180, v28;
	v44 =	vor.u32 $0x180, v21;
	v45 =	vor.u32 $0x180, v22;
	v2 =	vld.idx.msk [tilespmem:v27+s20+$0x0], $0xffff;
	[tilespmem:s1+$0x1D0] =	vst v1  }
0x1b8: {  	v47 =	vor.u32 $0x200, v25;
	v48 =	vor.u32 $0x200, v26;
	v46 =	vor.u32 $0x200, v23;
	v1 =	vld.idx.msk [tilespmem:v28+s20+$0x0], $0xffff;
	[tilespmem:s1+$0x1E0] =	vst v0;
	s1 =	smov.u32 s0  }
0x1b9: {  	v49 =	vor.u32 $0x200, v27;
	v50 =	vor.u32 $0x200, v28;
	v51 =	vor.u32 $0x200, v21;
	v0 =	vld.idx.msk [tilespmem:v21+s20+$0x0], $0xffff;
	[tilespmem:s0+$0xFFFFFEF0] =	vst v6  }
0x1ba: {  	v18 =	vor.u32 $0x280, v25;
	v53 =	vor.u32 $0x200, v22;
	v52 =	vor.u32 $0x280, v23;
	[tilespmem:s0+$0xFFFFFE00] =	vst v5;
	v54 =	vld.idx.msk [tilespmem:v10+s20+$0x0], $0xffff  }
0x1bb: {  	v20 =	vor.u32 $0x280, v26;
	v19 =	vor.u32 $0x280, v27;
	v15 =	vor.u32 $0x280, v28;
	[tilespmem:s0+$0xFFFFFE10] =	vst v4;
	v55 =	vld.idx.msk [tilespmem:v22+s20+$0x0], $0xffff  }
0x1bc: {  	v57 =	vor.u32 $0x180, v3;
	v17 =	vor.u32 $0x280, v21;
	v16 =	vor.u32 $0x280, v22;
	v56 =	vld.idx.msk [tilespmem:v8+s20+$0x0], $0xffff;
	[tilespmem:s0+$0xFFFFFE20] =	vst v11  }
0x1bd: {  	v13 =	vor.u32 $0x300, v25;
	v14 =	vor.u32 $0x300, v23;
	v10 =	vor.u32 $0x300, v26;
	v58 =	vld.idx.msk [tilespmem:v7+s20+$0x0], $0xffff;
	[tilespmem:s0+$0xFFFFFE30] =	vst v2  }
0x1be: {  	v12 =	vor.u32 $0x300, v27;
	v11 =	vor.u32 $0x300, v28;
	v8 =	vor.u32 $0x300, v21;
	v59 =	vld.idx.msk [tilespmem:v9+s20+$0x0], $0xffff;
	[tilespmem:s0+$0xFFFFFE40] =	vst v1  }
0x1bf: {  	v6 =	vor.u32 $0x380, v25;
	v7 =	vor.u32 $0x380, v23;
	v9 =	vor.u32 $0x300, v22;
	v23 =	vld.idx.msk [tilespmem:v29+s20+$0x0], $0xffff;
	[tilespmem:s0+$0xFFFFFE50] =	vst v0  }
0x1c0: {  	v5 =	vor.u32 $0x380, v26;
	v4 =	vor.u32 $0x380, v27;
	v2 =	vor.u32 $0x380, v28;
	v25 =	vld.idx.msk [tilespmem:v30+s20+$0x0], $0xffff;
	[tilespmem:s0+$0xFFFFFF70] =	vst v54  }
0x1c1: {  	v1 =	vor.u32 $0x380, v21;
	v0 =	vor.u32 $0x380, v22;
	[tilespmem:s0+$0xFFFFFE60] =	vst v55;
	v21 =	vld.idx.msk [tilespmem:v57+s20+$0x0], $0xffff  }
0x1c2: {  	[tilespmem:s0+$0xFFFFFE80] =	vst v56;
	v22 =	vld.idx.msk [tilespmem:v31+s20+$0x0], $0xffff  }
0x1c3: {  	v27 =	vor.u32 $0x200, v3;
	[tilespmem:s0+$0xFFFFFE90] =	vst v58;
	v26 =	vld.idx.msk [tilespmem:v32+s20+$0x0], $0xffff  }
0x1c4: {  	v24 =	vld.idx.msk [tilespmem:v24+s20+$0x0], $0xffff;
	[tilespmem:s0+$0xFFFFFEA0] =	vst v59  }
0x1c5: {  	v28 =	vld.idx.msk [tilespmem:v33+s20+$0x0], $0xffff;
	[tilespmem:s0+$0xFFFFFEB0] =	vst v23  }
0x1c6: {  	v23 =	vld.idx.msk [tilespmem:v34+s20+$0x0], $0xffff;
	[tilespmem:s0+$0xFFFFFEC0] =	vst v25  }
0x1c7: {  	v25 =	vld.idx.msk [tilespmem:v35+s20+$0x0], $0xffff;
	[tilespmem:s0+$0xFFFFFFF0] =	vst v21  }
0x1c8: {  	[tilespmem:s0+$0xFFFFFED0] =	vst v22;
	v21 =	vld.idx.msk [tilespmem:v27+s20+$0x0], $0xffff  }
0x1c9: {  	v22 =	vld.idx.msk [tilespmem:v36+s20+$0x0], $0xffff;
	[tilespmem:s0+$0xFFFFFEE0] =	vst v26  }
0x1ca: {  	v26 =	vor.u32 $0x280, v3;
	[tilespmem:s0+$0xFFFFFF00] =	vst v24;
	v24 =	vld.idx.msk [tilespmem:v37+s20+$0x0], $0xffff  }
0x1cb: {  	[tilespmem:s0+$0xFFFFFF10] =	vst v28;
	v27 =	vld.idx.msk [tilespmem:v39+s20+$0x0], $0xffff  }
0x1cc: {  	v28 =	vld.idx.msk [tilespmem:v38+s20+$0x0], $0xffff;
	[tilespmem:s0+$0xFFFFFF20] =	vst v23  }
0x1cd: {  	v23 =	vld.idx.msk [tilespmem:v40+s20+$0x0], $0xffff;
	[tilespmem:s0+$0xFFFFFF30] =	vst v25  }
0x1ce: {  	v25 =	vld.idx.msk [tilespmem:v41+s20+$0x0], $0xffff;
	[tilespmem:s0+$0x70] =	vst v21  }
0x1cf: {  	[tilespmem:s0+$0xFFFFFF40] =	vst v22;
	v21 =	vld.idx.msk [tilespmem:v26+s20+$0x0], $0xffff  }
0x1d0: {  	v22 =	vld.idx.msk [tilespmem:v42+s20+$0x0], $0xffff;
	[tilespmem:s0+$0xFFFFFF50] =	vst v24  }
0x1d1: {  	v26 =	vor.u32 $0x300, v3;
	v24 =	vld.idx.msk [tilespmem:v43+s20+$0x0], $0xffff;
	[tilespmem:s0+$0xFFFFFF60] =	vst v27  }
0x1d2: {  	[tilespmem:s0+$0xFFFFFF80] =	vst v28;
	v27 =	vld.idx.msk [tilespmem:v44+s20+$0x0], $0xffff  }
0x1d3: {  	[tilespmem:s0+$0xFFFFFF90] =	vst v23;
	v23 =	vld.idx.msk [tilespmem:v45+s20+$0x0], $0xffff  }
0x1d4: {  	v28 =	vld.idx.msk [tilespmem:v46+s20+$0x0], $0xffff;
	[tilespmem:s0+$0xFFFFFFA0] =	vst v25  }
0x1d5: {  	v25 =	vld.idx.msk [tilespmem:v47+s20+$0x0], $0xffff;
	[tilespmem:s0+$0xF0] =	vst v21  }
0x1d6: {  	[tilespmem:s0+$0xFFFFFFB0] =	vst v22;
	v21 =	vld.idx.msk [tilespmem:v26+s20+$0x0], $0xffff  }
0x1d7: {  	v22 =	vld.idx.msk [tilespmem:v48+s20+$0x0], $0xffff;
	[tilespmem:s0+$0xFFFFFFC0] =	vst v24  }
0x1d8: {  	v3 =	vor.u32 $0x380, v3;
	v24 =	vld.idx.msk [tilespmem:v49+s20+$0x0], $0xffff;
	[tilespmem:s0+$0xFFFFFFD0] =	vst v27  }
0x1d9: {  	v26 =	vld.idx.msk [tilespmem:v50+s20+$0x0], $0xffff;
	[tilespmem:s0+$0xFFFFFFE0] =	vst v23  }
0x1da: {  	[tilespmem:s0+$0x0] =	vst v28;
	v23 =	vld.idx.msk [tilespmem:v51+s20+$0x0], $0xffff  }
0x1db: {  	[tilespmem:s0+$0x10] =	vst v25;
	v25 =	vld.idx.msk [tilespmem:v53+s20+$0x0], $0xffff  }
0x1dc: {  	v27 =	vld.idx.msk [tilespmem:v52+s20+$0x0], $0xffff;
	[tilespmem:s0+$0x170] =	vst v21  }
0x1dd: {  	[tilespmem:s0+$0x20] =	vst v22;
	v3 =	vld.idx.msk [tilespmem:v3+s20+$0x0], $0xffff  }
0x1de: {  	v18 =	vld.idx.msk [tilespmem:v18+s20+$0x0], $0xffff;
	[tilespmem:s0+$0x30] =	vst v24  }
0x1df: {  	v20 =	vld.idx.msk [tilespmem:v20+s20+$0x0], $0xffff;
	[tilespmem:s0+$0x40] =	vst v26  }
0x1e0: {  	v19 =	vld.idx.msk [tilespmem:v19+s20+$0x0], $0xffff;
	[tilespmem:s0+$0x50] =	vst v23  }
0x1e1: {  	v21 =	vld.idx.msk [tilespmem:v15+s20+$0x0], $0xffff;
	[tilespmem:s0+$0x60] =	vst v25  }
0x1e2: {  	[tilespmem:s0+$0x80] =	vst v27;
	v17 =	vld.idx.msk [tilespmem:v17+s20+$0x0], $0xffff  }
0x1e3: {  	v15 =	vld.idx.msk [tilespmem:v16+s20+$0x0], $0xffff;
	[tilespmem:s0+$0x1F0] =	vst v3  }
.Ltmp2:
0x1e4: {  	v14 =	vld.idx.msk [tilespmem:v14+s20+$0x0], $0xffff;
	[tilespmem:s0+$0x90] =	vst v18;
	(pc) =	sbr.rel @p0 .LBB2_6-.Ltmp2, $4  }
0x1e5: {  	v13 =	vld.idx.msk [tilespmem:v13+s20+$0x0], $0xffff;
	[tilespmem:s0+$0xA0] =	vst v20  }
0x1e6: {  	v16 =	vld.idx.msk [tilespmem:v10+s20+$0x0], $0xffff;
	[tilespmem:s0+$0xB0] =	vst v19  }
0x1e7: {  	v3 =	vld.idx.msk [tilespmem:v12+s20+$0x0], $0xffff;
	[tilespmem:s0+$0xC0] =	vst v21  }
0x1e8: {  	s8 =	sadd.s32 $0x80, s8;
	v10 =	vld.idx.msk [tilespmem:v11+s20+$0x0], $0xffff;
	[tilespmem:s0+$0xD0] =	vst v17  }
0x1e9: {  	_ =	sdelay $0x2  }
0x1ea: {  	[tilespmem:s0+$0xE0] =	vst v15  }
0x1eb: {  	[tilespmem:s0+$0x100] =	vst v14;
	v8 =	vld.idx.msk [tilespmem:v8+s20+$0x0], $0xffff  }
0x1ec: {  	[tilespmem:s0+$0x110] =	vst v13;
	v9 =	vld.idx.msk [tilespmem:v9+s20+$0x0], $0xffff  }
0x1ed: {  	v7 =	vld.idx.msk [tilespmem:v7+s20+$0x0], $0xffff;
	[tilespmem:s0+$0x120] =	vst v16  }
0x1ee: {  	[tilespmem:s0+$0x130] =	vst v3;
	v3 =	vld.idx.msk [tilespmem:v6+s20+$0x0], $0xffff  }
0x1ef: {  	v5 =	vld.idx.msk [tilespmem:v5+s20+$0x0], $0xffff;
	[tilespmem:s0+$0x140] =	vst v10  }
0x1f0: {  	v4 =	vld.idx.msk [tilespmem:v4+s20+$0x0], $0xffff;
	[tilespmem:s0+$0x150] =	vst v8  }
0x1f1: {  	v2 =	vld.idx.msk [tilespmem:v2+s20+$0x0], $0xffff;
	[tilespmem:s0+$0x160] =	vst v9  }
0x1f2: {  	[tilespmem:s0+$0x180] =	vst v7;
	v1 =	vld.idx.msk [tilespmem:v1+s20+$0x0], $0xffff  }
0x1f3: {  	v0 =	vld.idx.msk [tilespmem:v0+s20+$0x0], $0xffff;
	[tilespmem:s1+$0x190] =	vst v3  }
0x1f4: {  	[tilespmem:s1+$0x1A0] =	vst v5  }
0x1f5: {  	[tilespmem:s1+$0x1B0] =	vst v4  }
0x1f6: {  	[tilespmem:s1+$0x1C0] =	vst v2  }
0x1f7: {  	[tilespmem:s1+$0x1D0] =	vst v1  }
0x1f8: {  	[tilespmem:s1+$0x1E0] =	vst v0  }
0x1f9: {  	[hbm4b:s13+s5] =	stream.linear.scatter [tilespmem:s22], [sflag:$0x3], $0x4000, $0x38;
	[tilespmem:$0x19000] =	vst v63  }
0x1fa: {  	_ =	swait.ge [sflag:s26], $0x4000  }
0x1fb: {  	[sflag:s26] =	ssyncset.done $0x0  }
0x1fc: {  	s31 =	simm.s32 $0x870;
	[sflag:s26] =	ssyncadd.s32 $0xFFFFC000  }
0x1fd: {  	v0 =	vld [tilespmem:s31+$0x0];
	_ =	sdelay $0x3  }
0x1fe: {  	v1 =	vld [tilespmem:s31+$0xFFFFFFA0]  }
0x1ff: {  	v2 =	vshll.u32 v0, $0x3  }
0x200: {  	v3 =	vld [tilespmem:s31+$0xFFFFFFB0];
	v0 =	vand.u32 $0x7F, v0;
	v2 =	vand.u32 $0xFFFFFC00, v2  }
0x201: {  	v5 =	vld [tilespmem:s31+$0xFFFFFF90];
	v4 =	vor.u32 v0, v2;
	_ =	sdelay $0x1  }
0x202: {  	v2 =	vld [tilespmem:s31+$0xFFFFFFC0];
	v0 =	vshll.u32 v1, $0x3  }
0x203: {  	v7 =	vld [tilespmem:s31+$0xFFFFFFE0];
	v1 =	vand.u32 $0x7F, v1;
	v8 =	vand.u32 $0xFFFFFC00, v0  }
0x204: {  	v6 =	vld [tilespmem:s31+$0xFFFFFFD0];
	v0 =	vshll.u32 v3, $0x3;
	v1 =	vor.u32 v1, v8  }
0x205: {  	v11 =	vor.u32 $0x80, v4;
	v9 =	vand.u32 $0xFFFFFC00, v0;
	v0 =	vshll.u32 v5, $0x3;
	v10 =	vld.idx.msk [tilespmem:v4+s20+$0x0], $0xffff  }
0x206: {  	v12 =	vld [tilespmem:s31+$0xFFFFFFF0];
	v3 =	vand.u32 $0x7F, v3;
	v5 =	vand.u32 $0x7F, v5;
	v0 =	vand.u32 $0xFFFFFC00, v0  }
0x207: {  	v0 =	vor.u32 v5, v0;
	v13 =	vshll.u32 v2, $0x3;
	v8 =	vand.u32 $0x7F, v2  }
0x208: {  	v2 =	vor.u32 v3, v9;
	v9 =	vshll.u32 v7, $0x3;
	v5 =	vand.u32 $0xFFFFFC00, v13  }
0x209: {  	s0 =	simm.s32 $0x15200;
	v13 =	vshll.u32 v6, $0x3;
	v3 =	vor.u32 v8, v5;
	v5 =	vand.u32 $0xFFFFFC00, v9;
	v9 =	vld.idx.msk [tilespmem:v1+s20+$0x0], $0xffff  }
0x20a: {  	v15 =	vor.u32 $0x80, v1;
	v6 =	vand.u32 $0x7F, v6;
	v13 =	vand.u32 $0xFFFFFC00, v13;
	[tilespmem:s0+$0xFFFFFE70] =	vst v10  }
0x20b: {  	v7 =	vand.u32 $0x7F, v7;
	v8 =	vshll.u32 v12, $0x3;
	v10 =	vor.u32 v6, v13;
	v6 =	vld.idx.msk [tilespmem:v11+s20+$0x0], $0xffff  }
0x20c: {  	v11 =	vor.u32 v7, v5;
	v5 =	vld.idx.msk [tilespmem:v0+s20+$0x0], $0xffff;
	v7 =	vand.u32 $0xFFFFFC00, v8;
	v8 =	vand.u32 $0x7F, v12  }
0x20d: {  	v13 =	vor.u32 $0x100, v4;
	v12 =	vor.u32 v8, v7;
	v7 =	vld.idx.msk [tilespmem:v2+s20+$0x0], $0xffff  }
0x20e: {  	v8 =	vor.u32 $0x80, v0;
	v14 =	vld.idx.msk [tilespmem:v3+s20+$0x0], $0xffff;
	[tilespmem:s0+$0xFFFFFE10] =	vst v9  }
0x20f: {  	v15 =	vld.idx.msk [tilespmem:v15+s20+$0x0], $0xffff  }
0x210: {  	v17 =	vor.u32 $0x80, v2;
	v16 =	vld.idx.msk [tilespmem:v10+s20+$0x0], $0xffff  }
0x211: {  	v18 =	vld.idx.msk [tilespmem:v11+s20+$0x0], $0xffff;
	[tilespmem:s0+$0xFFFFFEF0] =	vst v6;
	v6 =	vor.u32 $0x80, v3  }
0x212: {  	[tilespmem:s0+$0xFFFFFE00] =	vst v5;
	v5 =	vld.idx.msk [tilespmem:v13+s20+$0x0], $0xffff;
	v13 =	vor.u32 $0x80, v10  }
0x213: {  	v19 =	vor.u32 $0x80, v11;
	v8 =	vld.idx.msk [tilespmem:v8+s20+$0x0], $0xffff;
	[tilespmem:s0+$0xFFFFFE20] =	vst v7  }
0x214: {  	v9 =	vld.idx.msk [tilespmem:v12+s20+$0x0], $0xffff;
	v7 =	vor.u32 $0x180, v4;
	[tilespmem:s0+$0xFFFFFE30] =	vst v14  }
0x215: {  	v14 =	vor.u32 $0x80, v12;
	v17 =	vld.idx.msk [tilespmem:v17+s20+$0x0], $0xffff;
	[tilespmem:s0+$0xFFFFFE40] =	vst v16  }
0x216: {  	v16 =	vor.u32 $0x100, v0;
	v6 =	vld.idx.msk [tilespmem:v6+s20+$0x0], $0xffff;
	[tilespmem:s0+$0xFFFFFE50] =	vst v18  }
0x217: {  	v18 =	vor.u32 $0x100, v1;
	v13 =	vld.idx.msk [tilespmem:v13+s20+$0x0], $0xffff;
	[tilespmem:s0+$0xFFFFFF70] =	vst v5  }
0x218: {  	v5 =	vor.u32 $0x100, v2;
	[tilespmem:s0+$0xFFFFFE80] =	vst v8;
	v8 =	vld.idx.msk [tilespmem:v19+s20+$0x0], $0xffff  }
0x219: {  	[tilespmem:s0+$0xFFFFFE60] =	vst v9;
	v9 =	vor.u32 $0x100, v3;
	v7 =	vld.idx.msk [tilespmem:v7+s20+$0x0], $0xffff  }
0x21a: {  	[tilespmem:s0+$0xFFFFFE90] =	vst v15;
	v19 =	vor.u32 $0x100, v10;
	v14 =	vld.idx.msk [tilespmem:v14+s20+$0x0], $0xffff  }
0x21b: {  	[tilespmem:s0+$0xFFFFFEA0] =	vst v17;
	v17 =	vor.u32 $0x100, v11;
	v16 =	vld.idx.msk [tilespmem:v16+s20+$0x0], $0xffff  }
0x21c: {  	v15 =	vor.u32 $0x200, v4;
	v18 =	vld.idx.msk [tilespmem:v18+s20+$0x0], $0xffff;
	[tilespmem:s0+$0xFFFFFEB0] =	vst v6  }
0x21d: {  	v6 =	vor.u32 $0x100, v12;
	v5 =	vld.idx.msk [tilespmem:v5+s20+$0x0], $0xffff;
	[tilespmem:s0+$0xFFFFFEC0] =	vst v13  }
0x21e: {  	v13 =	vor.u32 $0x180, v0;
	v9 =	vld.idx.msk [tilespmem:v9+s20+$0x0], $0xffff;
	[tilespmem:s0+$0xFFFFFED0] =	vst v8  }
0x21f: {  	[tilespmem:s0+$0xFFFFFFF0] =	vst v7;
	v7 =	vor.u32 $0x180, v1;
	v19 =	vld.idx.msk [tilespmem:v19+s20+$0x0], $0xffff  }
0x220: {  	[tilespmem:s0+$0xFFFFFEE0] =	vst v14;
	v14 =	vld.idx.msk [tilespmem:v17+s20+$0x0], $0xffff;
	v17 =	vor.u32 $0x180, v3  }
0x221: {  	v8 =	vld.idx.msk [tilespmem:v15+s20+$0x0], $0xffff;
	v15 =	vor.u32 $0x180, v2;
	[tilespmem:s0+$0xFFFFFF00] =	vst v16  }
0x222: {  	v16 =	vor.u32 $0x280, v4;
	[tilespmem:s0+$0xFFFFFF10] =	vst v18;
	v6 =	vld.idx.msk [tilespmem:v6+s20+$0x0], $0xffff  }
0x223: {  	v18 =	vor.u32 $0x180, v10;
	v13 =	vld.idx.msk [tilespmem:v13+s20+$0x0], $0xffff;
	[tilespmem:s0+$0xFFFFFF20] =	vst v5  }
0x224: {  	v5 =	vor.u32 $0x180, v11;
	[tilespmem:s0+$0xFFFFFF30] =	vst v9;
	v7 =	vld.idx.msk [tilespmem:v7+s20+$0x0], $0xffff  }
0x225: {  	v9 =	vor.u32 $0x180, v12;
	[tilespmem:s0+$0xFFFFFF40] =	vst v19;
	v17 =	vld.idx.msk [tilespmem:v17+s20+$0x0], $0xffff  }
0x226: {  	v15 =	vld.idx.msk [tilespmem:v15+s20+$0x0], $0xffff;
	[tilespmem:s0+$0x70] =	vst v8;
	v8 =	vor.u32 $0x200, v0  }
0x227: {  	v19 =	vor.u32 $0x200, v1;
	[tilespmem:s0+$0xFFFFFF50] =	vst v14;
	v16 =	vld.idx.msk [tilespmem:v16+s20+$0x0], $0xffff  }
0x228: {  	v14 =	vld.idx.msk [tilespmem:v18+s20+$0x0], $0xffff;
	[tilespmem:s0+$0xFFFFFF60] =	vst v6;
	v6 =	vor.u32 $0x300, v4  }
0x229: {  	v18 =	vor.u32 $0x200, v2;
	[tilespmem:s0+$0xFFFFFF80] =	vst v13;
	v5 =	vld.idx.msk [tilespmem:v5+s20+$0x0], $0xffff  }
0x22a: {  	v13 =	vor.u32 $0x200, v3;
	[tilespmem:s0+$0xFFFFFF90] =	vst v7;
	v7 =	vld.idx.msk [tilespmem:v9+s20+$0x0], $0xffff  }
0x22b: {  	v9 =	vor.u32 $0x200, v10;
	v8 =	vld.idx.msk [tilespmem:v8+s20+$0x0], $0xffff;
	[tilespmem:s0+$0xFFFFFFA0] =	vst v15  }
0x22c: {  	v15 =	vor.u32 $0x200, v11;
	v19 =	vld.idx.msk [tilespmem:v19+s20+$0x0], $0xffff;
	[tilespmem:s0+$0xF0] =	vst v16  }
0x22d: {  	[tilespmem:s0+$0xFFFFFFB0] =	vst v17;
	v16 =	vor.u32 $0x200, v12;
	v6 =	vld.idx.msk [tilespmem:v6+s20+$0x0], $0xffff  }
0x22e: {  	v17 =	vor.u32 $0x280, v0;
	v18 =	vld.idx.msk [tilespmem:v18+s20+$0x0], $0xffff;
	[tilespmem:s0+$0xFFFFFFC0] =	vst v14  }
0x22f: {  	v4 =	vor.u32 $0x380, v4;
	v13 =	vld.idx.msk [tilespmem:v13+s20+$0x0], $0xffff;
	[tilespmem:s0+$0xFFFFFFD0] =	vst v5  }
0x230: {  	v5 =	vor.u32 $0x280, v1;
	v9 =	vld.idx.msk [tilespmem:v9+s20+$0x0], $0xffff;
	[tilespmem:s0+$0xFFFFFFE0] =	vst v7  }
0x231: {  	v7 =	vor.u32 $0x280, v2;
	[tilespmem:s0+$0x0] =	vst v8;
	v8 =	vld.idx.msk [tilespmem:v15+s20+$0x0], $0xffff  }
0x232: {  	v14 =	vor.u32 $0x280, v3;
	[tilespmem:s0+$0x10] =	vst v19;
	v15 =	vld.idx.msk [tilespmem:v16+s20+$0x0], $0xffff  }
0x233: {  	v16 =	vor.u32 $0x280, v10;
	v17 =	vld.idx.msk [tilespmem:v17+s20+$0x0], $0xffff;
	[tilespmem:s0+$0x170] =	vst v6  }
0x234: {  	v6 =	vor.u32 $0x280, v11;
	[tilespmem:s0+$0x20] =	vst v18;
	v4 =	vld.idx.msk [tilespmem:v4+s20+$0x0], $0xffff  }
0x235: {  	v18 =	vor.u32 $0x280, v12;
	v5 =	vld.idx.msk [tilespmem:v5+s20+$0x0], $0xffff;
	[tilespmem:s0+$0x30] =	vst v13  }
0x236: {  	v13 =	vor.u32 $0x300, v0;
	v7 =	vld.idx.msk [tilespmem:v7+s20+$0x0], $0xffff;
	[tilespmem:s0+$0x40] =	vst v9  }
0x237: {  	v9 =	vor.u32 $0x300, v1;
	v19 =	vld.idx.msk [tilespmem:v14+s20+$0x0], $0xffff;
	[tilespmem:s0+$0x50] =	vst v8  }
0x238: {  	v20 =	vor.u32 $0x300, v2;
	v21 =	vld.idx.msk [tilespmem:v16+s20+$0x0], $0xffff;
	[tilespmem:s0+$0x60] =	vst v15  }
0x239: {  	v22 =	vor.u32 $0x300, v3;
	[tilespmem:s0+$0x80] =	vst v17;
	v17 =	vld.idx.msk [tilespmem:v6+s20+$0x0], $0xffff  }
0x23a: {  	v23 =	vor.u32 $0x300, v10;
	v15 =	vld.idx.msk [tilespmem:v18+s20+$0x0], $0xffff;
	[tilespmem:s0+$0x1F0] =	vst v4  }
0x23b: {  	v14 =	vld.idx.msk [tilespmem:v13+s20+$0x0], $0xffff;
	[tilespmem:s0+$0x90] =	vst v5  }
0x23c: {  	v13 =	vld.idx.msk [tilespmem:v9+s20+$0x0], $0xffff;
	[tilespmem:s0+$0xA0] =	vst v7  }
0x23d: {  	v8 =	vor.u32 $0x300, v11;
	v6 =	vor.u32 $0x380, v1;
	v1 =	vor.u32 $0x380, v11;
	[tilespmem:s0+$0xB0] =	vst v19;
	v16 =	vld.idx.msk [tilespmem:v20+s20+$0x0], $0xffff  }
0x23e: {  	v5 =	vor.u32 $0x380, v2;
	v4 =	vor.u32 $0x380, v3;
	v2 =	vor.u32 $0x380, v10;
	v3 =	vld.idx.msk [tilespmem:v22+s20+$0x0], $0xffff;
	[tilespmem:s0+$0xC0] =	vst v21  }
0x23f: {  	s3 =	simm.s32 $0x0;
	s8 =	simm.s32 $0x8F0;
	s1 =	simm.s32 $0x15200;
	v7 =	vor.u32 $0x380, v0;
	v9 =	vor.u32 $0x300, v12;
	v0 =	vor.u32 $0x380, v12;
	v10 =	vld.idx.msk [tilespmem:v23+s20+$0x0], $0xffff;
	[tilespmem:s0+$0xD0] =	vst v17  }
.LBB2_8:
0x240: {  	v11 =	vld [tilespmem:s8+$0x0];
	s3 =	sadd.s32 $0x8, s3;
	[tilespmem:s0+$0xE0] =	vst v15  }
0x241: {  	v12 =	vld [tilespmem:s8+$0xFFFFFFA0];
	p0 =	slt.u32 s3, $0x78;
	[tilespmem:s0+$0x100] =	vst v14  }
0x242: {  	v14 =	vld [tilespmem:s8+$0xFFFFFFB0];
	[tilespmem:s0+$0x110] =	vst v13  }
0x243: {  	v13 =	vld [tilespmem:s8+$0xFFFFFFC0];
	[tilespmem:s0+$0x120] =	vst v16  }
0x244: {  	v15 =	vld [tilespmem:s8+$0xFFFFFFD0];
	[tilespmem:s0+$0x130] =	vst v3  }
0x245: {  	v16 =	vld [tilespmem:s8+$0xFFFFFFE0];
	v3 =	vshll.u32 v11, $0x3;
	[tilespmem:s0+$0x140] =	vst v10  }
0x246: {  	v11 =	vand.u32 $0x7F, v11;
	v10 =	vshll.u32 v12, $0x3;
	v17 =	vld [tilespmem:s8+$0xFFFFFFF0];
	v3 =	vand.u32 $0xFFFFFC00, v3  }
0x247: {  	v18 =	vld [tilespmem:s8+$0xFFFFFF90];
	v10 =	vand.u32 $0xFFFFFC00, v10;
	v19 =	vshll.u32 v14, $0x3;
	v3 =	vor.u32 v11, v3  }
0x248: {  	v11 =	vand.u32 $0x7F, v12;
	v12 =	vand.u32 $0xFFFFFC00, v19;
	v19 =	vshll.u32 v13, $0x3;
	v8 =	vld.idx.msk [tilespmem:v8+s20+$0x0], $0xffff  }
0x249: {  	v14 =	vand.u32 $0x7F, v14;
	v19 =	vand.u32 $0xFFFFFC00, v19;
	v20 =	vshll.u32 v15, $0x3;
	v9 =	vld.idx.msk [tilespmem:v9+s20+$0x0], $0xffff  }
0x24a: {  	v13 =	vand.u32 $0x7F, v13;
	v20 =	vand.u32 $0xFFFFFC00, v20;
	v21 =	vshll.u32 v16, $0x3;
	v7 =	vld.idx.msk [tilespmem:v7+s20+$0x0], $0xffff  }
0x24b: {  	v15 =	vand.u32 $0x7F, v15;
	v21 =	vand.u32 $0xFFFFFC00, v21;
	v22 =	vshll.u32 v17, $0x3;
	v6 =	vld.idx.msk [tilespmem:v6+s20+$0x0], $0xffff  }
0x24c: {  	v23 =	vand.u32 $0x7F, v18;
	v18 =	vshll.u32 v18, $0x3;
	v22 =	vand.u32 $0xFFFFFC00, v22;
	v24 =	vld.idx.msk [tilespmem:v3+s20+$0x0], $0xffff  }
0x24d: {  	v16 =	vand.u32 $0x7F, v16;
	v17 =	vand.u32 $0x7F, v17;
	v18 =	vand.u32 $0xFFFFFC00, v18;
	v5 =	vld.idx.msk [tilespmem:v5+s20+$0x0], $0xffff  }
0x24e: {  	v25 =	vor.u32 v11, v10;
	v10 =	vor.u32 $0x80, v3;
	v23 =	vor.u32 v23, v18;
	v4 =	vld.idx.msk [tilespmem:v4+s20+$0x0], $0xffff;
	[tilespmem:s0+$0x150] =	vst v8  }
0x24f: {  	v26 =	vor.u32 v14, v12;
	v27 =	vor.u32 v13, v19;
	v28 =	vor.u32 v15, v20;
	[tilespmem:s0+$0x160] =	vst v9  }
0x250: {  	v21 =	vor.u32 v16, v21;
	v22 =	vor.u32 v17, v22;
	v8 =	vor.u32 $0x80, v23;
	[tilespmem:s0+$0x180] =	vst v7;
	v2 =	vld.idx.msk [tilespmem:v2+s20+$0x0], $0xffff  }
0x251: {  	v29 =	vor.u32 $0x80, v27;
	v9 =	vor.u32 $0x80, v26;
	v7 =	vor.u32 $0x80, v25;
	s0 =	sadd.s32 $0x400, s0;
	[tilespmem:s1+$0x190] =	vst v6;
	v1 =	vld.idx.msk [tilespmem:v1+s20+$0x0], $0xffff  }
0x252: {  	v30 =	vor.u32 $0x80, v28;
	v31 =	vor.u32 $0x80, v21;
	v32 =	vor.u32 $0x80, v22;
	[tilespmem:s0+$0xFFFFFE70] =	vst v24;
	v0 =	vld.idx.msk [tilespmem:v0+s20+$0x0], $0xffff  }
0x253: {  	v33 =	vor.u32 $0x100, v25;
	v34 =	vor.u32 $0x100, v26;
	v24 =	vor.u32 $0x100, v23;
	v6 =	vld.idx.msk [tilespmem:v10+s20+$0x0], $0xffff;
	[tilespmem:s1+$0x1A0] =	vst v5  }
0x254: {  	v35 =	vor.u32 $0x100, v27;
	v36 =	vor.u32 $0x100, v28;
	v37 =	vor.u32 $0x100, v21;
	v5 =	vld.idx.msk [tilespmem:v23+s20+$0x0], $0xffff;
	[tilespmem:s1+$0x1B0] =	vst v4  }
0x255: {  	v39 =	vor.u32 $0x100, v22;
	v38 =	vor.u32 $0x180, v23;
	v10 =	vor.u32 $0x100, v3;
	v4 =	vld.idx.msk [tilespmem:v25+s20+$0x0], $0xffff  }
0x256: {  	v40 =	vor.u32 $0x180, v25;
	v41 =	vor.u32 $0x180, v26;
	v42 =	vor.u32 $0x180, v27;
	v11 =	vld.idx.msk [tilespmem:v26+s20+$0x0], $0xffff;
	[tilespmem:s1+$0x1C0] =	vst v2  }
0x257: {  	v43 =	vor.u32 $0x180, v28;
	v44 =	vor.u32 $0x180, v21;
	v45 =	vor.u32 $0x180, v22;
	v2 =	vld.idx.msk [tilespmem:v27+s20+$0x0], $0xffff;
	[tilespmem:s1+$0x1D0] =	vst v1  }
0x258: {  	v47 =	vor.u32 $0x200, v25;
	v48 =	vor.u32 $0x200, v26;
	v46 =	vor.u32 $0x200, v23;
	v1 =	vld.idx.msk [tilespmem:v28+s20+$0x0], $0xffff;
	[tilespmem:s1+$0x1E0] =	vst v0;
	s1 =	smov.u32 s0  }
0x259: {  	v49 =	vor.u32 $0x200, v27;
	v50 =	vor.u32 $0x200, v28;
	v51 =	vor.u32 $0x200, v21;
	v0 =	vld.idx.msk [tilespmem:v21+s20+$0x0], $0xffff;
	[tilespmem:s0+$0xFFFFFEF0] =	vst v6  }
0x25a: {  	v18 =	vor.u32 $0x280, v25;
	v53 =	vor.u32 $0x200, v22;
	v52 =	vor.u32 $0x280, v23;
	[tilespmem:s0+$0xFFFFFE00] =	vst v5;
	v54 =	vld.idx.msk [tilespmem:v10+s20+$0x0], $0xffff  }
0x25b: {  	v20 =	vor.u32 $0x280, v26;
	v19 =	vor.u32 $0x280, v27;
	v15 =	vor.u32 $0x280, v28;
	[tilespmem:s0+$0xFFFFFE10] =	vst v4;
	v55 =	vld.idx.msk [tilespmem:v22+s20+$0x0], $0xffff  }
0x25c: {  	v57 =	vor.u32 $0x180, v3;
	v17 =	vor.u32 $0x280, v21;
	v16 =	vor.u32 $0x280, v22;
	v56 =	vld.idx.msk [tilespmem:v8+s20+$0x0], $0xffff;
	[tilespmem:s0+$0xFFFFFE20] =	vst v11  }
0x25d: {  	v13 =	vor.u32 $0x300, v25;
	v14 =	vor.u32 $0x300, v23;
	v10 =	vor.u32 $0x300, v26;
	v58 =	vld.idx.msk [tilespmem:v7+s20+$0x0], $0xffff;
	[tilespmem:s0+$0xFFFFFE30] =	vst v2  }
0x25e: {  	v12 =	vor.u32 $0x300, v27;
	v11 =	vor.u32 $0x300, v28;
	v8 =	vor.u32 $0x300, v21;
	v59 =	vld.idx.msk [tilespmem:v9+s20+$0x0], $0xffff;
	[tilespmem:s0+$0xFFFFFE40] =	vst v1  }
0x25f: {  	v6 =	vor.u32 $0x380, v25;
	v7 =	vor.u32 $0x380, v23;
	v9 =	vor.u32 $0x300, v22;
	v23 =	vld.idx.msk [tilespmem:v29+s20+$0x0], $0xffff;
	[tilespmem:s0+$0xFFFFFE50] =	vst v0  }
0x260: {  	v5 =	vor.u32 $0x380, v26;
	v4 =	vor.u32 $0x380, v27;
	v2 =	vor.u32 $0x380, v28;
	v25 =	vld.idx.msk [tilespmem:v30+s20+$0x0], $0xffff;
	[tilespmem:s0+$0xFFFFFF70] =	vst v54  }
0x261: {  	v1 =	vor.u32 $0x380, v21;
	v0 =	vor.u32 $0x380, v22;
	[tilespmem:s0+$0xFFFFFE60] =	vst v55;
	v21 =	vld.idx.msk [tilespmem:v57+s20+$0x0], $0xffff  }
0x262: {  	[tilespmem:s0+$0xFFFFFE80] =	vst v56;
	v22 =	vld.idx.msk [tilespmem:v31+s20+$0x0], $0xffff  }
0x263: {  	v27 =	vor.u32 $0x200, v3;
	[tilespmem:s0+$0xFFFFFE90] =	vst v58;
	v26 =	vld.idx.msk [tilespmem:v32+s20+$0x0], $0xffff  }
0x264: {  	v24 =	vld.idx.msk [tilespmem:v24+s20+$0x0], $0xffff;
	[tilespmem:s0+$0xFFFFFEA0] =	vst v59  }
0x265: {  	v28 =	vld.idx.msk [tilespmem:v33+s20+$0x0], $0xffff;
	[tilespmem:s0+$0xFFFFFEB0] =	vst v23  }
0x266: {  	v23 =	vld.idx.msk [tilespmem:v34+s20+$0x0], $0xffff;
	[tilespmem:s0+$0xFFFFFEC0] =	vst v25  }
0x267: {  	v25 =	vld.idx.msk [tilespmem:v35+s20+$0x0], $0xffff;
	[tilespmem:s0+$0xFFFFFFF0] =	vst v21  }
0x268: {  	[tilespmem:s0+$0xFFFFFED0] =	vst v22;
	v21 =	vld.idx.msk [tilespmem:v27+s20+$0x0], $0xffff  }
0x269: {  	v22 =	vld.idx.msk [tilespmem:v36+s20+$0x0], $0xffff;
	[tilespmem:s0+$0xFFFFFEE0] =	vst v26  }
0x26a: {  	v26 =	vor.u32 $0x280, v3;
	[tilespmem:s0+$0xFFFFFF00] =	vst v24;
	v24 =	vld.idx.msk [tilespmem:v37+s20+$0x0], $0xffff  }
0x26b: {  	[tilespmem:s0+$0xFFFFFF10] =	vst v28;
	v27 =	vld.idx.msk [tilespmem:v39+s20+$0x0], $0xffff  }
0x26c: {  	v28 =	vld.idx.msk [tilespmem:v38+s20+$0x0], $0xffff;
	[tilespmem:s0+$0xFFFFFF20] =	vst v23  }
0x26d: {  	v23 =	vld.idx.msk [tilespmem:v40+s20+$0x0], $0xffff;
	[tilespmem:s0+$0xFFFFFF30] =	vst v25  }
0x26e: {  	v25 =	vld.idx.msk [tilespmem:v41+s20+$0x0], $0xffff;
	[tilespmem:s0+$0x70] =	vst v21  }
0x26f: {  	[tilespmem:s0+$0xFFFFFF40] =	vst v22;
	v21 =	vld.idx.msk [tilespmem:v26+s20+$0x0], $0xffff  }
0x270: {  	v22 =	vld.idx.msk [tilespmem:v42+s20+$0x0], $0xffff;
	[tilespmem:s0+$0xFFFFFF50] =	vst v24  }
0x271: {  	v26 =	vor.u32 $0x300, v3;
	v24 =	vld.idx.msk [tilespmem:v43+s20+$0x0], $0xffff;
	[tilespmem:s0+$0xFFFFFF60] =	vst v27  }
0x272: {  	[tilespmem:s0+$0xFFFFFF80] =	vst v28;
	v27 =	vld.idx.msk [tilespmem:v44+s20+$0x0], $0xffff  }
0x273: {  	[tilespmem:s0+$0xFFFFFF90] =	vst v23;
	v23 =	vld.idx.msk [tilespmem:v45+s20+$0x0], $0xffff  }
0x274: {  	v28 =	vld.idx.msk [tilespmem:v46+s20+$0x0], $0xffff;
	[tilespmem:s0+$0xFFFFFFA0] =	vst v25  }
0x275: {  	v25 =	vld.idx.msk [tilespmem:v47+s20+$0x0], $0xffff;
	[tilespmem:s0+$0xF0] =	vst v21  }
0x276: {  	[tilespmem:s0+$0xFFFFFFB0] =	vst v22;
	v21 =	vld.idx.msk [tilespmem:v26+s20+$0x0], $0xffff  }
0x277: {  	v22 =	vld.idx.msk [tilespmem:v48+s20+$0x0], $0xffff;
	[tilespmem:s0+$0xFFFFFFC0] =	vst v24  }
0x278: {  	v3 =	vor.u32 $0x380, v3;
	v24 =	vld.idx.msk [tilespmem:v49+s20+$0x0], $0xffff;
	[tilespmem:s0+$0xFFFFFFD0] =	vst v27  }
0x279: {  	v26 =	vld.idx.msk [tilespmem:v50+s20+$0x0], $0xffff;
	[tilespmem:s0+$0xFFFFFFE0] =	vst v23  }
0x27a: {  	[tilespmem:s0+$0x0] =	vst v28;
	v23 =	vld.idx.msk [tilespmem:v51+s20+$0x0], $0xffff  }
0x27b: {  	[tilespmem:s0+$0x10] =	vst v25;
	v25 =	vld.idx.msk [tilespmem:v53+s20+$0x0], $0xffff  }
0x27c: {  	v27 =	vld.idx.msk [tilespmem:v52+s20+$0x0], $0xffff;
	[tilespmem:s0+$0x170] =	vst v21  }
0x27d: {  	[tilespmem:s0+$0x20] =	vst v22;
	v3 =	vld.idx.msk [tilespmem:v3+s20+$0x0], $0xffff  }
0x27e: {  	v18 =	vld.idx.msk [tilespmem:v18+s20+$0x0], $0xffff;
	[tilespmem:s0+$0x30] =	vst v24  }
0x27f: {  	v20 =	vld.idx.msk [tilespmem:v20+s20+$0x0], $0xffff;
	[tilespmem:s0+$0x40] =	vst v26  }
0x280: {  	v19 =	vld.idx.msk [tilespmem:v19+s20+$0x0], $0xffff;
	[tilespmem:s0+$0x50] =	vst v23  }
0x281: {  	v21 =	vld.idx.msk [tilespmem:v15+s20+$0x0], $0xffff;
	[tilespmem:s0+$0x60] =	vst v25  }
0x282: {  	[tilespmem:s0+$0x80] =	vst v27;
	v17 =	vld.idx.msk [tilespmem:v17+s20+$0x0], $0xffff  }
0x283: {  	v15 =	vld.idx.msk [tilespmem:v16+s20+$0x0], $0xffff;
	[tilespmem:s0+$0x1F0] =	vst v3  }
.Ltmp3:
0x284: {  	v14 =	vld.idx.msk [tilespmem:v14+s20+$0x0], $0xffff;
	[tilespmem:s0+$0x90] =	vst v18;
	(pc) =	sbr.rel @p0 .LBB2_8-.Ltmp3, $4  }
0x285: {  	v13 =	vld.idx.msk [tilespmem:v13+s20+$0x0], $0xffff;
	[tilespmem:s0+$0xA0] =	vst v20  }
0x286: {  	v16 =	vld.idx.msk [tilespmem:v10+s20+$0x0], $0xffff;
	[tilespmem:s0+$0xB0] =	vst v19  }
0x287: {  	v3 =	vld.idx.msk [tilespmem:v12+s20+$0x0], $0xffff;
	[tilespmem:s0+$0xC0] =	vst v21  }
0x288: {  	s8 =	sadd.s32 $0x80, s8;
	v10 =	vld.idx.msk [tilespmem:v11+s20+$0x0], $0xffff;
	[tilespmem:s0+$0xD0] =	vst v17  }
0x289: {  	_ =	sdelay $0x2  }
0x28a: {  	[tilespmem:s0+$0xE0] =	vst v15  }
0x28b: {  	[tilespmem:s0+$0x100] =	vst v14;
	v8 =	vld.idx.msk [tilespmem:v8+s20+$0x0], $0xffff  }
0x28c: {  	[tilespmem:s0+$0x110] =	vst v13;
	v9 =	vld.idx.msk [tilespmem:v9+s20+$0x0], $0xffff  }
0x28d: {  	v7 =	vld.idx.msk [tilespmem:v7+s20+$0x0], $0xffff;
	[tilespmem:s0+$0x120] =	vst v16  }
0x28e: {  	v63 =	vld.idx.msk [tilespmem:v6+s20+$0x0], $0xffff;
	[tilespmem:s0+$0x130] =	vst v3  }
0x28f: {  	v5 =	vld.idx.msk [tilespmem:v5+s20+$0x0], $0xffff;
	[tilespmem:s0+$0x140] =	vst v10  }
0x290: {  	v4 =	vld.idx.msk [tilespmem:v4+s20+$0x0], $0xffff;
	[tilespmem:s0+$0x150] =	vst v8  }
0x291: {  	v2 =	vld.idx.msk [tilespmem:v2+s20+$0x0], $0xffff;
	[tilespmem:s0+$0x160] =	vst v9  }
0x292: {  	[tilespmem:s0+$0x180] =	vst v7;
	v1 =	vld.idx.msk [tilespmem:v1+s20+$0x0], $0xffff  }
0x293: {  	[tilespmem:s1+$0x190] =	vst v63;
	v0 =	vld.idx.msk [tilespmem:v0+s20+$0x0], $0xffff  }
0x294: {  	[tilespmem:s1+$0x1A0] =	vst v5  }
0x295: {  	[tilespmem:s1+$0x1B0] =	vst v4  }
0x296: {  	[tilespmem:s1+$0x1C0] =	vst v2  }
0x297: {  	[tilespmem:s1+$0x1D0] =	vst v1  }
0x298: {  	s29 =	simm.s32 $0x1;
	[tilespmem:s1+$0x1E0] =	vst v0  }
0x299: {  	[hbm4b:s14+s5] =	stream.linear.scatter [tilespmem:s23], [sflag:$0x4], $0x4000, $0x38;
	[tilespmem:$0x19000] =	vst v63  }
.LBB2_10:
0x29a: {  	s31 =	sshll.u32 s29, $0x1  }
0x29b: {  	s0 =	sor.u32 s31, s15  }
0x29c: {  	s0 =	sshll.u32 s0, $0xC  }
0x29d: {  	s30 =	sor.u32 $0x1000, s0  }
0x29e: {  	s0 =	sadd.s32 s2, s30  }
0x29f: {  	[tilespmem:s20], [sflag:$0x2] =	stream.linear.gather [hbm4b:s0+s5], $0x8000, $0x38;
	[tilespmem:$0x19000] =	vst v63  }
0x2a0: {  	_ =	swait.ge [sflag:s21], $0x8000  }
0x2a1: {  	[sflag:s21] =	ssyncset.done $0x0  }
0x2a2: {  	[sflag:s21] =	ssyncadd.s32 $0xFFFF8000  }
0x2a3: {  	_ =	swait.ge [sflag:s25], $0x4000  }
0x2a4: {  	[sflag:s25] =	ssyncset.done $0x0  }
0x2a5: {  	s11 =	simm.s32 $0x40;
	[sflag:s25] =	ssyncadd.s32 $0xFFFFC000  }
0x2a6: {  	v0 =	vld [tilespmem:s11+$0x30];
	_ =	sdelay $0x3  }
0x2a7: {  	v1 =	vld [tilespmem:s11+$0xFFFFFFD0]  }
0x2a8: {  	v2 =	vshll.u32 v0, $0x3  }
0x2a9: {  	v3 =	vld [tilespmem:s11+$0xFFFFFFE0];
	v0 =	vand.u32 $0x7F, v0;
	v2 =	vand.u32 $0xFFFFFC00, v2  }
0x2aa: {  	v5 =	vld [tilespmem:s11+$0xFFFFFFC0];
	v4 =	vor.u32 v0, v2;
	_ =	sdelay $0x1  }
0x2ab: {  	v2 =	vld [tilespmem:s11+$0xFFFFFFF0];
	v0 =	vshll.u32 v1, $0x3  }
0x2ac: {  	v7 =	vld [tilespmem:s11+$0x10];
	v1 =	vand.u32 $0x7F, v1;
	v8 =	vand.u32 $0xFFFFFC00, v0  }
0x2ad: {  	v6 =	vld [tilespmem:s11+$0x0];
	v0 =	vshll.u32 v3, $0x3;
	v1 =	vor.u32 v1, v8  }
0x2ae: {  	v11 =	vor.u32 $0x80, v4;
	v9 =	vand.u32 $0xFFFFFC00, v0;
	v0 =	vshll.u32 v5, $0x3;
	v10 =	vld.idx.msk [tilespmem:v4+s19+$0x0], $0xffff  }
0x2af: {  	v12 =	vld [tilespmem:s11+$0x20];
	v3 =	vand.u32 $0x7F, v3;
	v5 =	vand.u32 $0x7F, v5;
	v0 =	vand.u32 $0xFFFFFC00, v0  }
0x2b0: {  	v0 =	vor.u32 v5, v0;
	v13 =	vshll.u32 v2, $0x3;
	v8 =	vand.u32 $0x7F, v2  }
0x2b1: {  	v2 =	vor.u32 v3, v9;
	v9 =	vshll.u32 v7, $0x3;
	v5 =	vand.u32 $0xFFFFFC00, v13  }
0x2b2: {  	s0 =	simm.s32 $0x11200;
	v13 =	vshll.u32 v6, $0x3;
	v3 =	vor.u32 v8, v5;
	v5 =	vand.u32 $0xFFFFFC00, v9;
	v9 =	vld.idx.msk [tilespmem:v1+s19+$0x0], $0xffff  }
0x2b3: {  	v15 =	vor.u32 $0x80, v1;
	v6 =	vand.u32 $0x7F, v6;
	v13 =	vand.u32 $0xFFFFFC00, v13;
	[tilespmem:s0+$0xFFFFFE70] =	vst v10  }
0x2b4: {  	v7 =	vand.u32 $0x7F, v7;
	v8 =	vshll.u32 v12, $0x3;
	v10 =	vor.u32 v6, v13;
	v6 =	vld.idx.msk [tilespmem:v11+s19+$0x0], $0xffff  }
0x2b5: {  	v11 =	vor.u32 v7, v5;
	v5 =	vld.idx.msk [tilespmem:v0+s19+$0x0], $0xffff;
	v7 =	vand.u32 $0xFFFFFC00, v8;
	v8 =	vand.u32 $0x7F, v12  }
0x2b6: {  	v13 =	vor.u32 $0x100, v4;
	v12 =	vor.u32 v8, v7;
	v7 =	vld.idx.msk [tilespmem:v2+s19+$0x0], $0xffff  }
0x2b7: {  	v8 =	vor.u32 $0x80, v0;
	v14 =	vld.idx.msk [tilespmem:v3+s19+$0x0], $0xffff;
	[tilespmem:s0+$0xFFFFFE10] =	vst v9  }
0x2b8: {  	v15 =	vld.idx.msk [tilespmem:v15+s19+$0x0], $0xffff  }
0x2b9: {  	v17 =	vor.u32 $0x80, v2;
	v16 =	vld.idx.msk [tilespmem:v10+s19+$0x0], $0xffff  }
0x2ba: {  	v18 =	vld.idx.msk [tilespmem:v11+s19+$0x0], $0xffff;
	[tilespmem:s0+$0xFFFFFEF0] =	vst v6;
	v6 =	vor.u32 $0x80, v3  }
0x2bb: {  	[tilespmem:s0+$0xFFFFFE00] =	vst v5;
	v5 =	vld.idx.msk [tilespmem:v13+s19+$0x0], $0xffff;
	v13 =	vor.u32 $0x80, v10  }
0x2bc: {  	v19 =	vor.u32 $0x80, v11;
	v8 =	vld.idx.msk [tilespmem:v8+s19+$0x0], $0xffff;
	[tilespmem:s0+$0xFFFFFE20] =	vst v7  }
0x2bd: {  	v9 =	vld.idx.msk [tilespmem:v12+s19+$0x0], $0xffff;
	v7 =	vor.u32 $0x180, v4;
	[tilespmem:s0+$0xFFFFFE30] =	vst v14  }
0x2be: {  	v14 =	vor.u32 $0x80, v12;
	v17 =	vld.idx.msk [tilespmem:v17+s19+$0x0], $0xffff;
	[tilespmem:s0+$0xFFFFFE40] =	vst v16  }
0x2bf: {  	v16 =	vor.u32 $0x100, v0;
	v6 =	vld.idx.msk [tilespmem:v6+s19+$0x0], $0xffff;
	[tilespmem:s0+$0xFFFFFE50] =	vst v18  }
0x2c0: {  	v18 =	vor.u32 $0x100, v1;
	v13 =	vld.idx.msk [tilespmem:v13+s19+$0x0], $0xffff;
	[tilespmem:s0+$0xFFFFFF70] =	vst v5  }
0x2c1: {  	v5 =	vor.u32 $0x100, v2;
	[tilespmem:s0+$0xFFFFFE80] =	vst v8;
	v8 =	vld.idx.msk [tilespmem:v19+s19+$0x0], $0xffff  }
0x2c2: {  	[tilespmem:s0+$0xFFFFFE60] =	vst v9;
	v9 =	vor.u32 $0x100, v3;
	v7 =	vld.idx.msk [tilespmem:v7+s19+$0x0], $0xffff  }
0x2c3: {  	[tilespmem:s0+$0xFFFFFE90] =	vst v15;
	v19 =	vor.u32 $0x100, v10;
	v14 =	vld.idx.msk [tilespmem:v14+s19+$0x0], $0xffff  }
0x2c4: {  	[tilespmem:s0+$0xFFFFFEA0] =	vst v17;
	v17 =	vor.u32 $0x100, v11;
	v16 =	vld.idx.msk [tilespmem:v16+s19+$0x0], $0xffff  }
0x2c5: {  	v15 =	vor.u32 $0x200, v4;
	v18 =	vld.idx.msk [tilespmem:v18+s19+$0x0], $0xffff;
	[tilespmem:s0+$0xFFFFFEB0] =	vst v6  }
0x2c6: {  	v6 =	vor.u32 $0x100, v12;
	v5 =	vld.idx.msk [tilespmem:v5+s19+$0x0], $0xffff;
	[tilespmem:s0+$0xFFFFFEC0] =	vst v13  }
0x2c7: {  	v13 =	vor.u32 $0x180, v0;
	v9 =	vld.idx.msk [tilespmem:v9+s19+$0x0], $0xffff;
	[tilespmem:s0+$0xFFFFFED0] =	vst v8  }
0x2c8: {  	[tilespmem:s0+$0xFFFFFFF0] =	vst v7;
	v7 =	vor.u32 $0x180, v1;
	v19 =	vld.idx.msk [tilespmem:v19+s19+$0x0], $0xffff  }
0x2c9: {  	[tilespmem:s0+$0xFFFFFEE0] =	vst v14;
	v14 =	vld.idx.msk [tilespmem:v17+s19+$0x0], $0xffff;
	v17 =	vor.u32 $0x180, v3  }
0x2ca: {  	v8 =	vld.idx.msk [tilespmem:v15+s19+$0x0], $0xffff;
	v15 =	vor.u32 $0x180, v2;
	[tilespmem:s0+$0xFFFFFF00] =	vst v16  }
0x2cb: {  	v16 =	vor.u32 $0x280, v4;
	[tilespmem:s0+$0xFFFFFF10] =	vst v18;
	v6 =	vld.idx.msk [tilespmem:v6+s19+$0x0], $0xffff  }
0x2cc: {  	v18 =	vor.u32 $0x180, v10;
	v13 =	vld.idx.msk [tilespmem:v13+s19+$0x0], $0xffff;
	[tilespmem:s0+$0xFFFFFF20] =	vst v5  }
0x2cd: {  	v5 =	vor.u32 $0x180, v11;
	[tilespmem:s0+$0xFFFFFF30] =	vst v9;
	v7 =	vld.idx.msk [tilespmem:v7+s19+$0x0], $0xffff  }
0x2ce: {  	v9 =	vor.u32 $0x180, v12;
	[tilespmem:s0+$0xFFFFFF40] =	vst v19;
	v17 =	vld.idx.msk [tilespmem:v17+s19+$0x0], $0xffff  }
0x2cf: {  	v15 =	vld.idx.msk [tilespmem:v15+s19+$0x0], $0xffff;
	[tilespmem:s0+$0x70] =	vst v8;
	v8 =	vor.u32 $0x200, v0  }
0x2d0: {  	v19 =	vor.u32 $0x200, v1;
	[tilespmem:s0+$0xFFFFFF50] =	vst v14;
	v16 =	vld.idx.msk [tilespmem:v16+s19+$0x0], $0xffff  }
0x2d1: {  	v14 =	vld.idx.msk [tilespmem:v18+s19+$0x0], $0xffff;
	[tilespmem:s0+$0xFFFFFF60] =	vst v6;
	v6 =	vor.u32 $0x300, v4  }
0x2d2: {  	v18 =	vor.u32 $0x200, v2;
	[tilespmem:s0+$0xFFFFFF80] =	vst v13;
	v5 =	vld.idx.msk [tilespmem:v5+s19+$0x0], $0xffff  }
0x2d3: {  	v13 =	vor.u32 $0x200, v3;
	[tilespmem:s0+$0xFFFFFF90] =	vst v7;
	v7 =	vld.idx.msk [tilespmem:v9+s19+$0x0], $0xffff  }
0x2d4: {  	v9 =	vor.u32 $0x200, v10;
	v8 =	vld.idx.msk [tilespmem:v8+s19+$0x0], $0xffff;
	[tilespmem:s0+$0xFFFFFFA0] =	vst v15  }
0x2d5: {  	v15 =	vor.u32 $0x200, v11;
	v19 =	vld.idx.msk [tilespmem:v19+s19+$0x0], $0xffff;
	[tilespmem:s0+$0xF0] =	vst v16  }
0x2d6: {  	[tilespmem:s0+$0xFFFFFFB0] =	vst v17;
	v16 =	vor.u32 $0x200, v12;
	v6 =	vld.idx.msk [tilespmem:v6+s19+$0x0], $0xffff  }
0x2d7: {  	v17 =	vor.u32 $0x280, v0;
	v18 =	vld.idx.msk [tilespmem:v18+s19+$0x0], $0xffff;
	[tilespmem:s0+$0xFFFFFFC0] =	vst v14  }
0x2d8: {  	v4 =	vor.u32 $0x380, v4;
	v13 =	vld.idx.msk [tilespmem:v13+s19+$0x0], $0xffff;
	[tilespmem:s0+$0xFFFFFFD0] =	vst v5  }
0x2d9: {  	v5 =	vor.u32 $0x280, v1;
	v9 =	vld.idx.msk [tilespmem:v9+s19+$0x0], $0xffff;
	[tilespmem:s0+$0xFFFFFFE0] =	vst v7  }
0x2da: {  	v7 =	vor.u32 $0x280, v2;
	[tilespmem:s0+$0x0] =	vst v8;
	v8 =	vld.idx.msk [tilespmem:v15+s19+$0x0], $0xffff  }
0x2db: {  	v14 =	vor.u32 $0x280, v3;
	[tilespmem:s0+$0x10] =	vst v19;
	v15 =	vld.idx.msk [tilespmem:v16+s19+$0x0], $0xffff  }
0x2dc: {  	v16 =	vor.u32 $0x280, v10;
	v17 =	vld.idx.msk [tilespmem:v17+s19+$0x0], $0xffff;
	[tilespmem:s0+$0x170] =	vst v6  }
0x2dd: {  	v6 =	vor.u32 $0x280, v11;
	[tilespmem:s0+$0x20] =	vst v18;
	v4 =	vld.idx.msk [tilespmem:v4+s19+$0x0], $0xffff  }
0x2de: {  	v18 =	vor.u32 $0x280, v12;
	v5 =	vld.idx.msk [tilespmem:v5+s19+$0x0], $0xffff;
	[tilespmem:s0+$0x30] =	vst v13  }
0x2df: {  	v13 =	vor.u32 $0x300, v0;
	v7 =	vld.idx.msk [tilespmem:v7+s19+$0x0], $0xffff;
	[tilespmem:s0+$0x40] =	vst v9  }
0x2e0: {  	v9 =	vor.u32 $0x300, v1;
	v19 =	vld.idx.msk [tilespmem:v14+s19+$0x0], $0xffff;
	[tilespmem:s0+$0x50] =	vst v8  }
0x2e1: {  	v20 =	vor.u32 $0x300, v2;
	v21 =	vld.idx.msk [tilespmem:v16+s19+$0x0], $0xffff;
	[tilespmem:s0+$0x60] =	vst v15  }
0x2e2: {  	v22 =	vor.u32 $0x300, v3;
	[tilespmem:s0+$0x80] =	vst v17;
	v17 =	vld.idx.msk [tilespmem:v6+s19+$0x0], $0xffff  }
0x2e3: {  	v23 =	vor.u32 $0x300, v10;
	v15 =	vld.idx.msk [tilespmem:v18+s19+$0x0], $0xffff;
	[tilespmem:s0+$0x1F0] =	vst v4  }
0x2e4: {  	v14 =	vld.idx.msk [tilespmem:v13+s19+$0x0], $0xffff;
	[tilespmem:s0+$0x90] =	vst v5  }
0x2e5: {  	v13 =	vld.idx.msk [tilespmem:v9+s19+$0x0], $0xffff;
	[tilespmem:s0+$0xA0] =	vst v7  }
0x2e6: {  	v8 =	vor.u32 $0x300, v11;
	v6 =	vor.u32 $0x380, v1;
	v1 =	vor.u32 $0x380, v11;
	[tilespmem:s0+$0xB0] =	vst v19;
	v16 =	vld.idx.msk [tilespmem:v20+s19+$0x0], $0xffff  }
0x2e7: {  	v5 =	vor.u32 $0x380, v2;
	v4 =	vor.u32 $0x380, v3;
	v2 =	vor.u32 $0x380, v10;
	v3 =	vld.idx.msk [tilespmem:v22+s19+$0x0], $0xffff;
	[tilespmem:s0+$0xC0] =	vst v21  }
0x2e8: {  	s3 =	simm.s32 $0x0;
	s8 =	simm.s32 $0xC0;
	s1 =	simm.s32 $0x11200;
	v7 =	vor.u32 $0x380, v0;
	v9 =	vor.u32 $0x300, v12;
	v0 =	vor.u32 $0x380, v12;
	v10 =	vld.idx.msk [tilespmem:v23+s19+$0x0], $0xffff;
	[tilespmem:s0+$0xD0] =	vst v17  }
.LBB2_11:
0x2e9: {  	v11 =	vld [tilespmem:s8+$0x30];
	s3 =	sadd.s32 $0x8, s3;
	[tilespmem:s0+$0xE0] =	vst v15  }
0x2ea: {  	v12 =	vld [tilespmem:s8+$0xFFFFFFD0];
	p0 =	slt.u32 s3, $0x78;
	[tilespmem:s0+$0x100] =	vst v14  }
0x2eb: {  	v14 =	vld [tilespmem:s8+$0xFFFFFFE0];
	[tilespmem:s0+$0x110] =	vst v13  }
0x2ec: {  	v13 =	vld [tilespmem:s8+$0xFFFFFFF0];
	[tilespmem:s0+$0x120] =	vst v16  }
0x2ed: {  	v15 =	vld [tilespmem:s8+$0x0];
	[tilespmem:s0+$0x130] =	vst v3  }
0x2ee: {  	v16 =	vld [tilespmem:s8+$0x10];
	v3 =	vshll.u32 v11, $0x3;
	[tilespmem:s0+$0x140] =	vst v10  }
0x2ef: {  	v11 =	vand.u32 $0x7F, v11;
	v10 =	vshll.u32 v12, $0x3;
	v17 =	vld [tilespmem:s8+$0x20];
	v3 =	vand.u32 $0xFFFFFC00, v3  }
0x2f0: {  	v18 =	vld [tilespmem:s8+$0xFFFFFFC0];
	v10 =	vand.u32 $0xFFFFFC00, v10;
	v19 =	vshll.u32 v14, $0x3;
	v3 =	vor.u32 v11, v3  }
0x2f1: {  	v11 =	vand.u32 $0x7F, v12;
	v12 =	vand.u32 $0xFFFFFC00, v19;
	v19 =	vshll.u32 v13, $0x3;
	v8 =	vld.idx.msk [tilespmem:v8+s19+$0x0], $0xffff  }
0x2f2: {  	v14 =	vand.u32 $0x7F, v14;
	v19 =	vand.u32 $0xFFFFFC00, v19;
	v20 =	vshll.u32 v15, $0x3;
	v9 =	vld.idx.msk [tilespmem:v9+s19+$0x0], $0xffff  }
0x2f3: {  	v13 =	vand.u32 $0x7F, v13;
	v20 =	vand.u32 $0xFFFFFC00, v20;
	v21 =	vshll.u32 v16, $0x3;
	v7 =	vld.idx.msk [tilespmem:v7+s19+$0x0], $0xffff  }
0x2f4: {  	v15 =	vand.u32 $0x7F, v15;
	v21 =	vand.u32 $0xFFFFFC00, v21;
	v22 =	vshll.u32 v17, $0x3;
	v6 =	vld.idx.msk [tilespmem:v6+s19+$0x0], $0xffff  }
0x2f5: {  	v23 =	vand.u32 $0x7F, v18;
	v18 =	vshll.u32 v18, $0x3;
	v22 =	vand.u32 $0xFFFFFC00, v22;
	v24 =	vld.idx.msk [tilespmem:v3+s19+$0x0], $0xffff  }
0x2f6: {  	v16 =	vand.u32 $0x7F, v16;
	v17 =	vand.u32 $0x7F, v17;
	v18 =	vand.u32 $0xFFFFFC00, v18;
	v5 =	vld.idx.msk [tilespmem:v5+s19+$0x0], $0xffff  }
0x2f7: {  	v25 =	vor.u32 v11, v10;
	v10 =	vor.u32 $0x80, v3;
	v23 =	vor.u32 v23, v18;
	v4 =	vld.idx.msk [tilespmem:v4+s19+$0x0], $0xffff;
	[tilespmem:s0+$0x150] =	vst v8  }
0x2f8: {  	v26 =	vor.u32 v14, v12;
	v27 =	vor.u32 v13, v19;
	v28 =	vor.u32 v15, v20;
	[tilespmem:s0+$0x160] =	vst v9  }
0x2f9: {  	v21 =	vor.u32 v16, v21;
	v22 =	vor.u32 v17, v22;
	v8 =	vor.u32 $0x80, v23;
	[tilespmem:s0+$0x180] =	vst v7;
	v2 =	vld.idx.msk [tilespmem:v2+s19+$0x0], $0xffff  }
0x2fa: {  	v29 =	vor.u32 $0x80, v27;
	v9 =	vor.u32 $0x80, v26;
	v7 =	vor.u32 $0x80, v25;
	s0 =	sadd.s32 $0x400, s0;
	[tilespmem:s1+$0x190] =	vst v6;
	v1 =	vld.idx.msk [tilespmem:v1+s19+$0x0], $0xffff  }
0x2fb: {  	v30 =	vor.u32 $0x80, v28;
	v31 =	vor.u32 $0x80, v21;
	v32 =	vor.u32 $0x80, v22;
	[tilespmem:s0+$0xFFFFFE70] =	vst v24;
	v0 =	vld.idx.msk [tilespmem:v0+s19+$0x0], $0xffff  }
0x2fc: {  	v33 =	vor.u32 $0x100, v25;
	v34 =	vor.u32 $0x100, v26;
	v24 =	vor.u32 $0x100, v23;
	v6 =	vld.idx.msk [tilespmem:v10+s19+$0x0], $0xffff;
	[tilespmem:s1+$0x1A0] =	vst v5  }
0x2fd: {  	v35 =	vor.u32 $0x100, v27;
	v36 =	vor.u32 $0x100, v28;
	v37 =	vor.u32 $0x100, v21;
	v5 =	vld.idx.msk [tilespmem:v23+s19+$0x0], $0xffff;
	[tilespmem:s1+$0x1B0] =	vst v4  }
0x2fe: {  	v39 =	vor.u32 $0x100, v22;
	v38 =	vor.u32 $0x180, v23;
	v10 =	vor.u32 $0x100, v3;
	v4 =	vld.idx.msk [tilespmem:v25+s19+$0x0], $0xffff  }
0x2ff: {  	v40 =	vor.u32 $0x180, v25;
	v41 =	vor.u32 $0x180, v26;
	v42 =	vor.u32 $0x180, v27;
	v11 =	vld.idx.msk [tilespmem:v26+s19+$0x0], $0xffff;
	[tilespmem:s1+$0x1C0] =	vst v2  }
0x300: {  	v43 =	vor.u32 $0x180, v28;
	v44 =	vor.u32 $0x180, v21;
	v45 =	vor.u32 $0x180, v22;
	v2 =	vld.idx.msk [tilespmem:v27+s19+$0x0], $0xffff;
	[tilespmem:s1+$0x1D0] =	vst v1  }
0x301: {  	v47 =	vor.u32 $0x200, v25;
	v48 =	vor.u32 $0x200, v26;
	v46 =	vor.u32 $0x200, v23;
	v1 =	vld.idx.msk [tilespmem:v28+s19+$0x0], $0xffff;
	[tilespmem:s1+$0x1E0] =	vst v0;
	s1 =	smov.u32 s0  }
0x302: {  	v49 =	vor.u32 $0x200, v27;
	v50 =	vor.u32 $0x200, v28;
	v51 =	vor.u32 $0x200, v21;
	v0 =	vld.idx.msk [tilespmem:v21+s19+$0x0], $0xffff;
	[tilespmem:s0+$0xFFFFFEF0] =	vst v6  }
0x303: {  	v18 =	vor.u32 $0x280, v25;
	v53 =	vor.u32 $0x200, v22;
	v52 =	vor.u32 $0x280, v23;
	[tilespmem:s0+$0xFFFFFE00] =	vst v5;
	v54 =	vld.idx.msk [tilespmem:v10+s19+$0x0], $0xffff  }
0x304: {  	v20 =	vor.u32 $0x280, v26;
	v19 =	vor.u32 $0x280, v27;
	v15 =	vor.u32 $0x280, v28;
	[tilespmem:s0+$0xFFFFFE10] =	vst v4;
	v55 =	vld.idx.msk [tilespmem:v22+s19+$0x0], $0xffff  }
0x305: {  	v57 =	vor.u32 $0x180, v3;
	v17 =	vor.u32 $0x280, v21;
	v16 =	vor.u32 $0x280, v22;
	v56 =	vld.idx.msk [tilespmem:v8+s19+$0x0], $0xffff;
	[tilespmem:s0+$0xFFFFFE20] =	vst v11  }
0x306: {  	v13 =	vor.u32 $0x300, v25;
	v14 =	vor.u32 $0x300, v23;
	v10 =	vor.u32 $0x300, v26;
	v58 =	vld.idx.msk [tilespmem:v7+s19+$0x0], $0xffff;
	[tilespmem:s0+$0xFFFFFE30] =	vst v2  }
0x307: {  	v12 =	vor.u32 $0x300, v27;
	v11 =	vor.u32 $0x300, v28;
	v8 =	vor.u32 $0x300, v21;
	v59 =	vld.idx.msk [tilespmem:v9+s19+$0x0], $0xffff;
	[tilespmem:s0+$0xFFFFFE40] =	vst v1  }
0x308: {  	v6 =	vor.u32 $0x380, v25;
	v7 =	vor.u32 $0x380, v23;
	v9 =	vor.u32 $0x300, v22;
	v23 =	vld.idx.msk [tilespmem:v29+s19+$0x0], $0xffff;
	[tilespmem:s0+$0xFFFFFE50] =	vst v0  }
0x309: {  	v5 =	vor.u32 $0x380, v26;
	v4 =	vor.u32 $0x380, v27;
	v2 =	vor.u32 $0x380, v28;
	v25 =	vld.idx.msk [tilespmem:v30+s19+$0x0], $0xffff;
	[tilespmem:s0+$0xFFFFFF70] =	vst v54  }
0x30a: {  	v1 =	vor.u32 $0x380, v21;
	v0 =	vor.u32 $0x380, v22;
	[tilespmem:s0+$0xFFFFFE60] =	vst v55;
	v21 =	vld.idx.msk [tilespmem:v57+s19+$0x0], $0xffff  }
0x30b: {  	[tilespmem:s0+$0xFFFFFE80] =	vst v56;
	v22 =	vld.idx.msk [tilespmem:v31+s19+$0x0], $0xffff  }
0x30c: {  	v27 =	vor.u32 $0x200, v3;
	[tilespmem:s0+$0xFFFFFE90] =	vst v58;
	v26 =	vld.idx.msk [tilespmem:v32+s19+$0x0], $0xffff  }
0x30d: {  	v24 =	vld.idx.msk [tilespmem:v24+s19+$0x0], $0xffff;
	[tilespmem:s0+$0xFFFFFEA0] =	vst v59  }
0x30e: {  	v28 =	vld.idx.msk [tilespmem:v33+s19+$0x0], $0xffff;
	[tilespmem:s0+$0xFFFFFEB0] =	vst v23  }
0x30f: {  	v23 =	vld.idx.msk [tilespmem:v34+s19+$0x0], $0xffff;
	[tilespmem:s0+$0xFFFFFEC0] =	vst v25  }
0x310: {  	v25 =	vld.idx.msk [tilespmem:v35+s19+$0x0], $0xffff;
	[tilespmem:s0+$0xFFFFFFF0] =	vst v21  }
0x311: {  	[tilespmem:s0+$0xFFFFFED0] =	vst v22;
	v21 =	vld.idx.msk [tilespmem:v27+s19+$0x0], $0xffff  }
0x312: {  	v22 =	vld.idx.msk [tilespmem:v36+s19+$0x0], $0xffff;
	[tilespmem:s0+$0xFFFFFEE0] =	vst v26  }
0x313: {  	v26 =	vor.u32 $0x280, v3;
	[tilespmem:s0+$0xFFFFFF00] =	vst v24;
	v24 =	vld.idx.msk [tilespmem:v37+s19+$0x0], $0xffff  }
0x314: {  	[tilespmem:s0+$0xFFFFFF10] =	vst v28;
	v27 =	vld.idx.msk [tilespmem:v39+s19+$0x0], $0xffff  }
0x315: {  	v28 =	vld.idx.msk [tilespmem:v38+s19+$0x0], $0xffff;
	[tilespmem:s0+$0xFFFFFF20] =	vst v23  }
0x316: {  	v23 =	vld.idx.msk [tilespmem:v40+s19+$0x0], $0xffff;
	[tilespmem:s0+$0xFFFFFF30] =	vst v25  }
0x317: {  	v25 =	vld.idx.msk [tilespmem:v41+s19+$0x0], $0xffff;
	[tilespmem:s0+$0x70] =	vst v21  }
0x318: {  	[tilespmem:s0+$0xFFFFFF40] =	vst v22;
	v21 =	vld.idx.msk [tilespmem:v26+s19+$0x0], $0xffff  }
0x319: {  	v22 =	vld.idx.msk [tilespmem:v42+s19+$0x0], $0xffff;
	[tilespmem:s0+$0xFFFFFF50] =	vst v24  }
0x31a: {  	v26 =	vor.u32 $0x300, v3;
	v24 =	vld.idx.msk [tilespmem:v43+s19+$0x0], $0xffff;
	[tilespmem:s0+$0xFFFFFF60] =	vst v27  }
0x31b: {  	[tilespmem:s0+$0xFFFFFF80] =	vst v28;
	v27 =	vld.idx.msk [tilespmem:v44+s19+$0x0], $0xffff  }
0x31c: {  	[tilespmem:s0+$0xFFFFFF90] =	vst v23;
	v23 =	vld.idx.msk [tilespmem:v45+s19+$0x0], $0xffff  }
0x31d: {  	v28 =	vld.idx.msk [tilespmem:v46+s19+$0x0], $0xffff;
	[tilespmem:s0+$0xFFFFFFA0] =	vst v25  }
0x31e: {  	v25 =	vld.idx.msk [tilespmem:v47+s19+$0x0], $0xffff;
	[tilespmem:s0+$0xF0] =	vst v21  }
0x31f: {  	[tilespmem:s0+$0xFFFFFFB0] =	vst v22;
	v21 =	vld.idx.msk [tilespmem:v26+s19+$0x0], $0xffff  }
0x320: {  	v22 =	vld.idx.msk [tilespmem:v48+s19+$0x0], $0xffff;
	[tilespmem:s0+$0xFFFFFFC0] =	vst v24  }
0x321: {  	v3 =	vor.u32 $0x380, v3;
	v24 =	vld.idx.msk [tilespmem:v49+s19+$0x0], $0xffff;
	[tilespmem:s0+$0xFFFFFFD0] =	vst v27  }
0x322: {  	v26 =	vld.idx.msk [tilespmem:v50+s19+$0x0], $0xffff;
	[tilespmem:s0+$0xFFFFFFE0] =	vst v23  }
0x323: {  	[tilespmem:s0+$0x0] =	vst v28;
	v23 =	vld.idx.msk [tilespmem:v51+s19+$0x0], $0xffff  }
0x324: {  	[tilespmem:s0+$0x10] =	vst v25;
	v25 =	vld.idx.msk [tilespmem:v53+s19+$0x0], $0xffff  }
0x325: {  	v27 =	vld.idx.msk [tilespmem:v52+s19+$0x0], $0xffff;
	[tilespmem:s0+$0x170] =	vst v21  }
0x326: {  	[tilespmem:s0+$0x20] =	vst v22;
	v3 =	vld.idx.msk [tilespmem:v3+s19+$0x0], $0xffff  }
0x327: {  	v18 =	vld.idx.msk [tilespmem:v18+s19+$0x0], $0xffff;
	[tilespmem:s0+$0x30] =	vst v24  }
0x328: {  	v20 =	vld.idx.msk [tilespmem:v20+s19+$0x0], $0xffff;
	[tilespmem:s0+$0x40] =	vst v26  }
0x329: {  	v19 =	vld.idx.msk [tilespmem:v19+s19+$0x0], $0xffff;
	[tilespmem:s0+$0x50] =	vst v23  }
0x32a: {  	v21 =	vld.idx.msk [tilespmem:v15+s19+$0x0], $0xffff;
	[tilespmem:s0+$0x60] =	vst v25  }
0x32b: {  	[tilespmem:s0+$0x80] =	vst v27;
	v17 =	vld.idx.msk [tilespmem:v17+s19+$0x0], $0xffff  }
0x32c: {  	v15 =	vld.idx.msk [tilespmem:v16+s19+$0x0], $0xffff;
	[tilespmem:s0+$0x1F0] =	vst v3  }
.Ltmp4:
0x32d: {  	v14 =	vld.idx.msk [tilespmem:v14+s19+$0x0], $0xffff;
	[tilespmem:s0+$0x90] =	vst v18;
	(pc) =	sbr.rel @p0 .LBB2_11-.Ltmp4, $4  }
0x32e: {  	v13 =	vld.idx.msk [tilespmem:v13+s19+$0x0], $0xffff;
	[tilespmem:s0+$0xA0] =	vst v20  }
0x32f: {  	v16 =	vld.idx.msk [tilespmem:v10+s19+$0x0], $0xffff;
	[tilespmem:s0+$0xB0] =	vst v19  }
0x330: {  	v3 =	vld.idx.msk [tilespmem:v12+s19+$0x0], $0xffff;
	[tilespmem:s0+$0xC0] =	vst v21  }
0x331: {  	s8 =	sadd.s32 $0x80, s8;
	v10 =	vld.idx.msk [tilespmem:v11+s19+$0x0], $0xffff;
	[tilespmem:s0+$0xD0] =	vst v17  }
0x332: {  	_ =	sdelay $0x2  }
0x333: {  	[tilespmem:s0+$0xE0] =	vst v15  }
0x334: {  	[tilespmem:s0+$0x100] =	vst v14;
	v8 =	vld.idx.msk [tilespmem:v8+s19+$0x0], $0xffff  }
0x335: {  	[tilespmem:s0+$0x110] =	vst v13;
	v9 =	vld.idx.msk [tilespmem:v9+s19+$0x0], $0xffff  }
0x336: {  	v7 =	vld.idx.msk [tilespmem:v7+s19+$0x0], $0xffff;
	[tilespmem:s0+$0x120] =	vst v16  }
0x337: {  	[tilespmem:s0+$0x130] =	vst v3;
	v3 =	vld.idx.msk [tilespmem:v6+s19+$0x0], $0xffff  }
0x338: {  	v5 =	vld.idx.msk [tilespmem:v5+s19+$0x0], $0xffff;
	[tilespmem:s0+$0x140] =	vst v10  }
0x339: {  	v4 =	vld.idx.msk [tilespmem:v4+s19+$0x0], $0xffff;
	[tilespmem:s0+$0x150] =	vst v8  }
0x33a: {  	v2 =	vld.idx.msk [tilespmem:v2+s19+$0x0], $0xffff;
	[tilespmem:s0+$0x160] =	vst v9  }
0x33b: {  	[tilespmem:s0+$0x180] =	vst v7;
	v1 =	vld.idx.msk [tilespmem:v1+s19+$0x0], $0xffff  }
0x33c: {  	v0 =	vld.idx.msk [tilespmem:v0+s19+$0x0], $0xffff;
	[tilespmem:s1+$0x190] =	vst v3  }
0x33d: {  	[tilespmem:s1+$0x1A0] =	vst v5  }
0x33e: {  	[tilespmem:s1+$0x1B0] =	vst v4  }
0x33f: {  	s3 =	sshll.u32 s29, $0xD;
	[tilespmem:s1+$0x1C0] =	vst v2  }
0x340: {  	s0 =	sadd.s32 s6, s3;
	[tilespmem:s1+$0x1D0] =	vst v1  }
0x341: {  	s8 =	sadd.s32 s4, s0;
	[tilespmem:s1+$0x1E0] =	vst v0  }
0x342: {  	[hbm4b:s8+s5] =	stream.linear.scatter [tilespmem:s22], [sflag:$0x3], $0x4000, $0x38;
	[tilespmem:$0x19000] =	vst v63  }
0x343: {  	_ =	swait.ge [sflag:s26], $0x4000  }
0x344: {  	[sflag:s26] =	ssyncset.done $0x0  }
0x345: {  	s11 =	simm.s32 $0x870;
	[sflag:s26] =	ssyncadd.s32 $0xFFFFC000  }
0x346: {  	v0 =	vld [tilespmem:s11+$0x0];
	_ =	sdelay $0x3  }
0x347: {  	v1 =	vld [tilespmem:s11+$0xFFFFFFA0]  }
0x348: {  	v2 =	vshll.u32 v0, $0x3  }
0x349: {  	v3 =	vld [tilespmem:s11+$0xFFFFFFB0];
	v0 =	vand.u32 $0x7F, v0;
	v2 =	vand.u32 $0xFFFFFC00, v2  }
0x34a: {  	v5 =	vld [tilespmem:s11+$0xFFFFFF90];
	v4 =	vor.u32 v0, v2;
	_ =	sdelay $0x1  }
0x34b: {  	v2 =	vld [tilespmem:s11+$0xFFFFFFC0];
	v0 =	vshll.u32 v1, $0x3  }
0x34c: {  	v7 =	vld [tilespmem:s11+$0xFFFFFFE0];
	v1 =	vand.u32 $0x7F, v1;
	v8 =	vand.u32 $0xFFFFFC00, v0  }
0x34d: {  	v6 =	vld [tilespmem:s11+$0xFFFFFFD0];
	v0 =	vshll.u32 v3, $0x3;
	v1 =	vor.u32 v1, v8  }
0x34e: {  	v11 =	vor.u32 $0x80, v4;
	v9 =	vand.u32 $0xFFFFFC00, v0;
	v0 =	vshll.u32 v5, $0x3;
	v10 =	vld.idx.msk [tilespmem:v4+s19+$0x0], $0xffff  }
0x34f: {  	v12 =	vld [tilespmem:s11+$0xFFFFFFF0];
	v3 =	vand.u32 $0x7F, v3;
	v5 =	vand.u32 $0x7F, v5;
	v0 =	vand.u32 $0xFFFFFC00, v0  }
0x350: {  	v0 =	vor.u32 v5, v0;
	v13 =	vshll.u32 v2, $0x3;
	v8 =	vand.u32 $0x7F, v2  }
0x351: {  	v2 =	vor.u32 v3, v9;
	v9 =	vshll.u32 v7, $0x3;
	v5 =	vand.u32 $0xFFFFFC00, v13  }
0x352: {  	s1 =	simm.s32 $0x15200;
	v13 =	vshll.u32 v6, $0x3;
	v3 =	vor.u32 v8, v5;
	v5 =	vand.u32 $0xFFFFFC00, v9;
	v9 =	vld.idx.msk [tilespmem:v1+s19+$0x0], $0xffff  }
0x353: {  	v15 =	vor.u32 $0x80, v1;
	v6 =	vand.u32 $0x7F, v6;
	v13 =	vand.u32 $0xFFFFFC00, v13;
	[tilespmem:s1+$0xFFFFFE70] =	vst v10  }
0x354: {  	v7 =	vand.u32 $0x7F, v7;
	v8 =	vshll.u32 v12, $0x3;
	v10 =	vor.u32 v6, v13;
	v6 =	vld.idx.msk [tilespmem:v11+s19+$0x0], $0xffff  }
0x355: {  	v11 =	vor.u32 v7, v5;
	v5 =	vld.idx.msk [tilespmem:v0+s19+$0x0], $0xffff;
	v7 =	vand.u32 $0xFFFFFC00, v8;
	v8 =	vand.u32 $0x7F, v12  }
0x356: {  	v13 =	vor.u32 $0x100, v4;
	v12 =	vor.u32 v8, v7;
	v7 =	vld.idx.msk [tilespmem:v2+s19+$0x0], $0xffff  }
0x357: {  	v8 =	vor.u32 $0x80, v0;
	v14 =	vld.idx.msk [tilespmem:v3+s19+$0x0], $0xffff;
	[tilespmem:s1+$0xFFFFFE10] =	vst v9  }
0x358: {  	v15 =	vld.idx.msk [tilespmem:v15+s19+$0x0], $0xffff  }
0x359: {  	v17 =	vor.u32 $0x80, v2;
	v16 =	vld.idx.msk [tilespmem:v10+s19+$0x0], $0xffff  }
0x35a: {  	v18 =	vld.idx.msk [tilespmem:v11+s19+$0x0], $0xffff;
	[tilespmem:s1+$0xFFFFFEF0] =	vst v6;
	v6 =	vor.u32 $0x80, v3  }
0x35b: {  	[tilespmem:s1+$0xFFFFFE00] =	vst v5;
	v5 =	vld.idx.msk [tilespmem:v13+s19+$0x0], $0xffff;
	v13 =	vor.u32 $0x80, v10  }
0x35c: {  	v19 =	vor.u32 $0x80, v11;
	v8 =	vld.idx.msk [tilespmem:v8+s19+$0x0], $0xffff;
	[tilespmem:s1+$0xFFFFFE20] =	vst v7  }
0x35d: {  	v9 =	vld.idx.msk [tilespmem:v12+s19+$0x0], $0xffff;
	v7 =	vor.u32 $0x180, v4;
	[tilespmem:s1+$0xFFFFFE30] =	vst v14  }
0x35e: {  	v14 =	vor.u32 $0x80, v12;
	v17 =	vld.idx.msk [tilespmem:v17+s19+$0x0], $0xffff;
	[tilespmem:s1+$0xFFFFFE40] =	vst v16  }
0x35f: {  	v16 =	vor.u32 $0x100, v0;
	v6 =	vld.idx.msk [tilespmem:v6+s19+$0x0], $0xffff;
	[tilespmem:s1+$0xFFFFFE50] =	vst v18  }
0x360: {  	v18 =	vor.u32 $0x100, v1;
	v13 =	vld.idx.msk [tilespmem:v13+s19+$0x0], $0xffff;
	[tilespmem:s1+$0xFFFFFF70] =	vst v5  }
0x361: {  	v5 =	vor.u32 $0x100, v2;
	[tilespmem:s1+$0xFFFFFE80] =	vst v8;
	v8 =	vld.idx.msk [tilespmem:v19+s19+$0x0], $0xffff  }
0x362: {  	[tilespmem:s1+$0xFFFFFE60] =	vst v9;
	v9 =	vor.u32 $0x100, v3;
	v7 =	vld.idx.msk [tilespmem:v7+s19+$0x0], $0xffff  }
0x363: {  	[tilespmem:s1+$0xFFFFFE90] =	vst v15;
	v19 =	vor.u32 $0x100, v10;
	v14 =	vld.idx.msk [tilespmem:v14+s19+$0x0], $0xffff  }
0x364: {  	[tilespmem:s1+$0xFFFFFEA0] =	vst v17;
	v17 =	vor.u32 $0x100, v11;
	v16 =	vld.idx.msk [tilespmem:v16+s19+$0x0], $0xffff  }
0x365: {  	v15 =	vor.u32 $0x200, v4;
	v18 =	vld.idx.msk [tilespmem:v18+s19+$0x0], $0xffff;
	[tilespmem:s1+$0xFFFFFEB0] =	vst v6  }
0x366: {  	v6 =	vor.u32 $0x100, v12;
	v5 =	vld.idx.msk [tilespmem:v5+s19+$0x0], $0xffff;
	[tilespmem:s1+$0xFFFFFEC0] =	vst v13  }
0x367: {  	v13 =	vor.u32 $0x180, v0;
	v9 =	vld.idx.msk [tilespmem:v9+s19+$0x0], $0xffff;
	[tilespmem:s1+$0xFFFFFED0] =	vst v8  }
0x368: {  	[tilespmem:s1+$0xFFFFFFF0] =	vst v7;
	v7 =	vor.u32 $0x180, v1;
	v19 =	vld.idx.msk [tilespmem:v19+s19+$0x0], $0xffff  }
0x369: {  	[tilespmem:s1+$0xFFFFFEE0] =	vst v14;
	v14 =	vld.idx.msk [tilespmem:v17+s19+$0x0], $0xffff;
	v17 =	vor.u32 $0x180, v3  }
0x36a: {  	v8 =	vld.idx.msk [tilespmem:v15+s19+$0x0], $0xffff;
	v15 =	vor.u32 $0x180, v2;
	[tilespmem:s1+$0xFFFFFF00] =	vst v16  }
0x36b: {  	v16 =	vor.u32 $0x280, v4;
	[tilespmem:s1+$0xFFFFFF10] =	vst v18;
	v6 =	vld.idx.msk [tilespmem:v6+s19+$0x0], $0xffff  }
0x36c: {  	v18 =	vor.u32 $0x180, v10;
	v13 =	vld.idx.msk [tilespmem:v13+s19+$0x0], $0xffff;
	[tilespmem:s1+$0xFFFFFF20] =	vst v5  }
0x36d: {  	v5 =	vor.u32 $0x180, v11;
	[tilespmem:s1+$0xFFFFFF30] =	vst v9;
	v7 =	vld.idx.msk [tilespmem:v7+s19+$0x0], $0xffff  }
0x36e: {  	v9 =	vor.u32 $0x180, v12;
	[tilespmem:s1+$0xFFFFFF40] =	vst v19;
	v17 =	vld.idx.msk [tilespmem:v17+s19+$0x0], $0xffff  }
0x36f: {  	v15 =	vld.idx.msk [tilespmem:v15+s19+$0x0], $0xffff;
	[tilespmem:s1+$0x70] =	vst v8;
	v8 =	vor.u32 $0x200, v0  }
0x370: {  	v19 =	vor.u32 $0x200, v1;
	[tilespmem:s1+$0xFFFFFF50] =	vst v14;
	v16 =	vld.idx.msk [tilespmem:v16+s19+$0x0], $0xffff  }
0x371: {  	v14 =	vld.idx.msk [tilespmem:v18+s19+$0x0], $0xffff;
	[tilespmem:s1+$0xFFFFFF60] =	vst v6;
	v6 =	vor.u32 $0x300, v4  }
0x372: {  	v18 =	vor.u32 $0x200, v2;
	[tilespmem:s1+$0xFFFFFF80] =	vst v13;
	v5 =	vld.idx.msk [tilespmem:v5+s19+$0x0], $0xffff  }
0x373: {  	v13 =	vor.u32 $0x200, v3;
	[tilespmem:s1+$0xFFFFFF90] =	vst v7;
	v7 =	vld.idx.msk [tilespmem:v9+s19+$0x0], $0xffff  }
0x374: {  	v9 =	vor.u32 $0x200, v10;
	v8 =	vld.idx.msk [tilespmem:v8+s19+$0x0], $0xffff;
	[tilespmem:s1+$0xFFFFFFA0] =	vst v15  }
0x375: {  	v15 =	vor.u32 $0x200, v11;
	v19 =	vld.idx.msk [tilespmem:v19+s19+$0x0], $0xffff;
	[tilespmem:s1+$0xF0] =	vst v16  }
0x376: {  	[tilespmem:s1+$0xFFFFFFB0] =	vst v17;
	v16 =	vor.u32 $0x200, v12;
	v6 =	vld.idx.msk [tilespmem:v6+s19+$0x0], $0xffff  }
0x377: {  	v17 =	vor.u32 $0x280, v0;
	v18 =	vld.idx.msk [tilespmem:v18+s19+$0x0], $0xffff;
	[tilespmem:s1+$0xFFFFFFC0] =	vst v14  }
0x378: {  	v4 =	vor.u32 $0x380, v4;
	v13 =	vld.idx.msk [tilespmem:v13+s19+$0x0], $0xffff;
	[tilespmem:s1+$0xFFFFFFD0] =	vst v5  }
0x379: {  	v5 =	vor.u32 $0x280, v1;
	v9 =	vld.idx.msk [tilespmem:v9+s19+$0x0], $0xffff;
	[tilespmem:s1+$0xFFFFFFE0] =	vst v7  }
0x37a: {  	v7 =	vor.u32 $0x280, v2;
	[tilespmem:s1+$0x0] =	vst v8;
	v8 =	vld.idx.msk [tilespmem:v15+s19+$0x0], $0xffff  }
0x37b: {  	v14 =	vor.u32 $0x280, v3;
	[tilespmem:s1+$0x10] =	vst v19;
	v15 =	vld.idx.msk [tilespmem:v16+s19+$0x0], $0xffff  }
0x37c: {  	v16 =	vor.u32 $0x280, v10;
	v17 =	vld.idx.msk [tilespmem:v17+s19+$0x0], $0xffff;
	[tilespmem:s1+$0x170] =	vst v6  }
0x37d: {  	v6 =	vor.u32 $0x280, v11;
	[tilespmem:s1+$0x20] =	vst v18;
	v4 =	vld.idx.msk [tilespmem:v4+s19+$0x0], $0xffff  }
0x37e: {  	v18 =	vor.u32 $0x280, v12;
	v5 =	vld.idx.msk [tilespmem:v5+s19+$0x0], $0xffff;
	[tilespmem:s1+$0x30] =	vst v13  }
0x37f: {  	v13 =	vor.u32 $0x300, v0;
	v7 =	vld.idx.msk [tilespmem:v7+s19+$0x0], $0xffff;
	[tilespmem:s1+$0x40] =	vst v9  }
0x380: {  	v9 =	vor.u32 $0x300, v1;
	v19 =	vld.idx.msk [tilespmem:v14+s19+$0x0], $0xffff;
	[tilespmem:s1+$0x50] =	vst v8  }
0x381: {  	v20 =	vor.u32 $0x300, v2;
	v21 =	vld.idx.msk [tilespmem:v16+s19+$0x0], $0xffff;
	[tilespmem:s1+$0x60] =	vst v15  }
0x382: {  	v22 =	vor.u32 $0x300, v3;
	[tilespmem:s1+$0x80] =	vst v17;
	v17 =	vld.idx.msk [tilespmem:v6+s19+$0x0], $0xffff  }
0x383: {  	v23 =	vor.u32 $0x300, v10;
	v15 =	vld.idx.msk [tilespmem:v18+s19+$0x0], $0xffff;
	[tilespmem:s1+$0x1F0] =	vst v4  }
0x384: {  	v14 =	vld.idx.msk [tilespmem:v13+s19+$0x0], $0xffff;
	[tilespmem:s1+$0x90] =	vst v5  }
0x385: {  	v13 =	vld.idx.msk [tilespmem:v9+s19+$0x0], $0xffff;
	[tilespmem:s1+$0xA0] =	vst v7  }
0x386: {  	v8 =	vor.u32 $0x300, v11;
	v6 =	vor.u32 $0x380, v1;
	v1 =	vor.u32 $0x380, v11;
	[tilespmem:s1+$0xB0] =	vst v19;
	v16 =	vld.idx.msk [tilespmem:v20+s19+$0x0], $0xffff  }
0x387: {  	v5 =	vor.u32 $0x380, v2;
	v4 =	vor.u32 $0x380, v3;
	v2 =	vor.u32 $0x380, v10;
	v3 =	vld.idx.msk [tilespmem:v22+s19+$0x0], $0xffff;
	[tilespmem:s1+$0xC0] =	vst v21  }
0x388: {  	s3 =	simm.s32 $0x15200;
	s8 =	simm.s32 $0x0;
	s11 =	simm.s32 $0x8F0;
	v7 =	vor.u32 $0x380, v0;
	v9 =	vor.u32 $0x300, v12;
	v0 =	vor.u32 $0x380, v12;
	v10 =	vld.idx.msk [tilespmem:v23+s19+$0x0], $0xffff;
	[tilespmem:s1+$0xD0] =	vst v17  }
.LBB2_13:
0x389: {  	v11 =	vld [tilespmem:s11+$0x0];
	s8 =	sadd.s32 $0x8, s8;
	[tilespmem:s1+$0xE0] =	vst v15  }
0x38a: {  	v12 =	vld [tilespmem:s11+$0xFFFFFFA0];
	p0 =	slt.u32 s8, $0x78;
	[tilespmem:s1+$0x100] =	vst v14  }
0x38b: {  	v14 =	vld [tilespmem:s11+$0xFFFFFFB0];
	[tilespmem:s1+$0x110] =	vst v13  }
0x38c: {  	v13 =	vld [tilespmem:s11+$0xFFFFFFC0];
	[tilespmem:s1+$0x120] =	vst v16  }
0x38d: {  	v15 =	vld [tilespmem:s11+$0xFFFFFFD0];
	[tilespmem:s1+$0x130] =	vst v3  }
0x38e: {  	v16 =	vld [tilespmem:s11+$0xFFFFFFE0];
	v3 =	vshll.u32 v11, $0x3;
	[tilespmem:s1+$0x140] =	vst v10  }
0x38f: {  	v11 =	vand.u32 $0x7F, v11;
	v10 =	vshll.u32 v12, $0x3;
	v17 =	vld [tilespmem:s11+$0xFFFFFFF0];
	v3 =	vand.u32 $0xFFFFFC00, v3  }
0x390: {  	v18 =	vld [tilespmem:s11+$0xFFFFFF90];
	v10 =	vand.u32 $0xFFFFFC00, v10;
	v19 =	vshll.u32 v14, $0x3;
	v3 =	vor.u32 v11, v3  }
0x391: {  	v11 =	vand.u32 $0x7F, v12;
	v12 =	vand.u32 $0xFFFFFC00, v19;
	v19 =	vshll.u32 v13, $0x3;
	v8 =	vld.idx.msk [tilespmem:v8+s19+$0x0], $0xffff  }
0x392: {  	v14 =	vand.u32 $0x7F, v14;
	v19 =	vand.u32 $0xFFFFFC00, v19;
	v20 =	vshll.u32 v15, $0x3;
	v9 =	vld.idx.msk [tilespmem:v9+s19+$0x0], $0xffff  }
0x393: {  	v13 =	vand.u32 $0x7F, v13;
	v20 =	vand.u32 $0xFFFFFC00, v20;
	v21 =	vshll.u32 v16, $0x3;
	v7 =	vld.idx.msk [tilespmem:v7+s19+$0x0], $0xffff  }
0x394: {  	v15 =	vand.u32 $0x7F, v15;
	v21 =	vand.u32 $0xFFFFFC00, v21;
	v22 =	vshll.u32 v17, $0x3;
	v6 =	vld.idx.msk [tilespmem:v6+s19+$0x0], $0xffff  }
0x395: {  	v23 =	vand.u32 $0x7F, v18;
	v18 =	vshll.u32 v18, $0x3;
	v22 =	vand.u32 $0xFFFFFC00, v22;
	v24 =	vld.idx.msk [tilespmem:v3+s19+$0x0], $0xffff  }
0x396: {  	v16 =	vand.u32 $0x7F, v16;
	v17 =	vand.u32 $0x7F, v17;
	v18 =	vand.u32 $0xFFFFFC00, v18;
	v5 =	vld.idx.msk [tilespmem:v5+s19+$0x0], $0xffff  }
0x397: {  	v25 =	vor.u32 v11, v10;
	v10 =	vor.u32 $0x80, v3;
	v23 =	vor.u32 v23, v18;
	v4 =	vld.idx.msk [tilespmem:v4+s19+$0x0], $0xffff;
	[tilespmem:s1+$0x150] =	vst v8  }
0x398: {  	v26 =	vor.u32 v14, v12;
	v27 =	vor.u32 v13, v19;
	v28 =	vor.u32 v15, v20;
	[tilespmem:s1+$0x160] =	vst v9  }
0x399: {  	v21 =	vor.u32 v16, v21;
	v22 =	vor.u32 v17, v22;
	v8 =	vor.u32 $0x80, v23;
	[tilespmem:s1+$0x180] =	vst v7;
	v2 =	vld.idx.msk [tilespmem:v2+s19+$0x0], $0xffff  }
0x39a: {  	v29 =	vor.u32 $0x80, v27;
	v9 =	vor.u32 $0x80, v26;
	v7 =	vor.u32 $0x80, v25;
	s1 =	sadd.s32 $0x400, s1;
	[tilespmem:s3+$0x190] =	vst v6;
	v1 =	vld.idx.msk [tilespmem:v1+s19+$0x0], $0xffff  }
0x39b: {  	v30 =	vor.u32 $0x80, v28;
	v31 =	vor.u32 $0x80, v21;
	v32 =	vor.u32 $0x80, v22;
	[tilespmem:s1+$0xFFFFFE70] =	vst v24;
	v0 =	vld.idx.msk [tilespmem:v0+s19+$0x0], $0xffff  }
0x39c: {  	v33 =	vor.u32 $0x100, v25;
	v34 =	vor.u32 $0x100, v26;
	v24 =	vor.u32 $0x100, v23;
	v6 =	vld.idx.msk [tilespmem:v10+s19+$0x0], $0xffff;
	[tilespmem:s3+$0x1A0] =	vst v5  }
0x39d: {  	v35 =	vor.u32 $0x100, v27;
	v36 =	vor.u32 $0x100, v28;
	v37 =	vor.u32 $0x100, v21;
	v5 =	vld.idx.msk [tilespmem:v23+s19+$0x0], $0xffff;
	[tilespmem:s3+$0x1B0] =	vst v4  }
0x39e: {  	v39 =	vor.u32 $0x100, v22;
	v38 =	vor.u32 $0x180, v23;
	v10 =	vor.u32 $0x100, v3;
	v4 =	vld.idx.msk [tilespmem:v25+s19+$0x0], $0xffff  }
0x39f: {  	v40 =	vor.u32 $0x180, v25;
	v41 =	vor.u32 $0x180, v26;
	v42 =	vor.u32 $0x180, v27;
	v11 =	vld.idx.msk [tilespmem:v26+s19+$0x0], $0xffff;
	[tilespmem:s3+$0x1C0] =	vst v2  }
0x3a0: {  	v43 =	vor.u32 $0x180, v28;
	v44 =	vor.u32 $0x180, v21;
	v45 =	vor.u32 $0x180, v22;
	v2 =	vld.idx.msk [tilespmem:v27+s19+$0x0], $0xffff;
	[tilespmem:s3+$0x1D0] =	vst v1  }
0x3a1: {  	v47 =	vor.u32 $0x200, v25;
	v48 =	vor.u32 $0x200, v26;
	v46 =	vor.u32 $0x200, v23;
	v1 =	vld.idx.msk [tilespmem:v28+s19+$0x0], $0xffff;
	[tilespmem:s3+$0x1E0] =	vst v0;
	s3 =	smov.u32 s1  }
0x3a2: {  	v49 =	vor.u32 $0x200, v27;
	v50 =	vor.u32 $0x200, v28;
	v51 =	vor.u32 $0x200, v21;
	v0 =	vld.idx.msk [tilespmem:v21+s19+$0x0], $0xffff;
	[tilespmem:s1+$0xFFFFFEF0] =	vst v6  }
0x3a3: {  	v18 =	vor.u32 $0x280, v25;
	v53 =	vor.u32 $0x200, v22;
	v52 =	vor.u32 $0x280, v23;
	[tilespmem:s1+$0xFFFFFE00] =	vst v5;
	v54 =	vld.idx.msk [tilespmem:v10+s19+$0x0], $0xffff  }
0x3a4: {  	v20 =	vor.u32 $0x280, v26;
	v19 =	vor.u32 $0x280, v27;
	v15 =	vor.u32 $0x280, v28;
	[tilespmem:s1+$0xFFFFFE10] =	vst v4;
	v55 =	vld.idx.msk [tilespmem:v22+s19+$0x0], $0xffff  }
0x3a5: {  	v57 =	vor.u32 $0x180, v3;
	v17 =	vor.u32 $0x280, v21;
	v16 =	vor.u32 $0x280, v22;
	v56 =	vld.idx.msk [tilespmem:v8+s19+$0x0], $0xffff;
	[tilespmem:s1+$0xFFFFFE20] =	vst v11  }
0x3a6: {  	v13 =	vor.u32 $0x300, v25;
	v14 =	vor.u32 $0x300, v23;
	v10 =	vor.u32 $0x300, v26;
	v58 =	vld.idx.msk [tilespmem:v7+s19+$0x0], $0xffff;
	[tilespmem:s1+$0xFFFFFE30] =	vst v2  }
0x3a7: {  	v12 =	vor.u32 $0x300, v27;
	v11 =	vor.u32 $0x300, v28;
	v8 =	vor.u32 $0x300, v21;
	v59 =	vld.idx.msk [tilespmem:v9+s19+$0x0], $0xffff;
	[tilespmem:s1+$0xFFFFFE40] =	vst v1  }
0x3a8: {  	v6 =	vor.u32 $0x380, v25;
	v7 =	vor.u32 $0x380, v23;
	v9 =	vor.u32 $0x300, v22;
	v23 =	vld.idx.msk [tilespmem:v29+s19+$0x0], $0xffff;
	[tilespmem:s1+$0xFFFFFE50] =	vst v0  }
0x3a9: {  	v5 =	vor.u32 $0x380, v26;
	v4 =	vor.u32 $0x380, v27;
	v2 =	vor.u32 $0x380, v28;
	v25 =	vld.idx.msk [tilespmem:v30+s19+$0x0], $0xffff;
	[tilespmem:s1+$0xFFFFFF70] =	vst v54  }
0x3aa: {  	v1 =	vor.u32 $0x380, v21;
	v0 =	vor.u32 $0x380, v22;
	[tilespmem:s1+$0xFFFFFE60] =	vst v55;
	v21 =	vld.idx.msk [tilespmem:v57+s19+$0x0], $0xffff  }
0x3ab: {  	[tilespmem:s1+$0xFFFFFE80] =	vst v56;
	v22 =	vld.idx.msk [tilespmem:v31+s19+$0x0], $0xffff  }
0x3ac: {  	v27 =	vor.u32 $0x200, v3;
	[tilespmem:s1+$0xFFFFFE90] =	vst v58;
	v26 =	vld.idx.msk [tilespmem:v32+s19+$0x0], $0xffff  }
0x3ad: {  	v24 =	vld.idx.msk [tilespmem:v24+s19+$0x0], $0xffff;
	[tilespmem:s1+$0xFFFFFEA0] =	vst v59  }
0x3ae: {  	v28 =	vld.idx.msk [tilespmem:v33+s19+$0x0], $0xffff;
	[tilespmem:s1+$0xFFFFFEB0] =	vst v23  }
0x3af: {  	v23 =	vld.idx.msk [tilespmem:v34+s19+$0x0], $0xffff;
	[tilespmem:s1+$0xFFFFFEC0] =	vst v25  }
0x3b0: {  	v25 =	vld.idx.msk [tilespmem:v35+s19+$0x0], $0xffff;
	[tilespmem:s1+$0xFFFFFFF0] =	vst v21  }
0x3b1: {  	[tilespmem:s1+$0xFFFFFED0] =	vst v22;
	v21 =	vld.idx.msk [tilespmem:v27+s19+$0x0], $0xffff  }
0x3b2: {  	v22 =	vld.idx.msk [tilespmem:v36+s19+$0x0], $0xffff;
	[tilespmem:s1+$0xFFFFFEE0] =	vst v26  }
0x3b3: {  	v26 =	vor.u32 $0x280, v3;
	[tilespmem:s1+$0xFFFFFF00] =	vst v24;
	v24 =	vld.idx.msk [tilespmem:v37+s19+$0x0], $0xffff  }
0x3b4: {  	[tilespmem:s1+$0xFFFFFF10] =	vst v28;
	v27 =	vld.idx.msk [tilespmem:v39+s19+$0x0], $0xffff  }
0x3b5: {  	v28 =	vld.idx.msk [tilespmem:v38+s19+$0x0], $0xffff;
	[tilespmem:s1+$0xFFFFFF20] =	vst v23  }
0x3b6: {  	v23 =	vld.idx.msk [tilespmem:v40+s19+$0x0], $0xffff;
	[tilespmem:s1+$0xFFFFFF30] =	vst v25  }
0x3b7: {  	v25 =	vld.idx.msk [tilespmem:v41+s19+$0x0], $0xffff;
	[tilespmem:s1+$0x70] =	vst v21  }
0x3b8: {  	[tilespmem:s1+$0xFFFFFF40] =	vst v22;
	v21 =	vld.idx.msk [tilespmem:v26+s19+$0x0], $0xffff  }
0x3b9: {  	v22 =	vld.idx.msk [tilespmem:v42+s19+$0x0], $0xffff;
	[tilespmem:s1+$0xFFFFFF50] =	vst v24  }
0x3ba: {  	v26 =	vor.u32 $0x300, v3;
	v24 =	vld.idx.msk [tilespmem:v43+s19+$0x0], $0xffff;
	[tilespmem:s1+$0xFFFFFF60] =	vst v27  }
0x3bb: {  	[tilespmem:s1+$0xFFFFFF80] =	vst v28;
	v27 =	vld.idx.msk [tilespmem:v44+s19+$0x0], $0xffff  }
0x3bc: {  	[tilespmem:s1+$0xFFFFFF90] =	vst v23;
	v23 =	vld.idx.msk [tilespmem:v45+s19+$0x0], $0xffff  }
0x3bd: {  	v28 =	vld.idx.msk [tilespmem:v46+s19+$0x0], $0xffff;
	[tilespmem:s1+$0xFFFFFFA0] =	vst v25  }
0x3be: {  	v25 =	vld.idx.msk [tilespmem:v47+s19+$0x0], $0xffff;
	[tilespmem:s1+$0xF0] =	vst v21  }
0x3bf: {  	[tilespmem:s1+$0xFFFFFFB0] =	vst v22;
	v21 =	vld.idx.msk [tilespmem:v26+s19+$0x0], $0xffff  }
0x3c0: {  	v22 =	vld.idx.msk [tilespmem:v48+s19+$0x0], $0xffff;
	[tilespmem:s1+$0xFFFFFFC0] =	vst v24  }
0x3c1: {  	v3 =	vor.u32 $0x380, v3;
	v24 =	vld.idx.msk [tilespmem:v49+s19+$0x0], $0xffff;
	[tilespmem:s1+$0xFFFFFFD0] =	vst v27  }
0x3c2: {  	v26 =	vld.idx.msk [tilespmem:v50+s19+$0x0], $0xffff;
	[tilespmem:s1+$0xFFFFFFE0] =	vst v23  }
0x3c3: {  	[tilespmem:s1+$0x0] =	vst v28;
	v23 =	vld.idx.msk [tilespmem:v51+s19+$0x0], $0xffff  }
0x3c4: {  	[tilespmem:s1+$0x10] =	vst v25;
	v25 =	vld.idx.msk [tilespmem:v53+s19+$0x0], $0xffff  }
0x3c5: {  	v27 =	vld.idx.msk [tilespmem:v52+s19+$0x0], $0xffff;
	[tilespmem:s1+$0x170] =	vst v21  }
0x3c6: {  	[tilespmem:s1+$0x20] =	vst v22;
	v3 =	vld.idx.msk [tilespmem:v3+s19+$0x0], $0xffff  }
0x3c7: {  	v18 =	vld.idx.msk [tilespmem:v18+s19+$0x0], $0xffff;
	[tilespmem:s1+$0x30] =	vst v24  }
0x3c8: {  	v20 =	vld.idx.msk [tilespmem:v20+s19+$0x0], $0xffff;
	[tilespmem:s1+$0x40] =	vst v26  }
0x3c9: {  	v19 =	vld.idx.msk [tilespmem:v19+s19+$0x0], $0xffff;
	[tilespmem:s1+$0x50] =	vst v23  }
0x3ca: {  	v21 =	vld.idx.msk [tilespmem:v15+s19+$0x0], $0xffff;
	[tilespmem:s1+$0x60] =	vst v25  }
0x3cb: {  	[tilespmem:s1+$0x80] =	vst v27;
	v17 =	vld.idx.msk [tilespmem:v17+s19+$0x0], $0xffff  }
0x3cc: {  	v15 =	vld.idx.msk [tilespmem:v16+s19+$0x0], $0xffff;
	[tilespmem:s1+$0x1F0] =	vst v3  }
.Ltmp5:
0x3cd: {  	v14 =	vld.idx.msk [tilespmem:v14+s19+$0x0], $0xffff;
	[tilespmem:s1+$0x90] =	vst v18;
	(pc) =	sbr.rel @p0 .LBB2_13-.Ltmp5, $4  }
0x3ce: {  	v13 =	vld.idx.msk [tilespmem:v13+s19+$0x0], $0xffff;
	[tilespmem:s1+$0xA0] =	vst v20  }
0x3cf: {  	v16 =	vld.idx.msk [tilespmem:v10+s19+$0x0], $0xffff;
	[tilespmem:s1+$0xB0] =	vst v19  }
0x3d0: {  	v3 =	vld.idx.msk [tilespmem:v12+s19+$0x0], $0xffff;
	[tilespmem:s1+$0xC0] =	vst v21  }
0x3d1: {  	s11 =	sadd.s32 $0x80, s11;
	v10 =	vld.idx.msk [tilespmem:v11+s19+$0x0], $0xffff;
	[tilespmem:s1+$0xD0] =	vst v17  }
0x3d2: {  	_ =	sdelay $0x2  }
0x3d3: {  	[tilespmem:s1+$0xE0] =	vst v15  }
0x3d4: {  	[tilespmem:s1+$0x100] =	vst v14;
	v8 =	vld.idx.msk [tilespmem:v8+s19+$0x0], $0xffff  }
0x3d5: {  	[tilespmem:s1+$0x110] =	vst v13;
	v9 =	vld.idx.msk [tilespmem:v9+s19+$0x0], $0xffff  }
0x3d6: {  	v7 =	vld.idx.msk [tilespmem:v7+s19+$0x0], $0xffff;
	[tilespmem:s1+$0x120] =	vst v16  }
0x3d7: {  	[tilespmem:s1+$0x130] =	vst v3;
	v3 =	vld.idx.msk [tilespmem:v6+s19+$0x0], $0xffff  }
0x3d8: {  	v5 =	vld.idx.msk [tilespmem:v5+s19+$0x0], $0xffff;
	[tilespmem:s1+$0x140] =	vst v10  }
0x3d9: {  	v4 =	vld.idx.msk [tilespmem:v4+s19+$0x0], $0xffff;
	[tilespmem:s1+$0x150] =	vst v8  }
0x3da: {  	v2 =	vld.idx.msk [tilespmem:v2+s19+$0x0], $0xffff;
	[tilespmem:s1+$0x160] =	vst v9  }
0x3db: {  	[tilespmem:s1+$0x180] =	vst v7;
	v1 =	vld.idx.msk [tilespmem:v1+s19+$0x0], $0xffff  }
0x3dc: {  	v0 =	vld.idx.msk [tilespmem:v0+s19+$0x0], $0xffff;
	[tilespmem:s3+$0x190] =	vst v3  }
0x3dd: {  	[tilespmem:s3+$0x1A0] =	vst v5  }
0x3de: {  	[tilespmem:s3+$0x1B0] =	vst v4  }
0x3df: {  	[tilespmem:s3+$0x1C0] =	vst v2  }
0x3e0: {  	[tilespmem:s3+$0x1D0] =	vst v1  }
0x3e1: {  	s0 =	sadd.s32 s0, s9;
	p0 =	seq.s32 s29, $0xF;
	[tilespmem:s3+$0x1E0] =	vst v0  }
0x3e2: {  	[hbm4b:s0+s5] =	stream.linear.scatter [tilespmem:s23], [sflag:$0x4], $0x4000, $0x38;
	[tilespmem:$0x19000] =	vst v63  }
0x3e3: {  	s0 =	sadd.s32 @!p0 s31, s16  }
0x3e4: {  	s0 =	sshll.u32 @!p0 s0, $0xC  }
0x3e5: {  	s0 =	sand.u32 @!p0 $0x1FFFE000, s0  }
0x3e6: {  	s1 =	simm.s32 @!p0 $0x0;
	s3 =	simm.s32 @!p0 $0x1000;
	s0 =	sadd.s32 @!p0 s2, s0  }
0x3e7: {  	[tilespmem:s3], [sflag:$0x1] =	stream.linear.gather @!p0 [hbm4b:s0+s1], $0x8000, $0x38;
	[tilespmem:$0x19000] =	vst v63  }
0x3e8: {  	_ =	swait.ge [sflag:s24], $0x8000  }
0x3e9: {  	[sflag:s24] =	ssyncset.done $0x0  }
0x3ea: {  	[sflag:s24] =	ssyncadd.s32 $0xFFFF8000  }
0x3eb: {  	_ =	swait.ge [sflag:s25], $0x4000  }
0x3ec: {  	[sflag:s25] =	ssyncset.done $0x0  }
0x3ed: {  	s31 =	simm.s32 $0x40;
	[sflag:s25] =	ssyncadd.s32 $0xFFFFC000  }
0x3ee: {  	v0 =	vld [tilespmem:s31+$0x30];
	_ =	sdelay $0x3  }
0x3ef: {  	v1 =	vld [tilespmem:s31+$0xFFFFFFD0]  }
0x3f0: {  	v2 =	vshll.u32 v0, $0x3  }
0x3f1: {  	v3 =	vld [tilespmem:s31+$0xFFFFFFE0];
	v0 =	vand.u32 $0x7F, v0;
	v2 =	vand.u32 $0xFFFFFC00, v2  }
0x3f2: {  	v5 =	vld [tilespmem:s31+$0xFFFFFFC0];
	v4 =	vor.u32 v0, v2;
	_ =	sdelay $0x1  }
0x3f3: {  	v2 =	vld [tilespmem:s31+$0xFFFFFFF0];
	v0 =	vshll.u32 v1, $0x3  }
0x3f4: {  	v7 =	vld [tilespmem:s31+$0x10];
	v1 =	vand.u32 $0x7F, v1;
	v8 =	vand.u32 $0xFFFFFC00, v0  }
0x3f5: {  	v6 =	vld [tilespmem:s31+$0x0];
	v0 =	vshll.u32 v3, $0x3;
	v1 =	vor.u32 v1, v8  }
0x3f6: {  	v11 =	vor.u32 $0x80, v4;
	v9 =	vand.u32 $0xFFFFFC00, v0;
	v0 =	vshll.u32 v5, $0x3;
	v10 =	vld.idx.msk [tilespmem:v4+s20+$0x0], $0xffff  }
0x3f7: {  	v12 =	vld [tilespmem:s31+$0x20];
	v3 =	vand.u32 $0x7F, v3;
	v5 =	vand.u32 $0x7F, v5;
	v0 =	vand.u32 $0xFFFFFC00, v0  }
0x3f8: {  	v0 =	vor.u32 v5, v0;
	v13 =	vshll.u32 v2, $0x3;
	v8 =	vand.u32 $0x7F, v2  }
0x3f9: {  	v2 =	vor.u32 v3, v9;
	v9 =	vshll.u32 v7, $0x3;
	v5 =	vand.u32 $0xFFFFFC00, v13  }
0x3fa: {  	s0 =	simm.s32 $0x11200;
	v13 =	vshll.u32 v6, $0x3;
	v3 =	vor.u32 v8, v5;
	v5 =	vand.u32 $0xFFFFFC00, v9;
	v9 =	vld.idx.msk [tilespmem:v1+s20+$0x0], $0xffff  }
0x3fb: {  	v15 =	vor.u32 $0x80, v1;
	v6 =	vand.u32 $0x7F, v6;
	v13 =	vand.u32 $0xFFFFFC00, v13;
	[tilespmem:s0+$0xFFFFFE70] =	vst v10  }
0x3fc: {  	v7 =	vand.u32 $0x7F, v7;
	v8 =	vshll.u32 v12, $0x3;
	v10 =	vor.u32 v6, v13;
	v6 =	vld.idx.msk [tilespmem:v11+s20+$0x0], $0xffff  }
0x3fd: {  	v11 =	vor.u32 v7, v5;
	v5 =	vld.idx.msk [tilespmem:v0+s20+$0x0], $0xffff;
	v7 =	vand.u32 $0xFFFFFC00, v8;
	v8 =	vand.u32 $0x7F, v12  }
0x3fe: {  	v13 =	vor.u32 $0x100, v4;
	v12 =	vor.u32 v8, v7;
	v7 =	vld.idx.msk [tilespmem:v2+s20+$0x0], $0xffff  }
0x3ff: {  	v8 =	vor.u32 $0x80, v0;
	v14 =	vld.idx.msk [tilespmem:v3+s20+$0x0], $0xffff;
	[tilespmem:s0+$0xFFFFFE10] =	vst v9  }
0x400: {  	v15 =	vld.idx.msk [tilespmem:v15+s20+$0x0], $0xffff  }
0x401: {  	v17 =	vor.u32 $0x80, v2;
	v16 =	vld.idx.msk [tilespmem:v10+s20+$0x0], $0xffff  }
0x402: {  	v18 =	vld.idx.msk [tilespmem:v11+s20+$0x0], $0xffff;
	[tilespmem:s0+$0xFFFFFEF0] =	vst v6;
	v6 =	vor.u32 $0x80, v3  }
0x403: {  	[tilespmem:s0+$0xFFFFFE00] =	vst v5;
	v5 =	vld.idx.msk [tilespmem:v13+s20+$0x0], $0xffff;
	v13 =	vor.u32 $0x80, v10  }
0x404: {  	v19 =	vor.u32 $0x80, v11;
	v8 =	vld.idx.msk [tilespmem:v8+s20+$0x0], $0xffff;
	[tilespmem:s0+$0xFFFFFE20] =	vst v7  }
0x405: {  	v9 =	vld.idx.msk [tilespmem:v12+s20+$0x0], $0xffff;
	v7 =	vor.u32 $0x180, v4;
	[tilespmem:s0+$0xFFFFFE30] =	vst v14  }
0x406: {  	v14 =	vor.u32 $0x80, v12;
	v17 =	vld.idx.msk [tilespmem:v17+s20+$0x0], $0xffff;
	[tilespmem:s0+$0xFFFFFE40] =	vst v16  }
0x407: {  	v16 =	vor.u32 $0x100, v0;
	v6 =	vld.idx.msk [tilespmem:v6+s20+$0x0], $0xffff;
	[tilespmem:s0+$0xFFFFFE50] =	vst v18  }
0x408: {  	v18 =	vor.u32 $0x100, v1;
	v13 =	vld.idx.msk [tilespmem:v13+s20+$0x0], $0xffff;
	[tilespmem:s0+$0xFFFFFF70] =	vst v5  }
0x409: {  	v5 =	vor.u32 $0x100, v2;
	[tilespmem:s0+$0xFFFFFE80] =	vst v8;
	v8 =	vld.idx.msk [tilespmem:v19+s20+$0x0], $0xffff  }
0x40a: {  	[tilespmem:s0+$0xFFFFFE60] =	vst v9;
	v9 =	vor.u32 $0x100, v3;
	v7 =	vld.idx.msk [tilespmem:v7+s20+$0x0], $0xffff  }
0x40b: {  	[tilespmem:s0+$0xFFFFFE90] =	vst v15;
	v19 =	vor.u32 $0x100, v10;
	v14 =	vld.idx.msk [tilespmem:v14+s20+$0x0], $0xffff  }
0x40c: {  	[tilespmem:s0+$0xFFFFFEA0] =	vst v17;
	v17 =	vor.u32 $0x100, v11;
	v16 =	vld.idx.msk [tilespmem:v16+s20+$0x0], $0xffff  }
0x40d: {  	v15 =	vor.u32 $0x200, v4;
	v18 =	vld.idx.msk [tilespmem:v18+s20+$0x0], $0xffff;
	[tilespmem:s0+$0xFFFFFEB0] =	vst v6  }
0x40e: {  	v6 =	vor.u32 $0x100, v12;
	v5 =	vld.idx.msk [tilespmem:v5+s20+$0x0], $0xffff;
	[tilespmem:s0+$0xFFFFFEC0] =	vst v13  }
0x40f: {  	v13 =	vor.u32 $0x180, v0;
	v9 =	vld.idx.msk [tilespmem:v9+s20+$0x0], $0xffff;
	[tilespmem:s0+$0xFFFFFED0] =	vst v8  }
0x410: {  	[tilespmem:s0+$0xFFFFFFF0] =	vst v7;
	v7 =	vor.u32 $0x180, v1;
	v19 =	vld.idx.msk [tilespmem:v19+s20+$0x0], $0xffff  }
0x411: {  	[tilespmem:s0+$0xFFFFFEE0] =	vst v14;
	v14 =	vld.idx.msk [tilespmem:v17+s20+$0x0], $0xffff;
	v17 =	vor.u32 $0x180, v3  }
0x412: {  	v8 =	vld.idx.msk [tilespmem:v15+s20+$0x0], $0xffff;
	v15 =	vor.u32 $0x180, v2;
	[tilespmem:s0+$0xFFFFFF00] =	vst v16  }
0x413: {  	v16 =	vor.u32 $0x280, v4;
	[tilespmem:s0+$0xFFFFFF10] =	vst v18;
	v6 =	vld.idx.msk [tilespmem:v6+s20+$0x0], $0xffff  }
0x414: {  	v18 =	vor.u32 $0x180, v10;
	v13 =	vld.idx.msk [tilespmem:v13+s20+$0x0], $0xffff;
	[tilespmem:s0+$0xFFFFFF20] =	vst v5  }
0x415: {  	v5 =	vor.u32 $0x180, v11;
	[tilespmem:s0+$0xFFFFFF30] =	vst v9;
	v7 =	vld.idx.msk [tilespmem:v7+s20+$0x0], $0xffff  }
0x416: {  	v9 =	vor.u32 $0x180, v12;
	[tilespmem:s0+$0xFFFFFF40] =	vst v19;
	v17 =	vld.idx.msk [tilespmem:v17+s20+$0x0], $0xffff  }
0x417: {  	v15 =	vld.idx.msk [tilespmem:v15+s20+$0x0], $0xffff;
	[tilespmem:s0+$0x70] =	vst v8;
	v8 =	vor.u32 $0x200, v0  }
0x418: {  	v19 =	vor.u32 $0x200, v1;
	[tilespmem:s0+$0xFFFFFF50] =	vst v14;
	v16 =	vld.idx.msk [tilespmem:v16+s20+$0x0], $0xffff  }
0x419: {  	v14 =	vld.idx.msk [tilespmem:v18+s20+$0x0], $0xffff;
	[tilespmem:s0+$0xFFFFFF60] =	vst v6;
	v6 =	vor.u32 $0x300, v4  }
0x41a: {  	v18 =	vor.u32 $0x200, v2;
	[tilespmem:s0+$0xFFFFFF80] =	vst v13;
	v5 =	vld.idx.msk [tilespmem:v5+s20+$0x0], $0xffff  }
0x41b: {  	v13 =	vor.u32 $0x200, v3;
	[tilespmem:s0+$0xFFFFFF90] =	vst v7;
	v7 =	vld.idx.msk [tilespmem:v9+s20+$0x0], $0xffff  }
0x41c: {  	v9 =	vor.u32 $0x200, v10;
	v8 =	vld.idx.msk [tilespmem:v8+s20+$0x0], $0xffff;
	[tilespmem:s0+$0xFFFFFFA0] =	vst v15  }
0x41d: {  	v15 =	vor.u32 $0x200, v11;
	v19 =	vld.idx.msk [tilespmem:v19+s20+$0x0], $0xffff;
	[tilespmem:s0+$0xF0] =	vst v16  }
0x41e: {  	[tilespmem:s0+$0xFFFFFFB0] =	vst v17;
	v16 =	vor.u32 $0x200, v12;
	v6 =	vld.idx.msk [tilespmem:v6+s20+$0x0], $0xffff  }
0x41f: {  	v17 =	vor.u32 $0x280, v0;
	v18 =	vld.idx.msk [tilespmem:v18+s20+$0x0], $0xffff;
	[tilespmem:s0+$0xFFFFFFC0] =	vst v14  }
0x420: {  	v4 =	vor.u32 $0x380, v4;
	v13 =	vld.idx.msk [tilespmem:v13+s20+$0x0], $0xffff;
	[tilespmem:s0+$0xFFFFFFD0] =	vst v5  }
0x421: {  	v5 =	vor.u32 $0x280, v1;
	v9 =	vld.idx.msk [tilespmem:v9+s20+$0x0], $0xffff;
	[tilespmem:s0+$0xFFFFFFE0] =	vst v7  }
0x422: {  	v7 =	vor.u32 $0x280, v2;
	[tilespmem:s0+$0x0] =	vst v8;
	v8 =	vld.idx.msk [tilespmem:v15+s20+$0x0], $0xffff  }
0x423: {  	v14 =	vor.u32 $0x280, v3;
	[tilespmem:s0+$0x10] =	vst v19;
	v15 =	vld.idx.msk [tilespmem:v16+s20+$0x0], $0xffff  }
0x424: {  	v16 =	vor.u32 $0x280, v10;
	v17 =	vld.idx.msk [tilespmem:v17+s20+$0x0], $0xffff;
	[tilespmem:s0+$0x170] =	vst v6  }
0x425: {  	v6 =	vor.u32 $0x280, v11;
	[tilespmem:s0+$0x20] =	vst v18;
	v4 =	vld.idx.msk [tilespmem:v4+s20+$0x0], $0xffff  }
0x426: {  	v18 =	vor.u32 $0x280, v12;
	v5 =	vld.idx.msk [tilespmem:v5+s20+$0x0], $0xffff;
	[tilespmem:s0+$0x30] =	vst v13  }
0x427: {  	v13 =	vor.u32 $0x300, v0;
	v7 =	vld.idx.msk [tilespmem:v7+s20+$0x0], $0xffff;
	[tilespmem:s0+$0x40] =	vst v9  }
0x428: {  	v9 =	vor.u32 $0x300, v1;
	v19 =	vld.idx.msk [tilespmem:v14+s20+$0x0], $0xffff;
	[tilespmem:s0+$0x50] =	vst v8  }
0x429: {  	v20 =	vor.u32 $0x300, v2;
	v21 =	vld.idx.msk [tilespmem:v16+s20+$0x0], $0xffff;
	[tilespmem:s0+$0x60] =	vst v15  }
0x42a: {  	v22 =	vor.u32 $0x300, v3;
	[tilespmem:s0+$0x80] =	vst v17;
	v17 =	vld.idx.msk [tilespmem:v6+s20+$0x0], $0xffff  }
0x42b: {  	v23 =	vor.u32 $0x300, v10;
	v15 =	vld.idx.msk [tilespmem:v18+s20+$0x0], $0xffff;
	[tilespmem:s0+$0x1F0] =	vst v4  }
0x42c: {  	v14 =	vld.idx.msk [tilespmem:v13+s20+$0x0], $0xffff;
	[tilespmem:s0+$0x90] =	vst v5  }
0x42d: {  	v13 =	vld.idx.msk [tilespmem:v9+s20+$0x0], $0xffff;
	[tilespmem:s0+$0xA0] =	vst v7  }
0x42e: {  	v8 =	vor.u32 $0x300, v11;
	v6 =	vor.u32 $0x380, v1;
	v1 =	vor.u32 $0x380, v11;
	[tilespmem:s0+$0xB0] =	vst v19;
	v16 =	vld.idx.msk [tilespmem:v20+s20+$0x0], $0xffff  }
0x42f: {  	v5 =	vor.u32 $0x380, v2;
	v4 =	vor.u32 $0x380, v3;
	v2 =	vor.u32 $0x380, v10;
	v3 =	vld.idx.msk [tilespmem:v22+s20+$0x0], $0xffff;
	[tilespmem:s0+$0xC0] =	vst v21  }
0x430: {  	s8 =	simm.s32 $0xC0;
	s3 =	simm.s32 $0x0;
	s1 =	simm.s32 $0x11200;
	v7 =	vor.u32 $0x380, v0;
	v9 =	vor.u32 $0x300, v12;
	v0 =	vor.u32 $0x380, v12;
	v10 =	vld.idx.msk [tilespmem:v23+s20+$0x0], $0xffff;
	[tilespmem:s0+$0xD0] =	vst v17  }
.LBB2_15:
0x431: {  	v11 =	vld [tilespmem:s8+$0x30];
	s3 =	sadd.s32 $0x8, s3;
	[tilespmem:s0+$0xE0] =	vst v15  }
0x432: {  	v12 =	vld [tilespmem:s8+$0xFFFFFFD0];
	p0 =	slt.u32 s3, $0x78;
	[tilespmem:s0+$0x100] =	vst v14  }
0x433: {  	v14 =	vld [tilespmem:s8+$0xFFFFFFE0];
	[tilespmem:s0+$0x110] =	vst v13  }
0x434: {  	v13 =	vld [tilespmem:s8+$0xFFFFFFF0];
	[tilespmem:s0+$0x120] =	vst v16  }
0x435: {  	v15 =	vld [tilespmem:s8+$0x0];
	[tilespmem:s0+$0x130] =	vst v3  }
0x436: {  	v16 =	vld [tilespmem:s8+$0x10];
	v3 =	vshll.u32 v11, $0x3;
	[tilespmem:s0+$0x140] =	vst v10  }
0x437: {  	v11 =	vand.u32 $0x7F, v11;
	v10 =	vshll.u32 v12, $0x3;
	v17 =	vld [tilespmem:s8+$0x20];
	v3 =	vand.u32 $0xFFFFFC00, v3  }
0x438: {  	v18 =	vld [tilespmem:s8+$0xFFFFFFC0];
	v10 =	vand.u32 $0xFFFFFC00, v10;
	v19 =	vshll.u32 v14, $0x3;
	v3 =	vor.u32 v11, v3  }
0x439: {  	v11 =	vand.u32 $0x7F, v12;
	v12 =	vand.u32 $0xFFFFFC00, v19;
	v19 =	vshll.u32 v13, $0x3;
	v8 =	vld.idx.msk [tilespmem:v8+s20+$0x0], $0xffff  }
0x43a: {  	v14 =	vand.u32 $0x7F, v14;
	v19 =	vand.u32 $0xFFFFFC00, v19;
	v20 =	vshll.u32 v15, $0x3;
	v9 =	vld.idx.msk [tilespmem:v9+s20+$0x0], $0xffff  }
0x43b: {  	v13 =	vand.u32 $0x7F, v13;
	v20 =	vand.u32 $0xFFFFFC00, v20;
	v21 =	vshll.u32 v16, $0x3;
	v7 =	vld.idx.msk [tilespmem:v7+s20+$0x0], $0xffff  }
0x43c: {  	v15 =	vand.u32 $0x7F, v15;
	v21 =	vand.u32 $0xFFFFFC00, v21;
	v22 =	vshll.u32 v17, $0x3;
	v6 =	vld.idx.msk [tilespmem:v6+s20+$0x0], $0xffff  }
0x43d: {  	v23 =	vand.u32 $0x7F, v18;
	v18 =	vshll.u32 v18, $0x3;
	v22 =	vand.u32 $0xFFFFFC00, v22;
	v24 =	vld.idx.msk [tilespmem:v3+s20+$0x0], $0xffff  }
0x43e: {  	v16 =	vand.u32 $0x7F, v16;
	v17 =	vand.u32 $0x7F, v17;
	v18 =	vand.u32 $0xFFFFFC00, v18;
	v5 =	vld.idx.msk [tilespmem:v5+s20+$0x0], $0xffff  }
0x43f: {  	v25 =	vor.u32 v11, v10;
	v10 =	vor.u32 $0x80, v3;
	v23 =	vor.u32 v23, v18;
	v4 =	vld.idx.msk [tilespmem:v4+s20+$0x0], $0xffff;
	[tilespmem:s0+$0x150] =	vst v8  }
0x440: {  	v26 =	vor.u32 v14, v12;
	v27 =	vor.u32 v13, v19;
	v28 =	vor.u32 v15, v20;
	[tilespmem:s0+$0x160] =	vst v9  }
0x441: {  	v21 =	vor.u32 v16, v21;
	v22 =	vor.u32 v17, v22;
	v8 =	vor.u32 $0x80, v23;
	[tilespmem:s0+$0x180] =	vst v7;
	v2 =	vld.idx.msk [tilespmem:v2+s20+$0x0], $0xffff  }
0x442: {  	v29 =	vor.u32 $0x80, v27;
	v9 =	vor.u32 $0x80, v26;
	v7 =	vor.u32 $0x80, v25;
	s0 =	sadd.s32 $0x400, s0;
	[tilespmem:s1+$0x190] =	vst v6;
	v1 =	vld.idx.msk [tilespmem:v1+s20+$0x0], $0xffff  }
0x443: {  	v30 =	vor.u32 $0x80, v28;
	v31 =	vor.u32 $0x80, v21;
	v32 =	vor.u32 $0x80, v22;
	[tilespmem:s0+$0xFFFFFE70] =	vst v24;
	v0 =	vld.idx.msk [tilespmem:v0+s20+$0x0], $0xffff  }
0x444: {  	v33 =	vor.u32 $0x100, v25;
	v34 =	vor.u32 $0x100, v26;
	v24 =	vor.u32 $0x100, v23;
	v6 =	vld.idx.msk [tilespmem:v10+s20+$0x0], $0xffff;
	[tilespmem:s1+$0x1A0] =	vst v5  }
0x445: {  	v35 =	vor.u32 $0x100, v27;
	v36 =	vor.u32 $0x100, v28;
	v37 =	vor.u32 $0x100, v21;
	v5 =	vld.idx.msk [tilespmem:v23+s20+$0x0], $0xffff;
	[tilespmem:s1+$0x1B0] =	vst v4  }
0x446: {  	v39 =	vor.u32 $0x100, v22;
	v38 =	vor.u32 $0x180, v23;
	v10 =	vor.u32 $0x100, v3;
	v4 =	vld.idx.msk [tilespmem:v25+s20+$0x0], $0xffff  }
0x447: {  	v40 =	vor.u32 $0x180, v25;
	v41 =	vor.u32 $0x180, v26;
	v42 =	vor.u32 $0x180, v27;
	v11 =	vld.idx.msk [tilespmem:v26+s20+$0x0], $0xffff;
	[tilespmem:s1+$0x1C0] =	vst v2  }
0x448: {  	v43 =	vor.u32 $0x180, v28;
	v44 =	vor.u32 $0x180, v21;
	v45 =	vor.u32 $0x180, v22;
	v2 =	vld.idx.msk [tilespmem:v27+s20+$0x0], $0xffff;
	[tilespmem:s1+$0x1D0] =	vst v1  }
0x449: {  	v47 =	vor.u32 $0x200, v25;
	v48 =	vor.u32 $0x200, v26;
	v46 =	vor.u32 $0x200, v23;
	v1 =	vld.idx.msk [tilespmem:v28+s20+$0x0], $0xffff;
	[tilespmem:s1+$0x1E0] =	vst v0;
	s1 =	smov.u32 s0  }
0x44a: {  	v49 =	vor.u32 $0x200, v27;
	v50 =	vor.u32 $0x200, v28;
	v51 =	vor.u32 $0x200, v21;
	v0 =	vld.idx.msk [tilespmem:v21+s20+$0x0], $0xffff;
	[tilespmem:s0+$0xFFFFFEF0] =	vst v6  }
0x44b: {  	v18 =	vor.u32 $0x280, v25;
	v53 =	vor.u32 $0x200, v22;
	v52 =	vor.u32 $0x280, v23;
	[tilespmem:s0+$0xFFFFFE00] =	vst v5;
	v54 =	vld.idx.msk [tilespmem:v10+s20+$0x0], $0xffff  }
0x44c: {  	v20 =	vor.u32 $0x280, v26;
	v19 =	vor.u32 $0x280, v27;
	v15 =	vor.u32 $0x280, v28;
	[tilespmem:s0+$0xFFFFFE10] =	vst v4;
	v55 =	vld.idx.msk [tilespmem:v22+s20+$0x0], $0xffff  }
0x44d: {  	v57 =	vor.u32 $0x180, v3;
	v17 =	vor.u32 $0x280, v21;
	v16 =	vor.u32 $0x280, v22;
	v56 =	vld.idx.msk [tilespmem:v8+s20+$0x0], $0xffff;
	[tilespmem:s0+$0xFFFFFE20] =	vst v11  }
0x44e: {  	v13 =	vor.u32 $0x300, v25;
	v14 =	vor.u32 $0x300, v23;
	v10 =	vor.u32 $0x300, v26;
	v58 =	vld.idx.msk [tilespmem:v7+s20+$0x0], $0xffff;
	[tilespmem:s0+$0xFFFFFE30] =	vst v2  }
0x44f: {  	v12 =	vor.u32 $0x300, v27;
	v11 =	vor.u32 $0x300, v28;
	v8 =	vor.u32 $0x300, v21;
	v59 =	vld.idx.msk [tilespmem:v9+s20+$0x0], $0xffff;
	[tilespmem:s0+$0xFFFFFE40] =	vst v1  }
0x450: {  	v6 =	vor.u32 $0x380, v25;
	v7 =	vor.u32 $0x380, v23;
	v9 =	vor.u32 $0x300, v22;
	v23 =	vld.idx.msk [tilespmem:v29+s20+$0x0], $0xffff;
	[tilespmem:s0+$0xFFFFFE50] =	vst v0  }
0x451: {  	v5 =	vor.u32 $0x380, v26;
	v4 =	vor.u32 $0x380, v27;
	v2 =	vor.u32 $0x380, v28;
	v25 =	vld.idx.msk [tilespmem:v30+s20+$0x0], $0xffff;
	[tilespmem:s0+$0xFFFFFF70] =	vst v54  }
0x452: {  	v1 =	vor.u32 $0x380, v21;
	v0 =	vor.u32 $0x380, v22;
	[tilespmem:s0+$0xFFFFFE60] =	vst v55;
	v21 =	vld.idx.msk [tilespmem:v57+s20+$0x0], $0xffff  }
0x453: {  	[tilespmem:s0+$0xFFFFFE80] =	vst v56;
	v22 =	vld.idx.msk [tilespmem:v31+s20+$0x0], $0xffff  }
0x454: {  	v27 =	vor.u32 $0x200, v3;
	[tilespmem:s0+$0xFFFFFE90] =	vst v58;
	v26 =	vld.idx.msk [tilespmem:v32+s20+$0x0], $0xffff  }
0x455: {  	v24 =	vld.idx.msk [tilespmem:v24+s20+$0x0], $0xffff;
	[tilespmem:s0+$0xFFFFFEA0] =	vst v59  }
0x456: {  	v28 =	vld.idx.msk [tilespmem:v33+s20+$0x0], $0xffff;
	[tilespmem:s0+$0xFFFFFEB0] =	vst v23  }
0x457: {  	v23 =	vld.idx.msk [tilespmem:v34+s20+$0x0], $0xffff;
	[tilespmem:s0+$0xFFFFFEC0] =	vst v25  }
0x458: {  	v25 =	vld.idx.msk [tilespmem:v35+s20+$0x0], $0xffff;
	[tilespmem:s0+$0xFFFFFFF0] =	vst v21  }
0x459: {  	[tilespmem:s0+$0xFFFFFED0] =	vst v22;
	v21 =	vld.idx.msk [tilespmem:v27+s20+$0x0], $0xffff  }
0x45a: {  	v22 =	vld.idx.msk [tilespmem:v36+s20+$0x0], $0xffff;
	[tilespmem:s0+$0xFFFFFEE0] =	vst v26  }
0x45b: {  	v26 =	vor.u32 $0x280, v3;
	[tilespmem:s0+$0xFFFFFF00] =	vst v24;
	v24 =	vld.idx.msk [tilespmem:v37+s20+$0x0], $0xffff  }
0x45c: {  	[tilespmem:s0+$0xFFFFFF10] =	vst v28;
	v27 =	vld.idx.msk [tilespmem:v39+s20+$0x0], $0xffff  }
0x45d: {  	v28 =	vld.idx.msk [tilespmem:v38+s20+$0x0], $0xffff;
	[tilespmem:s0+$0xFFFFFF20] =	vst v23  }
0x45e: {  	v23 =	vld.idx.msk [tilespmem:v40+s20+$0x0], $0xffff;
	[tilespmem:s0+$0xFFFFFF30] =	vst v25  }
0x45f: {  	v25 =	vld.idx.msk [tilespmem:v41+s20+$0x0], $0xffff;
	[tilespmem:s0+$0x70] =	vst v21  }
0x460: {  	[tilespmem:s0+$0xFFFFFF40] =	vst v22;
	v21 =	vld.idx.msk [tilespmem:v26+s20+$0x0], $0xffff  }
0x461: {  	v22 =	vld.idx.msk [tilespmem:v42+s20+$0x0], $0xffff;
	[tilespmem:s0+$0xFFFFFF50] =	vst v24  }
0x462: {  	v26 =	vor.u32 $0x300, v3;
	v24 =	vld.idx.msk [tilespmem:v43+s20+$0x0], $0xffff;
	[tilespmem:s0+$0xFFFFFF60] =	vst v27  }
0x463: {  	[tilespmem:s0+$0xFFFFFF80] =	vst v28;
	v27 =	vld.idx.msk [tilespmem:v44+s20+$0x0], $0xffff  }
0x464: {  	[tilespmem:s0+$0xFFFFFF90] =	vst v23;
	v23 =	vld.idx.msk [tilespmem:v45+s20+$0x0], $0xffff  }
0x465: {  	v28 =	vld.idx.msk [tilespmem:v46+s20+$0x0], $0xffff;
	[tilespmem:s0+$0xFFFFFFA0] =	vst v25  }
0x466: {  	v25 =	vld.idx.msk [tilespmem:v47+s20+$0x0], $0xffff;
	[tilespmem:s0+$0xF0] =	vst v21  }
0x467: {  	[tilespmem:s0+$0xFFFFFFB0] =	vst v22;
	v21 =	vld.idx.msk [tilespmem:v26+s20+$0x0], $0xffff  }
0x468: {  	v22 =	vld.idx.msk [tilespmem:v48+s20+$0x0], $0xffff;
	[tilespmem:s0+$0xFFFFFFC0] =	vst v24  }
0x469: {  	v3 =	vor.u32 $0x380, v3;
	v24 =	vld.idx.msk [tilespmem:v49+s20+$0x0], $0xffff;
	[tilespmem:s0+$0xFFFFFFD0] =	vst v27  }
0x46a: {  	v26 =	vld.idx.msk [tilespmem:v50+s20+$0x0], $0xffff;
	[tilespmem:s0+$0xFFFFFFE0] =	vst v23  }
0x46b: {  	[tilespmem:s0+$0x0] =	vst v28;
	v23 =	vld.idx.msk [tilespmem:v51+s20+$0x0], $0xffff  }
0x46c: {  	[tilespmem:s0+$0x10] =	vst v25;
	v25 =	vld.idx.msk [tilespmem:v53+s20+$0x0], $0xffff  }
0x46d: {  	v27 =	vld.idx.msk [tilespmem:v52+s20+$0x0], $0xffff;
	[tilespmem:s0+$0x170] =	vst v21  }
0x46e: {  	[tilespmem:s0+$0x20] =	vst v22;
	v3 =	vld.idx.msk [tilespmem:v3+s20+$0x0], $0xffff  }
0x46f: {  	v18 =	vld.idx.msk [tilespmem:v18+s20+$0x0], $0xffff;
	[tilespmem:s0+$0x30] =	vst v24  }
0x470: {  	v20 =	vld.idx.msk [tilespmem:v20+s20+$0x0], $0xffff;
	[tilespmem:s0+$0x40] =	vst v26  }
0x471: {  	v19 =	vld.idx.msk [tilespmem:v19+s20+$0x0], $0xffff;
	[tilespmem:s0+$0x50] =	vst v23  }
0x472: {  	v21 =	vld.idx.msk [tilespmem:v15+s20+$0x0], $0xffff;
	[tilespmem:s0+$0x60] =	vst v25  }
0x473: {  	[tilespmem:s0+$0x80] =	vst v27;
	v17 =	vld.idx.msk [tilespmem:v17+s20+$0x0], $0xffff  }
0x474: {  	v15 =	vld.idx.msk [tilespmem:v16+s20+$0x0], $0xffff;
	[tilespmem:s0+$0x1F0] =	vst v3  }
.Ltmp6:
0x475: {  	v14 =	vld.idx.msk [tilespmem:v14+s20+$0x0], $0xffff;
	[tilespmem:s0+$0x90] =	vst v18;
	(pc) =	sbr.rel @p0 .LBB2_15-.Ltmp6, $4  }
0x476: {  	v13 =	vld.idx.msk [tilespmem:v13+s20+$0x0], $0xffff;
	[tilespmem:s0+$0xA0] =	vst v20  }
0x477: {  	v16 =	vld.idx.msk [tilespmem:v10+s20+$0x0], $0xffff;
	[tilespmem:s0+$0xB0] =	vst v19  }
0x478: {  	v3 =	vld.idx.msk [tilespmem:v12+s20+$0x0], $0xffff;
	[tilespmem:s0+$0xC0] =	vst v21  }
0x479: {  	s8 =	sadd.s32 $0x80, s8;
	v10 =	vld.idx.msk [tilespmem:v11+s20+$0x0], $0xffff;
	[tilespmem:s0+$0xD0] =	vst v17  }
0x47a: {  	_ =	sdelay $0x2  }
0x47b: {  	[tilespmem:s0+$0xE0] =	vst v15  }
0x47c: {  	[tilespmem:s0+$0x100] =	vst v14;
	v8 =	vld.idx.msk [tilespmem:v8+s20+$0x0], $0xffff  }
0x47d: {  	[tilespmem:s0+$0x110] =	vst v13;
	v9 =	vld.idx.msk [tilespmem:v9+s20+$0x0], $0xffff  }
0x47e: {  	v7 =	vld.idx.msk [tilespmem:v7+s20+$0x0], $0xffff;
	[tilespmem:s0+$0x120] =	vst v16  }
0x47f: {  	[tilespmem:s0+$0x130] =	vst v3;
	v3 =	vld.idx.msk [tilespmem:v6+s20+$0x0], $0xffff  }
0x480: {  	v5 =	vld.idx.msk [tilespmem:v5+s20+$0x0], $0xffff;
	[tilespmem:s0+$0x140] =	vst v10  }
0x481: {  	v4 =	vld.idx.msk [tilespmem:v4+s20+$0x0], $0xffff;
	[tilespmem:s0+$0x150] =	vst v8  }
0x482: {  	v2 =	vld.idx.msk [tilespmem:v2+s20+$0x0], $0xffff;
	[tilespmem:s0+$0x160] =	vst v9  }
0x483: {  	[tilespmem:s0+$0x180] =	vst v7;
	v1 =	vld.idx.msk [tilespmem:v1+s20+$0x0], $0xffff  }
0x484: {  	v0 =	vld.idx.msk [tilespmem:v0+s20+$0x0], $0xffff;
	[tilespmem:s1+$0x190] =	vst v3  }
0x485: {  	[tilespmem:s1+$0x1A0] =	vst v5  }
0x486: {  	[tilespmem:s1+$0x1B0] =	vst v4  }
0x487: {  	[tilespmem:s1+$0x1C0] =	vst v2  }
0x488: {  	[tilespmem:s1+$0x1D0] =	vst v1  }
0x489: {  	s11 =	sadd.s32 s4, s30;
	[tilespmem:s1+$0x1E0] =	vst v0  }
0x48a: {  	[hbm4b:s11+s5] =	stream.linear.scatter [tilespmem:s22], [sflag:$0x3], $0x4000, $0x38;
	[tilespmem:$0x19000] =	vst v63  }
0x48b: {  	_ =	swait.ge [sflag:s26], $0x4000  }
0x48c: {  	[sflag:s26] =	ssyncset.done $0x0  }
0x48d: {  	s31 =	simm.s32 $0x870;
	[sflag:s26] =	ssyncadd.s32 $0xFFFFC000  }
0x48e: {  	v0 =	vld [tilespmem:s31+$0x0];
	_ =	sdelay $0x3  }
0x48f: {  	v1 =	vld [tilespmem:s31+$0xFFFFFFA0]  }
0x490: {  	v2 =	vshll.u32 v0, $0x3  }
0x491: {  	v3 =	vld [tilespmem:s31+$0xFFFFFFB0];
	v0 =	vand.u32 $0x7F, v0;
	v2 =	vand.u32 $0xFFFFFC00, v2  }
0x492: {  	v5 =	vld [tilespmem:s31+$0xFFFFFF90];
	v4 =	vor.u32 v0, v2;
	_ =	sdelay $0x1  }
0x493: {  	v2 =	vld [tilespmem:s31+$0xFFFFFFC0];
	v0 =	vshll.u32 v1, $0x3  }
0x494: {  	v7 =	vld [tilespmem:s31+$0xFFFFFFE0];
	v1 =	vand.u32 $0x7F, v1;
	v8 =	vand.u32 $0xFFFFFC00, v0  }
0x495: {  	v6 =	vld [tilespmem:s31+$0xFFFFFFD0];
	v0 =	vshll.u32 v3, $0x3;
	v1 =	vor.u32 v1, v8  }
0x496: {  	v11 =	vor.u32 $0x80, v4;
	v9 =	vand.u32 $0xFFFFFC00, v0;
	v0 =	vshll.u32 v5, $0x3;
	v10 =	vld.idx.msk [tilespmem:v4+s20+$0x0], $0xffff  }
0x497: {  	v12 =	vld [tilespmem:s31+$0xFFFFFFF0];
	v3 =	vand.u32 $0x7F, v3;
	v5 =	vand.u32 $0x7F, v5;
	v0 =	vand.u32 $0xFFFFFC00, v0  }
0x498: {  	v0 =	vor.u32 v5, v0;
	v13 =	vshll.u32 v2, $0x3;
	v8 =	vand.u32 $0x7F, v2  }
0x499: {  	v2 =	vor.u32 v3, v9;
	v9 =	vshll.u32 v7, $0x3;
	v5 =	vand.u32 $0xFFFFFC00, v13  }
0x49a: {  	s0 =	simm.s32 $0x15200;
	v13 =	vshll.u32 v6, $0x3;
	v3 =	vor.u32 v8, v5;
	v5 =	vand.u32 $0xFFFFFC00, v9;
	v9 =	vld.idx.msk [tilespmem:v1+s20+$0x0], $0xffff  }
0x49b: {  	v15 =	vor.u32 $0x80, v1;
	v6 =	vand.u32 $0x7F, v6;
	v13 =	vand.u32 $0xFFFFFC00, v13;
	[tilespmem:s0+$0xFFFFFE70] =	vst v10  }
0x49c: {  	v7 =	vand.u32 $0x7F, v7;
	v8 =	vshll.u32 v12, $0x3;
	v10 =	vor.u32 v6, v13;
	v6 =	vld.idx.msk [tilespmem:v11+s20+$0x0], $0xffff  }
0x49d: {  	v11 =	vor.u32 v7, v5;
	v5 =	vld.idx.msk [tilespmem:v0+s20+$0x0], $0xffff;
	v7 =	vand.u32 $0xFFFFFC00, v8;
	v8 =	vand.u32 $0x7F, v12  }
0x49e: {  	v13 =	vor.u32 $0x100, v4;
	v12 =	vor.u32 v8, v7;
	v7 =	vld.idx.msk [tilespmem:v2+s20+$0x0], $0xffff  }
0x49f: {  	v8 =	vor.u32 $0x80, v0;
	v14 =	vld.idx.msk [tilespmem:v3+s20+$0x0], $0xffff;
	[tilespmem:s0+$0xFFFFFE10] =	vst v9  }
0x4a0: {  	v15 =	vld.idx.msk [tilespmem:v15+s20+$0x0], $0xffff  }
0x4a1: {  	v17 =	vor.u32 $0x80, v2;
	v16 =	vld.idx.msk [tilespmem:v10+s20+$0x0], $0xffff  }
0x4a2: {  	v18 =	vld.idx.msk [tilespmem:v11+s20+$0x0], $0xffff;
	[tilespmem:s0+$0xFFFFFEF0] =	vst v6;
	v6 =	vor.u32 $0x80, v3  }
0x4a3: {  	[tilespmem:s0+$0xFFFFFE00] =	vst v5;
	v5 =	vld.idx.msk [tilespmem:v13+s20+$0x0], $0xffff;
	v13 =	vor.u32 $0x80, v10  }
0x4a4: {  	v19 =	vor.u32 $0x80, v11;
	v8 =	vld.idx.msk [tilespmem:v8+s20+$0x0], $0xffff;
	[tilespmem:s0+$0xFFFFFE20] =	vst v7  }
0x4a5: {  	v9 =	vld.idx.msk [tilespmem:v12+s20+$0x0], $0xffff;
	v7 =	vor.u32 $0x180, v4;
	[tilespmem:s0+$0xFFFFFE30] =	vst v14  }
0x4a6: {  	v14 =	vor.u32 $0x80, v12;
	v17 =	vld.idx.msk [tilespmem:v17+s20+$0x0], $0xffff;
	[tilespmem:s0+$0xFFFFFE40] =	vst v16  }
0x4a7: {  	v16 =	vor.u32 $0x100, v0;
	v6 =	vld.idx.msk [tilespmem:v6+s20+$0x0], $0xffff;
	[tilespmem:s0+$0xFFFFFE50] =	vst v18  }
0x4a8: {  	v18 =	vor.u32 $0x100, v1;
	v13 =	vld.idx.msk [tilespmem:v13+s20+$0x0], $0xffff;
	[tilespmem:s0+$0xFFFFFF70] =	vst v5  }
0x4a9: {  	v5 =	vor.u32 $0x100, v2;
	[tilespmem:s0+$0xFFFFFE80] =	vst v8;
	v8 =	vld.idx.msk [tilespmem:v19+s20+$0x0], $0xffff  }
0x4aa: {  	[tilespmem:s0+$0xFFFFFE60] =	vst v9;
	v9 =	vor.u32 $0x100, v3;
	v7 =	vld.idx.msk [tilespmem:v7+s20+$0x0], $0xffff  }
0x4ab: {  	[tilespmem:s0+$0xFFFFFE90] =	vst v15;
	v19 =	vor.u32 $0x100, v10;
	v14 =	vld.idx.msk [tilespmem:v14+s20+$0x0], $0xffff  }
0x4ac: {  	[tilespmem:s0+$0xFFFFFEA0] =	vst v17;
	v17 =	vor.u32 $0x100, v11;
	v16 =	vld.idx.msk [tilespmem:v16+s20+$0x0], $0xffff  }
0x4ad: {  	v15 =	vor.u32 $0x200, v4;
	v18 =	vld.idx.msk [tilespmem:v18+s20+$0x0], $0xffff;
	[tilespmem:s0+$0xFFFFFEB0] =	vst v6  }
0x4ae: {  	v6 =	vor.u32 $0x100, v12;
	v5 =	vld.idx.msk [tilespmem:v5+s20+$0x0], $0xffff;
	[tilespmem:s0+$0xFFFFFEC0] =	vst v13  }
0x4af: {  	v13 =	vor.u32 $0x180, v0;
	v9 =	vld.idx.msk [tilespmem:v9+s20+$0x0], $0xffff;
	[tilespmem:s0+$0xFFFFFED0] =	vst v8  }
0x4b0: {  	[tilespmem:s0+$0xFFFFFFF0] =	vst v7;
	v7 =	vor.u32 $0x180, v1;
	v19 =	vld.idx.msk [tilespmem:v19+s20+$0x0], $0xffff  }
0x4b1: {  	[tilespmem:s0+$0xFFFFFEE0] =	vst v14;
	v14 =	vld.idx.msk [tilespmem:v17+s20+$0x0], $0xffff;
	v17 =	vor.u32 $0x180, v3  }
0x4b2: {  	v8 =	vld.idx.msk [tilespmem:v15+s20+$0x0], $0xffff;
	v15 =	vor.u32 $0x180, v2;
	[tilespmem:s0+$0xFFFFFF00] =	vst v16  }
0x4b3: {  	v16 =	vor.u32 $0x280, v4;
	[tilespmem:s0+$0xFFFFFF10] =	vst v18;
	v6 =	vld.idx.msk [tilespmem:v6+s20+$0x0], $0xffff  }
0x4b4: {  	v18 =	vor.u32 $0x180, v10;
	v13 =	vld.idx.msk [tilespmem:v13+s20+$0x0], $0xffff;
	[tilespmem:s0+$0xFFFFFF20] =	vst v5  }
0x4b5: {  	v5 =	vor.u32 $0x180, v11;
	[tilespmem:s0+$0xFFFFFF30] =	vst v9;
	v7 =	vld.idx.msk [tilespmem:v7+s20+$0x0], $0xffff  }
0x4b6: {  	v9 =	vor.u32 $0x180, v12;
	[tilespmem:s0+$0xFFFFFF40] =	vst v19;
	v17 =	vld.idx.msk [tilespmem:v17+s20+$0x0], $0xffff  }
0x4b7: {  	v15 =	vld.idx.msk [tilespmem:v15+s20+$0x0], $0xffff;
	[tilespmem:s0+$0x70] =	vst v8;
	v8 =	vor.u32 $0x200, v0  }
0x4b8: {  	v19 =	vor.u32 $0x200, v1;
	[tilespmem:s0+$0xFFFFFF50] =	vst v14;
	v16 =	vld.idx.msk [tilespmem:v16+s20+$0x0], $0xffff  }
0x4b9: {  	v14 =	vld.idx.msk [tilespmem:v18+s20+$0x0], $0xffff;
	[tilespmem:s0+$0xFFFFFF60] =	vst v6;
	v6 =	vor.u32 $0x300, v4  }
0x4ba: {  	v18 =	vor.u32 $0x200, v2;
	[tilespmem:s0+$0xFFFFFF80] =	vst v13;
	v5 =	vld.idx.msk [tilespmem:v5+s20+$0x0], $0xffff  }
0x4bb: {  	v13 =	vor.u32 $0x200, v3;
	[tilespmem:s0+$0xFFFFFF90] =	vst v7;
	v7 =	vld.idx.msk [tilespmem:v9+s20+$0x0], $0xffff  }
0x4bc: {  	v9 =	vor.u32 $0x200, v10;
	v8 =	vld.idx.msk [tilespmem:v8+s20+$0x0], $0xffff;
	[tilespmem:s0+$0xFFFFFFA0] =	vst v15  }
0x4bd: {  	v15 =	vor.u32 $0x200, v11;
	v19 =	vld.idx.msk [tilespmem:v19+s20+$0x0], $0xffff;
	[tilespmem:s0+$0xF0] =	vst v16  }
0x4be: {  	[tilespmem:s0+$0xFFFFFFB0] =	vst v17;
	v16 =	vor.u32 $0x200, v12;
	v6 =	vld.idx.msk [tilespmem:v6+s20+$0x0], $0xffff  }
0x4bf: {  	v17 =	vor.u32 $0x280, v0;
	v18 =	vld.idx.msk [tilespmem:v18+s20+$0x0], $0xffff;
	[tilespmem:s0+$0xFFFFFFC0] =	vst v14  }
0x4c0: {  	v4 =	vor.u32 $0x380, v4;
	v13 =	vld.idx.msk [tilespmem:v13+s20+$0x0], $0xffff;
	[tilespmem:s0+$0xFFFFFFD0] =	vst v5  }
0x4c1: {  	v5 =	vor.u32 $0x280, v1;
	v9 =	vld.idx.msk [tilespmem:v9+s20+$0x0], $0xffff;
	[tilespmem:s0+$0xFFFFFFE0] =	vst v7  }
0x4c2: {  	v7 =	vor.u32 $0x280, v2;
	[tilespmem:s0+$0x0] =	vst v8;
	v8 =	vld.idx.msk [tilespmem:v15+s20+$0x0], $0xffff  }
0x4c3: {  	v14 =	vor.u32 $0x280, v3;
	[tilespmem:s0+$0x10] =	vst v19;
	v15 =	vld.idx.msk [tilespmem:v16+s20+$0x0], $0xffff  }
0x4c4: {  	v16 =	vor.u32 $0x280, v10;
	v17 =	vld.idx.msk [tilespmem:v17+s20+$0x0], $0xffff;
	[tilespmem:s0+$0x170] =	vst v6  }
0x4c5: {  	v6 =	vor.u32 $0x280, v11;
	[tilespmem:s0+$0x20] =	vst v18;
	v4 =	vld.idx.msk [tilespmem:v4+s20+$0x0], $0xffff  }
0x4c6: {  	v18 =	vor.u32 $0x280, v12;
	v5 =	vld.idx.msk [tilespmem:v5+s20+$0x0], $0xffff;
	[tilespmem:s0+$0x30] =	vst v13  }
0x4c7: {  	v13 =	vor.u32 $0x300, v0;
	v7 =	vld.idx.msk [tilespmem:v7+s20+$0x0], $0xffff;
	[tilespmem:s0+$0x40] =	vst v9  }
0x4c8: {  	v9 =	vor.u32 $0x300, v1;
	v19 =	vld.idx.msk [tilespmem:v14+s20+$0x0], $0xffff;
	[tilespmem:s0+$0x50] =	vst v8  }
0x4c9: {  	v20 =	vor.u32 $0x300, v2;
	v21 =	vld.idx.msk [tilespmem:v16+s20+$0x0], $0xffff;
	[tilespmem:s0+$0x60] =	vst v15  }
0x4ca: {  	v22 =	vor.u32 $0x300, v3;
	[tilespmem:s0+$0x80] =	vst v17;
	v17 =	vld.idx.msk [tilespmem:v6+s20+$0x0], $0xffff  }
0x4cb: {  	v23 =	vor.u32 $0x300, v10;
	v15 =	vld.idx.msk [tilespmem:v18+s20+$0x0], $0xffff;
	[tilespmem:s0+$0x1F0] =	vst v4  }
0x4cc: {  	v14 =	vld.idx.msk [tilespmem:v13+s20+$0x0], $0xffff;
	[tilespmem:s0+$0x90] =	vst v5  }
0x4cd: {  	v13 =	vld.idx.msk [tilespmem:v9+s20+$0x0], $0xffff;
	[tilespmem:s0+$0xA0] =	vst v7  }
0x4ce: {  	v8 =	vor.u32 $0x300, v11;
	v6 =	vor.u32 $0x380, v1;
	v1 =	vor.u32 $0x380, v11;
	[tilespmem:s0+$0xB0] =	vst v19;
	v16 =	vld.idx.msk [tilespmem:v20+s20+$0x0], $0xffff  }
0x4cf: {  	v5 =	vor.u32 $0x380, v2;
	v4 =	vor.u32 $0x380, v3;
	v2 =	vor.u32 $0x380, v10;
	v3 =	vld.idx.msk [tilespmem:v22+s20+$0x0], $0xffff;
	[tilespmem:s0+$0xC0] =	vst v21  }
0x4d0: {  	s3 =	simm.s32 $0x0;
	s8 =	simm.s32 $0x8F0;
	s1 =	simm.s32 $0x15200;
	v7 =	vor.u32 $0x380, v0;
	v9 =	vor.u32 $0x300, v12;
	v0 =	vor.u32 $0x380, v12;
	v10 =	vld.idx.msk [tilespmem:v23+s20+$0x0], $0xffff;
	[tilespmem:s0+$0xD0] =	vst v17  }
.LBB2_17:
0x4d1: {  	v11 =	vld [tilespmem:s8+$0x0];
	s3 =	sadd.s32 $0x8, s3;
	[tilespmem:s0+$0xE0] =	vst v15  }
0x4d2: {  	v12 =	vld [tilespmem:s8+$0xFFFFFFA0];
	p0 =	slt.u32 s3, $0x78;
	[tilespmem:s0+$0x100] =	vst v14  }
0x4d3: {  	v14 =	vld [tilespmem:s8+$0xFFFFFFB0];
	[tilespmem:s0+$0x110] =	vst v13  }
0x4d4: {  	v13 =	vld [tilespmem:s8+$0xFFFFFFC0];
	[tilespmem:s0+$0x120] =	vst v16  }
0x4d5: {  	v15 =	vld [tilespmem:s8+$0xFFFFFFD0];
	[tilespmem:s0+$0x130] =	vst v3  }
0x4d6: {  	v16 =	vld [tilespmem:s8+$0xFFFFFFE0];
	v3 =	vshll.u32 v11, $0x3;
	[tilespmem:s0+$0x140] =	vst v10  }
0x4d7: {  	v11 =	vand.u32 $0x7F, v11;
	v10 =	vshll.u32 v12, $0x3;
	v17 =	vld [tilespmem:s8+$0xFFFFFFF0];
	v3 =	vand.u32 $0xFFFFFC00, v3  }
0x4d8: {  	v18 =	vld [tilespmem:s8+$0xFFFFFF90];
	v10 =	vand.u32 $0xFFFFFC00, v10;
	v19 =	vshll.u32 v14, $0x3;
	v3 =	vor.u32 v11, v3  }
0x4d9: {  	v11 =	vand.u32 $0x7F, v12;
	v12 =	vand.u32 $0xFFFFFC00, v19;
	v19 =	vshll.u32 v13, $0x3;
	v8 =	vld.idx.msk [tilespmem:v8+s20+$0x0], $0xffff  }
0x4da: {  	v14 =	vand.u32 $0x7F, v14;
	v19 =	vand.u32 $0xFFFFFC00, v19;
	v20 =	vshll.u32 v15, $0x3;
	v9 =	vld.idx.msk [tilespmem:v9+s20+$0x0], $0xffff  }
0x4db: {  	v13 =	vand.u32 $0x7F, v13;
	v20 =	vand.u32 $0xFFFFFC00, v20;
	v21 =	vshll.u32 v16, $0x3;
	v7 =	vld.idx.msk [tilespmem:v7+s20+$0x0], $0xffff  }
0x4dc: {  	v15 =	vand.u32 $0x7F, v15;
	v21 =	vand.u32 $0xFFFFFC00, v21;
	v22 =	vshll.u32 v17, $0x3;
	v6 =	vld.idx.msk [tilespmem:v6+s20+$0x0], $0xffff  }
0x4dd: {  	v23 =	vand.u32 $0x7F, v18;
	v18 =	vshll.u32 v18, $0x3;
	v22 =	vand.u32 $0xFFFFFC00, v22;
	v24 =	vld.idx.msk [tilespmem:v3+s20+$0x0], $0xffff  }
0x4de: {  	v16 =	vand.u32 $0x7F, v16;
	v17 =	vand.u32 $0x7F, v17;
	v18 =	vand.u32 $0xFFFFFC00, v18;
	v5 =	vld.idx.msk [tilespmem:v5+s20+$0x0], $0xffff  }
0x4df: {  	v25 =	vor.u32 v11, v10;
	v10 =	vor.u32 $0x80, v3;
	v23 =	vor.u32 v23, v18;
	v4 =	vld.idx.msk [tilespmem:v4+s20+$0x0], $0xffff;
	[tilespmem:s0+$0x150] =	vst v8  }
0x4e0: {  	v26 =	vor.u32 v14, v12;
	v27 =	vor.u32 v13, v19;
	v28 =	vor.u32 v15, v20;
	[tilespmem:s0+$0x160] =	vst v9  }
0x4e1: {  	v21 =	vor.u32 v16, v21;
	v22 =	vor.u32 v17, v22;
	v8 =	vor.u32 $0x80, v23;
	[tilespmem:s0+$0x180] =	vst v7;
	v2 =	vld.idx.msk [tilespmem:v2+s20+$0x0], $0xffff  }
0x4e2: {  	v29 =	vor.u32 $0x80, v27;
	v9 =	vor.u32 $0x80, v26;
	v7 =	vor.u32 $0x80, v25;
	s0 =	sadd.s32 $0x400, s0;
	[tilespmem:s1+$0x190] =	vst v6;
	v1 =	vld.idx.msk [tilespmem:v1+s20+$0x0], $0xffff  }
0x4e3: {  	v30 =	vor.u32 $0x80, v28;
	v31 =	vor.u32 $0x80, v21;
	v32 =	vor.u32 $0x80, v22;
	[tilespmem:s0+$0xFFFFFE70] =	vst v24;
	v0 =	vld.idx.msk [tilespmem:v0+s20+$0x0], $0xffff  }
0x4e4: {  	v33 =	vor.u32 $0x100, v25;
	v34 =	vor.u32 $0x100, v26;
	v24 =	vor.u32 $0x100, v23;
	v6 =	vld.idx.msk [tilespmem:v10+s20+$0x0], $0xffff;
	[tilespmem:s1+$0x1A0] =	vst v5  }
0x4e5: {  	v35 =	vor.u32 $0x100, v27;
	v36 =	vor.u32 $0x100, v28;
	v37 =	vor.u32 $0x100, v21;
	v5 =	vld.idx.msk [tilespmem:v23+s20+$0x0], $0xffff;
	[tilespmem:s1+$0x1B0] =	vst v4  }
0x4e6: {  	v39 =	vor.u32 $0x100, v22;
	v38 =	vor.u32 $0x180, v23;
	v10 =	vor.u32 $0x100, v3;
	v4 =	vld.idx.msk [tilespmem:v25+s20+$0x0], $0xffff  }
0x4e7: {  	v40 =	vor.u32 $0x180, v25;
	v41 =	vor.u32 $0x180, v26;
	v42 =	vor.u32 $0x180, v27;
	v11 =	vld.idx.msk [tilespmem:v26+s20+$0x0], $0xffff;
	[tilespmem:s1+$0x1C0] =	vst v2  }
0x4e8: {  	v43 =	vor.u32 $0x180, v28;
	v44 =	vor.u32 $0x180, v21;
	v45 =	vor.u32 $0x180, v22;
	v2 =	vld.idx.msk [tilespmem:v27+s20+$0x0], $0xffff;
	[tilespmem:s1+$0x1D0] =	vst v1  }
0x4e9: {  	v47 =	vor.u32 $0x200, v25;
	v48 =	vor.u32 $0x200, v26;
	v46 =	vor.u32 $0x200, v23;
	v1 =	vld.idx.msk [tilespmem:v28+s20+$0x0], $0xffff;
	[tilespmem:s1+$0x1E0] =	vst v0;
	s1 =	smov.u32 s0  }
0x4ea: {  	v49 =	vor.u32 $0x200, v27;
	v50 =	vor.u32 $0x200, v28;
	v51 =	vor.u32 $0x200, v21;
	v0 =	vld.idx.msk [tilespmem:v21+s20+$0x0], $0xffff;
	[tilespmem:s0+$0xFFFFFEF0] =	vst v6  }
0x4eb: {  	v18 =	vor.u32 $0x280, v25;
	v53 =	vor.u32 $0x200, v22;
	v52 =	vor.u32 $0x280, v23;
	[tilespmem:s0+$0xFFFFFE00] =	vst v5;
	v54 =	vld.idx.msk [tilespmem:v10+s20+$0x0], $0xffff  }
0x4ec: {  	v20 =	vor.u32 $0x280, v26;
	v19 =	vor.u32 $0x280, v27;
	v15 =	vor.u32 $0x280, v28;
	[tilespmem:s0+$0xFFFFFE10] =	vst v4;
	v55 =	vld.idx.msk [tilespmem:v22+s20+$0x0], $0xffff  }
0x4ed: {  	v57 =	vor.u32 $0x180, v3;
	v17 =	vor.u32 $0x280, v21;
	v16 =	vor.u32 $0x280, v22;
	v56 =	vld.idx.msk [tilespmem:v8+s20+$0x0], $0xffff;
	[tilespmem:s0+$0xFFFFFE20] =	vst v11  }
0x4ee: {  	v13 =	vor.u32 $0x300, v25;
	v14 =	vor.u32 $0x300, v23;
	v10 =	vor.u32 $0x300, v26;
	v58 =	vld.idx.msk [tilespmem:v7+s20+$0x0], $0xffff;
	[tilespmem:s0+$0xFFFFFE30] =	vst v2  }
0x4ef: {  	v12 =	vor.u32 $0x300, v27;
	v11 =	vor.u32 $0x300, v28;
	v8 =	vor.u32 $0x300, v21;
	v59 =	vld.idx.msk [tilespmem:v9+s20+$0x0], $0xffff;
	[tilespmem:s0+$0xFFFFFE40] =	vst v1  }
0x4f0: {  	v6 =	vor.u32 $0x380, v25;
	v7 =	vor.u32 $0x380, v23;
	v9 =	vor.u32 $0x300, v22;
	v23 =	vld.idx.msk [tilespmem:v29+s20+$0x0], $0xffff;
	[tilespmem:s0+$0xFFFFFE50] =	vst v0  }
0x4f1: {  	v5 =	vor.u32 $0x380, v26;
	v4 =	vor.u32 $0x380, v27;
	v2 =	vor.u32 $0x380, v28;
	v25 =	vld.idx.msk [tilespmem:v30+s20+$0x0], $0xffff;
	[tilespmem:s0+$0xFFFFFF70] =	vst v54  }
0x4f2: {  	v1 =	vor.u32 $0x380, v21;
	v0 =	vor.u32 $0x380, v22;
	[tilespmem:s0+$0xFFFFFE60] =	vst v55;
	v21 =	vld.idx.msk [tilespmem:v57+s20+$0x0], $0xffff  }
0x4f3: {  	[tilespmem:s0+$0xFFFFFE80] =	vst v56;
	v22 =	vld.idx.msk [tilespmem:v31+s20+$0x0], $0xffff  }
0x4f4: {  	v27 =	vor.u32 $0x200, v3;
	[tilespmem:s0+$0xFFFFFE90] =	vst v58;
	v26 =	vld.idx.msk [tilespmem:v32+s20+$0x0], $0xffff  }
0x4f5: {  	v24 =	vld.idx.msk [tilespmem:v24+s20+$0x0], $0xffff;
	[tilespmem:s0+$0xFFFFFEA0] =	vst v59  }
0x4f6: {  	v28 =	vld.idx.msk [tilespmem:v33+s20+$0x0], $0xffff;
	[tilespmem:s0+$0xFFFFFEB0] =	vst v23  }
0x4f7: {  	v23 =	vld.idx.msk [tilespmem:v34+s20+$0x0], $0xffff;
	[tilespmem:s0+$0xFFFFFEC0] =	vst v25  }
0x4f8: {  	v25 =	vld.idx.msk [tilespmem:v35+s20+$0x0], $0xffff;
	[tilespmem:s0+$0xFFFFFFF0] =	vst v21  }
0x4f9: {  	[tilespmem:s0+$0xFFFFFED0] =	vst v22;
	v21 =	vld.idx.msk [tilespmem:v27+s20+$0x0], $0xffff  }
0x4fa: {  	v22 =	vld.idx.msk [tilespmem:v36+s20+$0x0], $0xffff;
	[tilespmem:s0+$0xFFFFFEE0] =	vst v26  }
0x4fb: {  	v26 =	vor.u32 $0x280, v3;
	[tilespmem:s0+$0xFFFFFF00] =	vst v24;
	v24 =	vld.idx.msk [tilespmem:v37+s20+$0x0], $0xffff  }
0x4fc: {  	[tilespmem:s0+$0xFFFFFF10] =	vst v28;
	v27 =	vld.idx.msk [tilespmem:v39+s20+$0x0], $0xffff  }
0x4fd: {  	v28 =	vld.idx.msk [tilespmem:v38+s20+$0x0], $0xffff;
	[tilespmem:s0+$0xFFFFFF20] =	vst v23  }
0x4fe: {  	v23 =	vld.idx.msk [tilespmem:v40+s20+$0x0], $0xffff;
	[tilespmem:s0+$0xFFFFFF30] =	vst v25  }
0x4ff: {  	v25 =	vld.idx.msk [tilespmem:v41+s20+$0x0], $0xffff;
	[tilespmem:s0+$0x70] =	vst v21  }
0x500: {  	[tilespmem:s0+$0xFFFFFF40] =	vst v22;
	v21 =	vld.idx.msk [tilespmem:v26+s20+$0x0], $0xffff  }
0x501: {  	v22 =	vld.idx.msk [tilespmem:v42+s20+$0x0], $0xffff;
	[tilespmem:s0+$0xFFFFFF50] =	vst v24  }
0x502: {  	v26 =	vor.u32 $0x300, v3;
	v24 =	vld.idx.msk [tilespmem:v43+s20+$0x0], $0xffff;
	[tilespmem:s0+$0xFFFFFF60] =	vst v27  }
0x503: {  	[tilespmem:s0+$0xFFFFFF80] =	vst v28;
	v27 =	vld.idx.msk [tilespmem:v44+s20+$0x0], $0xffff  }
0x504: {  	[tilespmem:s0+$0xFFFFFF90] =	vst v23;
	v23 =	vld.idx.msk [tilespmem:v45+s20+$0x0], $0xffff  }
0x505: {  	v28 =	vld.idx.msk [tilespmem:v46+s20+$0x0], $0xffff;
	[tilespmem:s0+$0xFFFFFFA0] =	vst v25  }
0x506: {  	v25 =	vld.idx.msk [tilespmem:v47+s20+$0x0], $0xffff;
	[tilespmem:s0+$0xF0] =	vst v21  }
0x507: {  	[tilespmem:s0+$0xFFFFFFB0] =	vst v22;
	v21 =	vld.idx.msk [tilespmem:v26+s20+$0x0], $0xffff  }
0x508: {  	v22 =	vld.idx.msk [tilespmem:v48+s20+$0x0], $0xffff;
	[tilespmem:s0+$0xFFFFFFC0] =	vst v24  }
0x509: {  	v3 =	vor.u32 $0x380, v3;
	v24 =	vld.idx.msk [tilespmem:v49+s20+$0x0], $0xffff;
	[tilespmem:s0+$0xFFFFFFD0] =	vst v27  }
0x50a: {  	v26 =	vld.idx.msk [tilespmem:v50+s20+$0x0], $0xffff;
	[tilespmem:s0+$0xFFFFFFE0] =	vst v23  }
0x50b: {  	[tilespmem:s0+$0x0] =	vst v28;
	v23 =	vld.idx.msk [tilespmem:v51+s20+$0x0], $0xffff  }
0x50c: {  	[tilespmem:s0+$0x10] =	vst v25;
	v25 =	vld.idx.msk [tilespmem:v53+s20+$0x0], $0xffff  }
0x50d: {  	v27 =	vld.idx.msk [tilespmem:v52+s20+$0x0], $0xffff;
	[tilespmem:s0+$0x170] =	vst v21  }
0x50e: {  	[tilespmem:s0+$0x20] =	vst v22;
	v3 =	vld.idx.msk [tilespmem:v3+s20+$0x0], $0xffff  }
0x50f: {  	v18 =	vld.idx.msk [tilespmem:v18+s20+$0x0], $0xffff;
	[tilespmem:s0+$0x30] =	vst v24  }
0x510: {  	v20 =	vld.idx.msk [tilespmem:v20+s20+$0x0], $0xffff;
	[tilespmem:s0+$0x40] =	vst v26  }
0x511: {  	v19 =	vld.idx.msk [tilespmem:v19+s20+$0x0], $0xffff;
	[tilespmem:s0+$0x50] =	vst v23  }
0x512: {  	v21 =	vld.idx.msk [tilespmem:v15+s20+$0x0], $0xffff;
	[tilespmem:s0+$0x60] =	vst v25  }
0x513: {  	[tilespmem:s0+$0x80] =	vst v27;
	v17 =	vld.idx.msk [tilespmem:v17+s20+$0x0], $0xffff  }
0x514: {  	v15 =	vld.idx.msk [tilespmem:v16+s20+$0x0], $0xffff;
	[tilespmem:s0+$0x1F0] =	vst v3  }
.Ltmp7:
0x515: {  	v14 =	vld.idx.msk [tilespmem:v14+s20+$0x0], $0xffff;
	[tilespmem:s0+$0x90] =	vst v18;
	(pc) =	sbr.rel @p0 .LBB2_17-.Ltmp7, $4  }
0x516: {  	v13 =	vld.idx.msk [tilespmem:v13+s20+$0x0], $0xffff;
	[tilespmem:s0+$0xA0] =	vst v20  }
0x517: {  	v16 =	vld.idx.msk [tilespmem:v10+s20+$0x0], $0xffff;
	[tilespmem:s0+$0xB0] =	vst v19  }
0x518: {  	v3 =	vld.idx.msk [tilespmem:v12+s20+$0x0], $0xffff;
	[tilespmem:s0+$0xC0] =	vst v21  }
0x519: {  	s8 =	sadd.s32 $0x80, s8;
	v10 =	vld.idx.msk [tilespmem:v11+s20+$0x0], $0xffff;
	[tilespmem:s0+$0xD0] =	vst v17  }
0x51a: {  	_ =	sdelay $0x2  }
0x51b: {  	[tilespmem:s0+$0xE0] =	vst v15  }
0x51c: {  	[tilespmem:s0+$0x100] =	vst v14;
	v8 =	vld.idx.msk [tilespmem:v8+s20+$0x0], $0xffff  }
0x51d: {  	[tilespmem:s0+$0x110] =	vst v13;
	v9 =	vld.idx.msk [tilespmem:v9+s20+$0x0], $0xffff  }
0x51e: {  	v7 =	vld.idx.msk [tilespmem:v7+s20+$0x0], $0xffff;
	[tilespmem:s0+$0x120] =	vst v16  }
0x51f: {  	v63 =	vld.idx.msk [tilespmem:v6+s20+$0x0], $0xffff;
	[tilespmem:s0+$0x130] =	vst v3  }
0x520: {  	v5 =	vld.idx.msk [tilespmem:v5+s20+$0x0], $0xffff;
	[tilespmem:s0+$0x140] =	vst v10  }
0x521: {  	v4 =	vld.idx.msk [tilespmem:v4+s20+$0x0], $0xffff;
	[tilespmem:s0+$0x150] =	vst v8  }
0x522: {  	v2 =	vld.idx.msk [tilespmem:v2+s20+$0x0], $0xffff;
	[tilespmem:s0+$0x160] =	vst v9  }
0x523: {  	[tilespmem:s0+$0x180] =	vst v7;
	v1 =	vld.idx.msk [tilespmem:v1+s20+$0x0], $0xffff  }
0x524: {  	s29 =	sadd.s32 $0x1, s29;
	[tilespmem:s1+$0x190] =	vst v63;
	v0 =	vld.idx.msk [tilespmem:v0+s20+$0x0], $0xffff  }
0x525: {  	p0 =	sne.s32 s29, $0x10;
	[tilespmem:s1+$0x1A0] =	vst v5  }
.Ltmp8:
0x526: {  	[tilespmem:s1+$0x1B0] =	vst v4;
	(pc) =	sbr.rel @p0 .LBB2_10-.Ltmp8, $4  }
0x527: {  	[tilespmem:s1+$0x1C0] =	vst v2  }
0x528: {  	[tilespmem:s1+$0x1D0] =	vst v1  }
0x529: {  	s31 =	sadd.s32 s30, s9;
	[tilespmem:s1+$0x1E0] =	vst v0  }
0x52a: {  	[hbm4b:s31+s5] =	stream.linear.scatter [tilespmem:s23], [sflag:$0x4], $0x4000, $0x38;
	[tilespmem:$0x19000] =	vst v63  }
0x52b: {  	s28 =	sadd.s32 $0x1, s28  }
0x52c: {  	_ =	swait.ge [sflag:s25], $0x4000;
	p0 =	sne.s32 s28, s17  }
.Ltmp9:
0x52d: {  	[sflag:s25] =	ssyncset.done $0x0;
	(pc) =	sbr.rel @p0 .LBB2_1-.Ltmp9, $4  }
0x52e: {  	[sflag:s25] =	ssyncadd.s32 $0xFFFFC000  }
0x52f: {  	_ =	swait.ge [sflag:s26], $0x4000  }
0x530: {  	[sflag:s26] =	ssyncset.done $0x0  }
0x531: {  	[sflag:s26] =	ssyncadd.s32 $0xFFFFC000  }
0x532: {  	_ =	sfence.sel $0x180000  }
0x533: {  	[bflag:$0x0] =	sbarrier.arrive $0xFFFF  }
0x534: {  	_ =	strace $0x90000047  }
0x535: {  	s0 =	stileid.u32;
	[bflag:$0x2] =	sbarrier.arrive $0xFFFF  }
0x536: {  	p0 =	sne.s32 s0, $0x0;
	s0 =	rddreg [dreg:$0x3]  }
0x537: {  	s0 =	sadd.s32 @!p0 $0x100000, s0  }
0x538: {  	[sflag:s0] =	ssyncadd.tile.s32 @!p0 $0x1;
	_ =	shalt  }
.Lfunc_end2:
_tile_overlayer_lowered:
.L_overlay_start_2:
0x539: {  	(tag) =	ssettag $0x2  }
0x53a: {  	s0 =	rddreg [dreg:$0x0];
	s2 =	stileid.u32  }
0x53b: {  	s1 =	rddreg [dreg:$0x1];
	p0 =	sne.s32 s2, $0x0  }
0x53c: {  	s3 =	rddreg [dreg:$0x2];
	[bflag:$0x3] =	sbarrier.arrive $0xFFFF;
	s2 =	simm.s32 @!p0 $0x1C05  }
0x53d: {  	[timem:s3], [sflag:s2] =	dma.local @!p0 [hbm:s0], s1  }
0x53e: {  	s0 =	simm.s32 @!p0 $0x5  }
0x53f: {  	_ =	swait.ge @!p0 [sflag:s0], s1  }
0x540: {  	s1 =	ssub.s32 @!p0 $0x0, s1;
	[sflag:s0] =	ssyncset.done @!p0 $0x0  }
0x541: {  	[sflag:s0] =	ssyncadd.s32 @!p0 s1  }
0x542: {  	[bflag:$0x3] =	sbarrier.arrive $0xFFFF  }
0x543: {  	_ =	shalt  }

</sc_bundles>
